<compile_context>
chip_gen: v7x
topology: tpu7x:2x2x1
jax: 0.10.2.dev20260603
libtpu: 0.0.44.dev20260713+nightly
codegen_flags: <defaults>
</compile_context>

<pallas_src>
import functools

import jax
import jax.numpy as jnp
from jax import lax
from jax.experimental import pallas as pl
from jax.experimental.pallas import tpu as pltpu
from jax.experimental.pallas import tpu_sc as plsc

NC = 2
NS = 16
NW = NC * NS
LANES = 16

CH = 128


def _tables_body(x_ref, w1_ref, b1_ref, ga_ref, gb_ref):
    x = x_ref[...]
    d = x.shape[1]
    ga_ref[...] = jnp.dot(x, w1_ref[0:d, :], preferred_element_type=jnp.float32) + b1_ref[...]
    gb_ref[...] = jnp.dot(x, w1_ref[d : 2 * d, :], preferred_element_type=jnp.float32)


def _node_tables(embed, W1, b1):
    n, d = embed.shape
    hid = W1.shape[1]
    blk = 1000
    grid = n // blk
    return pl.pallas_call(
        _tables_body,
        grid=(grid,),
        in_specs=[
            pl.BlockSpec((blk, d), lambda i: (i, 0)),
            pl.BlockSpec((2 * d, hid), lambda i: (0, 0)),
            pl.BlockSpec((1, hid), lambda i: (0, 0)),
        ],
        out_specs=[
            pl.BlockSpec((blk, hid), lambda i: (i, 0)),
            pl.BlockSpec((blk, hid), lambda i: (i, 0)),
        ],
        out_shape=[
            jax.ShapeDtypeStruct((n, hid), jnp.float32),
            jax.ShapeDtypeStruct((n, hid), jnp.float32),
        ],
    )(embed, W1, b1.reshape(1, hid))


def _score_body(nchunks, nloop, col_hbm, row_hbm, ga_hbm, gb_hbm, w2p_hbm, em_hbm,
                colv, rowv, accA, accB, w2v, trb, emv, semA, semB):
    cid = lax.axis_index("c")
    sid = lax.axis_index("s")
    wid = sid * NC + cid

    pltpu.sync_copy(w2p_hbm, w2v)
    w2k = [w2v[pl.ds(16 * k, 16)] for k in range(4)]
    b2v = w2v[pl.ds(64, 16)]
    iota16x = lax.iota(jnp.int32, LANES) * LANES

    def chunk_body(i, _):
        c = i * NW + wid

        @pl.when(c < nchunks)
        def _():
            base = c * CH
            pltpu.sync_copy(col_hbm.at[pl.ds(base, CH)], colv)
            pltpu.sync_copy(row_hbm.at[pl.ds(base, CH)], rowv)
            cpA = pltpu.async_copy(ga_hbm.at[colv], accA, semA)
            cpB = pltpu.async_copy(gb_hbm.at[rowv], accB, semB)
            cpA.wait()
            cpB.wait()

            def group_body(g, _):
                e0 = g * LANES
                for j in range(LANES):
                    s = jnp.zeros((LANES,), jnp.float32)
                    for k in range(4):
                        z = accA[e0 + j, pl.ds(16 * k, 16)] + accB[e0 + j, pl.ds(16 * k, 16)]
                        s = s + jnp.maximum(z, 0.0) * w2k[k]
                    trb[pl.ds(j * LANES, LANES)] = s
                tot = b2v
                for cc in range(LANES):
                    tot = tot + plsc.load_gather(trb, [iota16x + cc])
                emv[pl.ds(e0, LANES)] = 1.0 / (1.0 + jnp.exp(-tot))
                return 0

            lax.fori_loop(0, CH // LANES, group_body, 0)
            pltpu.sync_copy(emv, em_hbm.at[pl.ds(base, CH)])

        return 0

    lax.fori_loop(0, nloop, chunk_body, 0)


def _edge_scores(col, row, gA, gB, w2p):
    e = col.shape[0]
    hid = gA.shape[1]
    nchunks = e // CH
    nloop = (nchunks + NW - 1) // NW
    mesh = plsc.VectorSubcoreMesh(core_axis_name="c", subcore_axis_name="s",
                                  num_cores=NC, num_subcores=NS)
    return pl.kernel(
        functools.partial(_score_body, nchunks, nloop),
        out_type=jax.ShapeDtypeStruct((e,), jnp.float32),
        mesh=mesh,
        compiler_params=pltpu.CompilerParams(needs_layout_passes=False,
                                             use_tc_tiling_on_sc=False),
        scratch_types=[
            pltpu.VMEM((CH,), jnp.int32),
            pltpu.VMEM((CH,), jnp.int32),
            pltpu.VMEM((CH, hid), jnp.float32),
            pltpu.VMEM((CH, hid), jnp.float32),
            pltpu.VMEM((80,), jnp.float32),
            pltpu.VMEM((LANES * LANES,), jnp.float32),
            pltpu.VMEM((CH,), jnp.float32),
            pltpu.SemaphoreType.DMA,
            pltpu.SemaphoreType.DMA,
        ],
    )(col, row, gA, gB, w2p)


def _thresh_body(kk_ref, em_ref, hard_ref, thr_ref):
    em = em_ref[...]
    bits = lax.bitcast_convert_type(em, jnp.int32)
    kk = kk_ref[0, 0]

    def it(_, lohi):
        lo, hi = lohi
        mid = lax.div(lo + hi, 2)
        cnt = jnp.sum((bits > mid).astype(jnp.int32))
        take_hi = cnt <= kk
        return (jnp.where(take_hi, lo, mid + 1), jnp.where(take_hi, mid, hi))

    _, hi = lax.fori_loop(0, 31, it, (jnp.int32(0), jnp.int32(0x3F800000)))
    thr = lax.bitcast_convert_type(hi, jnp.float32)
    thr_ref[0, 0] = thr
    hard_ref[...] = em > thr


def _threshold(em2d, kk):
    return pl.pallas_call(
        _thresh_body,
        in_specs=[
            pl.BlockSpec(memory_space=pltpu.SMEM),
            pl.BlockSpec(memory_space=pltpu.VMEM),
        ],
        out_specs=[
            pl.BlockSpec(memory_space=pltpu.VMEM),
            pl.BlockSpec(memory_space=pltpu.SMEM),
        ],
        out_shape=[
            jax.ShapeDtypeStruct(em2d.shape, jnp.bool_),
            jax.ShapeDtypeStruct((1, 1), jnp.float32),
        ],
    )(kk, em2d)


BAND = 16384
BAND_EPS = 8e-3


def _band_body(x_ref, w1_ref, b1_ref, w2_ref, b2_ref, o_ref):
    h = jax.nn.relu(jnp.dot(x_ref[...], w1_ref[...],
                            preferred_element_type=jnp.float32) + b1_ref[...])
    s = jnp.dot(h, w2_ref[...], preferred_element_type=jnp.float32) + b2_ref[...]
    o_ref[...] = jax.nn.sigmoid(s)


_BW = BAND // NW


def _bgather_body(cb_hbm, rb_hbm, emb_hbm, f1_hbm, f2_hbm, ib, fb, sem):
    cid = lax.axis_index("c")
    sid = lax.axis_index("s")
    wid = sid * NC + cid
    base = wid * _BW
    nch = _BW // CH

    pltpu.sync_copy(cb_hbm.at[pl.ds(wid * nch, nch)], ib)
    cps = [pltpu.async_copy(emb_hbm.at[ib.at[j]], fb.at[pl.ds(j * CH, CH)], sem)
           for j in range(nch)]
    for cp in cps:
        cp.wait()
    pltpu.sync_copy(fb, f1_hbm.at[pl.ds(base, _BW)])

    pltpu.sync_copy(rb_hbm.at[pl.ds(wid * nch, nch)], ib)
    cps = [pltpu.async_copy(emb_hbm.at[ib.at[j]], fb.at[pl.ds(j * CH, CH)], sem)
           for j in range(nch)]
    for cp in cps:
        cp.wait()
    pltpu.sync_copy(fb, f2_hbm.at[pl.ds(base, _BW)])


def _band_gather(cb_idx, rb_idx, embed):
    d = embed.shape[1]
    mesh = plsc.VectorSubcoreMesh(core_axis_name="c", subcore_axis_name="s",
                                  num_cores=NC, num_subcores=NS)
    return pl.kernel(
        _bgather_body,
        out_type=[
            jax.ShapeDtypeStruct((BAND, d), jnp.float32),
            jax.ShapeDtypeStruct((BAND, d), jnp.float32),
        ],
        mesh=mesh,
        compiler_params=pltpu.CompilerParams(needs_layout_passes=False,
                                             use_tc_tiling_on_sc=False),
        scratch_types=[
            pltpu.VMEM((_BW // CH, CH), jnp.int32),
            pltpu.VMEM((_BW, d), jnp.float32),
            pltpu.SemaphoreType.DMA,
        ],
    )(cb_idx.reshape(BAND // CH, CH), rb_idx.reshape(BAND // CH, CH), embed)


def _band_rescore(x, W1, b1, W2, b2):
    blk = 2048
    d2 = W1.shape[0]
    hid = W1.shape[1]
    out = pl.pallas_call(
        _band_body,
        grid=(BAND // blk,),
        in_specs=[
            pl.BlockSpec((blk, d2), lambda i: (i, 0)),
            pl.BlockSpec((d2, hid), lambda i: (0, 0)),
            pl.BlockSpec((1, hid), lambda i: (0, 0)),
            pl.BlockSpec((hid, 1), lambda i: (0, 0)),
            pl.BlockSpec((1, 1), lambda i: (0, 0)),
        ],
        out_specs=pl.BlockSpec((blk, 1), lambda i: (i, 0)),
        out_shape=jax.ShapeDtypeStruct((BAND, 1), jnp.float32),
    )(x, W1, b1.reshape(1, hid), W2, b2.reshape(1, 1))
    return out.reshape(-1)


def _nodesel_body(nchunks, nloop, n, col_hbm, row_hbm, em_hbm, thr_hbm, zero_hbm,
                  out_hbm, colv, rowv, emv, valv, thrv, fbuf, accsh):
    sid = lax.axis_index("s")
    cid = lax.axis_index("c")
    wid = sid + cid * 0

    pltpu.sync_copy(thr_hbm, thrv)
    tv = thrv[...]

    @pl.when(wid == 0)
    def _():
        pltpu.sync_copy(zero_hbm, accsh)

    plsc.subcore_barrier()

    def chunk_body(i, _):
        c = i * NS + wid

        @pl.when(c < nchunks)
        def _():
            base = c * CH
            pltpu.sync_copy(col_hbm.at[pl.ds(base, CH)], colv)
            pltpu.sync_copy(row_hbm.at[pl.ds(base, CH)], rowv)
            pltpu.sync_copy(em_hbm.at[pl.ds(base, CH)], emv)
            for g in range(CH // LANES):
                ev = emv[pl.ds(g * LANES, LANES)]
                valv[pl.ds(g * LANES, LANES)] = jnp.where(ev > tv, 1.0, 0.0)
            pltpu.sync_copy(valv, accsh.at[colv], add=True)
            pltpu.sync_copy(valv, accsh.at[rowv], add=True)

        return 0

    lax.fori_loop(0, nloop, chunk_body, 0)
    plsc.subcore_barrier()

    @pl.when(wid == 0)
    def _():
        pltpu.sync_copy(accsh, fbuf)

        def clamp_body(i, _):
            v = fbuf[pl.ds(i * LANES, LANES)]
            fbuf[pl.ds(i * LANES, LANES)] = jnp.where(v > 0.0, 1.0, 0.0)
            return 0

        lax.fori_loop(0, n // LANES, clamp_body, 0)
        pltpu.sync_copy(fbuf, out_hbm)


def _node_sel(col, row, em, thr16, n):
    e = col.shape[0]
    nchunks = e // CH
    nloop = (nchunks + NS - 1) // NS
    mesh = plsc.VectorSubcoreMesh(core_axis_name="c", subcore_axis_name="s",
                                  num_cores=1, num_subcores=NS)
    zeros = jnp.zeros((n,), jnp.float32)
    return pl.kernel(
        functools.partial(_nodesel_body, nchunks, nloop, n),
        out_type=jax.ShapeDtypeStruct((n,), jnp.float32),
        mesh=mesh,
        compiler_params=pltpu.CompilerParams(needs_layout_passes=False),
        scratch_types=[
            pltpu.VMEM((CH,), jnp.int32),
            pltpu.VMEM((CH,), jnp.int32),
            pltpu.VMEM((CH,), jnp.float32),
            pltpu.VMEM((CH,), jnp.float32),
            pltpu.VMEM((LANES,), jnp.float32),
            pltpu.VMEM((n,), jnp.float32),
            pltpu.VMEM_SHARED((n,), jnp.float32),
        ],
    )(col, row, em, thr16, zeros)


def kernel(embed, edge_index, W1, b1, W2, b2, top_k):
    n, d = embed.shape
    e = edge_index.shape[1]
    col = edge_index[0]
    row = edge_index[1]

    gA, gB = _node_tables(embed, W1, b1)
    w2p = jnp.concatenate([W2.reshape(-1), jnp.broadcast_to(b2.reshape(1), (16,))])
    em = _edge_scores(col, row, gA, gB, w2p)

    kk = jnp.minimum(jnp.asarray(top_k, jnp.int32), e - 1).reshape(1, 1)
    _, t0 = _threshold(em.reshape(e // CH, CH), kk)

    band = jnp.abs(em - t0.reshape(())) <= BAND_EPS
    bidx = jnp.where(band, size=BAND, fill_value=0)[0].astype(jnp.int32)
    f1, f2 = _band_gather(jnp.take(col, bidx), jnp.take(row, bidx), embed)
    em_band = _band_rescore(jnp.concatenate([f1, f2], axis=-1), W1, b1, W2, b2)
    em = em.at[bidx].set(em_band)

    hard2d, thr = _threshold(em.reshape(e // CH, CH), kk)
    hard = hard2d.reshape(e)

    thr16 = jnp.broadcast_to(thr.reshape(1), (16,))
    node_sel = _node_sel(col, row, em, thr16, n)
    return em, hard, node_sel

# --- scband reference (transcript-rebuilt; emitter-appended) ---
"""Pipeline reference for scband-pgexplainer-72155450573085 (READ-ONLY COPY).

The authoritative reference and input builder live on the scoring server;
editing this copy changes nothing except your own understanding.
"""

import jax, jax.numpy as jnp
import numpy as np

N = 10000
E = 320000
D = 128
HID = 64


def setup_inputs(seed: int = 0) -> dict:
    key = jax.random.key(seed)
    ks = jax.random.split(key, 6)
    embed = jax.random.normal(ks[0], (N, D), dtype=jnp.float32)
    edge_index = jax.random.randint(ks[1], (2, E), 0, N, dtype=jnp.int32)
    # PGExplainer explanation-network parameters: Linear(2*D, 64) -> ReLU -> Linear(64, 1)
    W1 = jax.random.normal(ks[2], (2 * D, HID), dtype=jnp.float32) * (1.0 / np.sqrt(2 * D))
    b1 = jnp.zeros((HID,), dtype=jnp.float32)
    W2 = jax.random.normal(ks[3], (HID, 1), dtype=jnp.float32) * (1.0 / np.sqrt(HID))
    b2 = jnp.zeros((1,), dtype=jnp.float32)
    top_k = 2000
    return {"embed": embed, "edge_index": edge_index, "W1": W1, "b1": b1, "W2": W2, "b2": b2, "top_k": top_k}


def reference(embed, edge_index, W1, b1, W2, b2, top_k):
    # PGExplainer edge scoring: concat src/dst node embeddings per edge (graph-level task)
    col = edge_index[0]
    row = edge_index[1]
    f1 = jnp.take(embed, col, axis=0)          # [E, D] gather
    f2 = jnp.take(embed, row, axis=0)          # [E, D] gather
    f12 = jnp.concatenate([f1, f2], axis=-1)   # [E, 2D]
    h = jax.nn.relu(f12 @ W1 + b1)
    scores = (h @ W2 + b2).reshape(-1)         # [E]
    edge_mask = jax.nn.sigmoid(scores)         # soft edge mask (eval-mode, no concrete noise)
    # calculate_selected_nodes: sort descending, threshold at top_k-th value, hard-mask
    sorted_desc = -jnp.sort(-edge_mask)
    kk = jnp.minimum(top_k, E - 1)
    threshold = sorted_desc[kk]
    hard_mask = edge_mask > threshold          # [E] bool
    # mark nodes touched by any preserved edge (scatter-max)
    hm = hard_mask.astype(jnp.float32)
    node_sel = jnp.zeros((N,), dtype=jnp.float32)
    node_sel = node_sel.at[col].max(hm)
    node_sel = node_sel.at[row].max(hm)
    return edge_mask, hard_mask, node_sel

if __name__ == "__main__":
    import jax
    _d = setup_inputs()
    print(jax.jit(kernel)(*tuple(_d.values())))

</pallas_src>

<mosaic_0001>
#map = affine_map<(d0, d1) -> (0)>
#map1 = affine_map<(d0, d1) -> (0, 0)>
module attributes {stable_mosaic.version = 14 : i64} {
  func.func @_score_body(%arg0: i32, %arg1: i32, %arg2: memref<320000xi32, #tpu.memory_space<hbm>>, %arg3: memref<320000xi32, #tpu.memory_space<hbm>>, %arg4: memref<10000x64xf32, #tpu.memory_space<hbm>>, %arg5: memref<10000x64xf32, #tpu.memory_space<hbm>>, %arg6: memref<80xf32, #tpu.memory_space<hbm>>, %arg7: memref<320000xf32, #tpu.memory_space<hbm>>, %arg8: memref<128xi32, #tpu.memory_space<vmem>>, %arg9: memref<128xi32, #tpu.memory_space<vmem>>, %arg10: memref<128x64xf32, #tpu.memory_space<vmem>>, %arg11: memref<128x64xf32, #tpu.memory_space<vmem>>, %arg12: memref<80xf32, #tpu.memory_space<vmem>>, %arg13: memref<256xf32, #tpu.memory_space<vmem>>, %arg14: memref<128xf32, #tpu.memory_space<vmem>>, %arg15: memref<!tpu.dma_semaphore, #tpu.memory_space<semaphore_mem>>, %arg16: memref<!tpu.dma_semaphore, #tpu.memory_space<semaphore_mem>>) attributes {dimension_semantics = [#tpu.dimension_semantics<core_parallel>, #tpu.dimension_semantics<subcore_parallel>], iteration_bounds = array<i64: 2, 16>, scalar_prefetch = 0 : i64, scratch_operands = 9 : i64, tpu.core_type = #tpu.core_type<sc_vector_subcore>, window_params = [{transform_indices = #map}, {transform_indices = #map}, {transform_indices = #map1}, {transform_indices = #map1}, {transform_indices = #map}, {transform_indices = #map}]} {
    %mul3A = arith.constant 2 : i32
    %mul3A_0 = arith.muli %arg1, %mul3A : i32
    %add3A = arith.addi %mul3A_0, %arg0 : i32
    "tpu.region"() ({
      %run_scoped3A = tpu.sem_alloc : memref<!tpu.dma_semaphore, #tpu.memory_space<semaphore_mem>>
      tpu.enqueue_dma source(%arg6 : memref<80xf32, #tpu.memory_space<hbm>>) target(%arg12 : memref<80xf32, #tpu.memory_space<vmem>>) target_semaphore(%run_scoped3A : memref<!tpu.dma_semaphore, #tpu.memory_space<semaphore_mem>>)
      tpu.wait_dma2 semaphore(%run_scoped3A : memref<!tpu.dma_semaphore, #tpu.memory_space<semaphore_mem>>) src(%arg6 : memref<80xf32, #tpu.memory_space<hbm>>) dst(%arg12 : memref<80xf32, #tpu.memory_space<vmem>>)
      tpu.yield
    }) : () -> ()
    %get3A = arith.constant 0 : index
    %get3A_1 = tpu.vector_load %arg12[%get3A] {strides = array<i32>} : memref<80xf32, #tpu.memory_space<vmem>>, vector<16xf32>,
    %get3A_2 = arith.constant 16 : index
    %get3A_3 = tpu.vector_load %arg12[%get3A_2] {strides = array<i32>} : memref<80xf32, #tpu.memory_space<vmem>>, vector<16xf32>,
    %get3A_4 = arith.constant 32 : index
    %get3A_5 = tpu.vector_load %arg12[%get3A_4] {strides = array<i32>} : memref<80xf32, #tpu.memory_space<vmem>>, vector<16xf32>,
    %get3A_6 = arith.constant 48 : index
    %get3A_7 = tpu.vector_load %arg12[%get3A_6] {strides = array<i32>} : memref<80xf32, #tpu.memory_space<vmem>>, vector<16xf32>,
    %get3A_8 = arith.constant 64 : index
    %get3A_9 = tpu.vector_load %arg12[%get3A_8] {strides = array<i32>} : memref<80xf32, #tpu.memory_space<vmem>>, vector<16xf32>,
    %iota3A = tpu.iota {dimensions = array<i32: 0>} : vector<16xi32>
    %mul3A_10 = arith.constant 16 : i32
    %mul3A_11 = vector.broadcast %mul3A_10 : i32 to vector<16xi32>
    %mul3A_12 = arith.muli %iota3A, %mul3A_11 : vector<16xi32>
    %scan3A = arith.constant 0 : i32
    %scan3A_13 = arith.constant 0 : i32
    %scan3A_14 = arith.constant 79 : i32
    %scan3A_15 = arith.addi %scan3A_13, %scan3A_14 : i32
    %scan3A_16 = arith.constant 1 : i32
    %scan3A_17 = scf.for %scan3A_19 = %scan3A_13 to %scan3A_15 step %scan3A_16 iter_args(%scan3A_20 = %scan3A) -> (i32)  : i32 {
      %mul3A_21 = arith.constant 32 : i32
      %mul3A_22 = arith.muli %scan3A_19, %mul3A_21 : i32
      %add3A_23 = arith.addi %mul3A_22, %add3A : i32
      %lt3A = arith.constant 2500 : i32
      %lt3A_24 = arith.cmpi slt, %add3A_23, %lt3A : i32
      %convert_element_type3A = arith.extui %lt3A_24 : i1 to i32
      %cond3A = arith.constant 0 : i32
      %cond3A_25 = arith.cmpi ne, %convert_element_type3A, %cond3A : i32
      scf.if %cond3A_25 {
        %mul3A_27 = arith.constant 128 : i32
        %mul3A_28 = arith.muli %add3A_23, %mul3A_27 : i32
        "tpu.region"() ({
          %run_scoped3A = tpu.sem_alloc : memref<!tpu.dma_semaphore, #tpu.memory_space<semaphore_mem>>
          %dma_start3A_46 = tpu.memref_slice %arg2[%mul3A_28] : memref<320000xi32, #tpu.memory_space<hbm>> -> memref<128xi32, #tpu.memory_space<hbm>>
          %dma_start3A_47 = tpu.memref_slice %arg2[%mul3A_28] : memref<320000xi32, #tpu.memory_space<hbm>> -> memref<128xi32, #tpu.memory_space<hbm>>
          tpu.enqueue_dma source(%dma_start3A_47 : memref<128xi32, #tpu.memory_space<hbm>>) target(%arg8 : memref<128xi32, #tpu.memory_space<vmem>>) target_semaphore(%run_scoped3A : memref<!tpu.dma_semaphore, #tpu.memory_space<semaphore_mem>>)
          %dma_wait3A_48 = tpu.memref_slice %arg2[%mul3A_28] : memref<320000xi32, #tpu.memory_space<hbm>> -> memref<128xi32, #tpu.memory_space<hbm>>
          %dma_wait3A_49 = tpu.memref_slice %arg2[%mul3A_28] : memref<320000xi32, #tpu.memory_space<hbm>> -> memref<128xi32, #tpu.memory_space<hbm>>
          tpu.wait_dma2 semaphore(%run_scoped3A : memref<!tpu.dma_semaphore, #tpu.memory_space<semaphore_mem>>) src(%dma_wait3A_49 : memref<128xi32, #tpu.memory_space<hbm>>) dst(%arg8 : memref<128xi32, #tpu.memory_space<vmem>>)
          tpu.yield
        }) : () -> ()
        "tpu.region"() ({
          %run_scoped3A = tpu.sem_alloc : memref<!tpu.dma_semaphore, #tpu.memory_space<semaphore_mem>>
          %dma_start3A_46 = tpu.memref_slice %arg3[%mul3A_28] : memref<320000xi32, #tpu.memory_space<hbm>> -> memref<128xi32, #tpu.memory_space<hbm>>
          %dma_start3A_47 = tpu.memref_slice %arg3[%mul3A_28] : memref<320000xi32, #tpu.memory_space<hbm>> -> memref<128xi32, #tpu.memory_space<hbm>>
          tpu.enqueue_dma source(%dma_start3A_47 : memref<128xi32, #tpu.memory_space<hbm>>) target(%arg9 : memref<128xi32, #tpu.memory_space<vmem>>) target_semaphore(%run_scoped3A : memref<!tpu.dma_semaphore, #tpu.memory_space<semaphore_mem>>)
          %dma_wait3A_48 = tpu.memref_slice %arg3[%mul3A_28] : memref<320000xi32, #tpu.memory_space<hbm>> -> memref<128xi32, #tpu.memory_space<hbm>>
          %dma_wait3A_49 = tpu.memref_slice %arg3[%mul3A_28] : memref<320000xi32, #tpu.memory_space<hbm>> -> memref<128xi32, #tpu.memory_space<hbm>>
          tpu.wait_dma2 semaphore(%run_scoped3A : memref<!tpu.dma_semaphore, #tpu.memory_space<semaphore_mem>>) src(%dma_wait3A_49 : memref<128xi32, #tpu.memory_space<hbm>>) dst(%arg9 : memref<128xi32, #tpu.memory_space<vmem>>)
          tpu.yield
        }) : () -> ()
        %dma_start3A = arith.constant 0 : i32
        %dma_start3A_29 = arith.constant 0 : i32
        %dma_start3A_30 = tpu.memref_slice %arg4[%dma_start3A, %dma_start3A_29] : memref<10000x64xf32, #tpu.memory_space<hbm>> -> memref<10000x64xf32, #tpu.memory_space<hbm>>
        tpu.enqueue_indirect_dma source(%dma_start3A_30 : memref<10000x64xf32, #tpu.memory_space<hbm>>) target(%arg10 : memref<128x64xf32, #tpu.memory_space<vmem>>) offsets(%arg8 : memref<128xi32, #tpu.memory_space<vmem>>) semaphore(%arg15 : memref<!tpu.dma_semaphore, #tpu.memory_space<semaphore_mem>>)
        %dma_start3A_31 = arith.constant 0 : i32
        %dma_start3A_32 = arith.constant 0 : i32
        %dma_start3A_33 = tpu.memref_slice %arg5[%dma_start3A_31, %dma_start3A_32] : memref<10000x64xf32, #tpu.memory_space<hbm>> -> memref<10000x64xf32, #tpu.memory_space<hbm>>
        tpu.enqueue_indirect_dma source(%dma_start3A_33 : memref<10000x64xf32, #tpu.memory_space<hbm>>) target(%arg11 : memref<128x64xf32, #tpu.memory_space<vmem>>) offsets(%arg9 : memref<128xi32, #tpu.memory_space<vmem>>) semaphore(%arg16 : memref<!tpu.dma_semaphore, #tpu.memory_space<semaphore_mem>>)
        %dma_wait3A = arith.constant 0 : i32
        %dma_wait3A_34 = arith.constant 0 : i32
        %dma_wait3A_35 = tpu.memref_slice %arg4[%dma_wait3A, %dma_wait3A_34] : memref<10000x64xf32, #tpu.memory_space<hbm>> -> memref<10000x64xf32, #tpu.memory_space<hbm>>
        tpu.wait_indirect_dma semaphore(%arg15 : memref<!tpu.dma_semaphore, #tpu.memory_space<semaphore_mem>>) src(%dma_wait3A_35 : memref<10000x64xf32, #tpu.memory_space<hbm>>) dst(%arg10 : memref<128x64xf32, #tpu.memory_space<vmem>>)
        %dma_wait3A_36 = arith.constant 0 : i32
        %dma_wait3A_37 = arith.constant 0 : i32
        %dma_wait3A_38 = tpu.memref_slice %arg5[%dma_wait3A_36, %dma_wait3A_37] : memref<10000x64xf32, #tpu.memory_space<hbm>> -> memref<10000x64xf32, #tpu.memory_space<hbm>>
        tpu.wait_indirect_dma semaphore(%arg16 : memref<!tpu.dma_semaphore, #tpu.memory_space<semaphore_mem>>) src(%dma_wait3A_38 : memref<10000x64xf32, #tpu.memory_space<hbm>>) dst(%arg11 : memref<128x64xf32, #tpu.memory_space<vmem>>)
        %scan3A_39 = arith.constant 0 : i32
        %scan3A_40 = arith.constant 0 : i32
        %scan3A_41 = arith.constant 8 : i32
        %scan3A_42 = arith.addi %scan3A_40, %scan3A_41 : i32
        %scan3A_43 = arith.constant 1 : i32
        %scan3A_44 = scf.for %scan3A_46 = %scan3A_40 to %scan3A_42 step %scan3A_43 iter_args(%scan3A_47 = %scan3A_39) -> (i32)  : i32 {
          %mul3A_48 = arith.constant 16 : i32
          %mul3A_49 = arith.muli %scan3A_46, %mul3A_48 : i32
          %broadcast_in_dim3A = arith.constant 0.000000e+00 : f32
          %broadcast_in_dim3A_50 = vector.broadcast %broadcast_in_dim3A : f32 to vector<16xf32>
          %add3A_51 = arith.constant 0 : i32
          %add3A_52 = arith.addi %mul3A_49, %add3A_51 : i32
          %get3A_53 = arith.index_cast %add3A_52 : i32 to index
          %get3A_54 = arith.constant 0 : index
          %get3A_55 = tpu.vector_load %arg10[%get3A_53, %get3A_54] {strides = array<i32>} : memref<128x64xf32, #tpu.memory_space<vmem>>, vector<16xf32>,
          %add3A_56 = arith.constant 0 : i32
          %add3A_57 = arith.addi %mul3A_49, %add3A_56 : i32
          %get3A_58 = arith.index_cast %add3A_57 : i32 to index
          %get3A_59 = arith.constant 0 : index
          %get3A_60 = tpu.vector_load %arg11[%get3A_58, %get3A_59] {strides = array<i32>} : memref<128x64xf32, #tpu.memory_space<vmem>>, vector<16xf32>,
          %add3A_61 = arith.addf %get3A_55, %get3A_60 : vector<16xf32>
          %max3A = arith.constant 0.000000e+00 : f32
          %max3A_62 = vector.broadcast %max3A : f32 to vector<16xf32>
          %max3A_63 = arith.maximumf %add3A_61, %max3A_62 : vector<16xf32>
          %mul3A_64 = arith.mulf %max3A_63, %get3A_1 : vector<16xf32>
          %add3A_65 = arith.addf %broadcast_in_dim3A_50, %mul3A_64 : vector<16xf32>
          %add3A_66 = arith.constant 0 : i32
          %add3A_67 = arith.addi %mul3A_49, %add3A_66 : i32
          %get3A_68 = arith.index_cast %add3A_67 : i32 to index
          %get3A_69 = arith.constant 16 : index
          %get3A_70 = tpu.vector_load %arg10[%get3A_68, %get3A_69] {strides = array<i32>} : memref<128x64xf32, #tpu.memory_space<vmem>>, vector<16xf32>,
          %add3A_71 = arith.constant 0 : i32
          %add3A_72 = arith.addi %mul3A_49, %add3A_71 : i32
          %get3A_73 = arith.index_cast %add3A_72 : i32 to index
          %get3A_74 = arith.constant 16 : index
          %get3A_75 = tpu.vector_load %arg11[%get3A_73, %get3A_74] {strides = array<i32>} : memref<128x64xf32, #tpu.memory_space<vmem>>, vector<16xf32>,
          %add3A_76 = arith.addf %get3A_70, %get3A_75 : vector<16xf32>
          %max3A_77 = arith.constant 0.000000e+00 : f32
          %max3A_78 = vector.broadcast %max3A_77 : f32 to vector<16xf32>
          %max3A_79 = arith.maximumf %add3A_76, %max3A_78 : vector<16xf32>
          %mul3A_80 = arith.mulf %max3A_79, %get3A_3 : vector<16xf32>
          %add3A_81 = arith.addf %add3A_65, %mul3A_80 : vector<16xf32>
          %add3A_82 = arith.constant 0 : i32
          %add3A_83 = arith.addi %mul3A_49, %add3A_82 : i32
          %get3A_84 = arith.index_cast %add3A_83 : i32 to index
          %get3A_85 = arith.constant 32 : index
          %get3A_86 = tpu.vector_load %arg10[%get3A_84, %get3A_85] {strides = array<i32>} : memref<128x64xf32, #tpu.memory_space<vmem>>, vector<16xf32>,
          %add3A_87 = arith.constant 0 : i32
          %add3A_88 = arith.addi %mul3A_49, %add3A_87 : i32
          %get3A_89 = arith.index_cast %add3A_88 : i32 to index
          %get3A_90 = arith.constant 32 : index
          %get3A_91 = tpu.vector_load %arg11[%get3A_89, %get3A_90] {strides = array<i32>} : memref<128x64xf32, #tpu.memory_space<vmem>>, vector<16xf32>,
          %add3A_92 = arith.addf %get3A_86, %get3A_91 : vector<16xf32>
          %max3A_93 = arith.constant 0.000000e+00 : f32
          %max3A_94 = vector.broadcast %max3A_93 : f32 to vector<16xf32>
          %max3A_95 = arith.maximumf %add3A_92, %max3A_94 : vector<16xf32>
          %mul3A_96 = arith.mulf %max3A_95, %get3A_5 : vector<16xf32>
          %add3A_97 = arith.addf %add3A_81, %mul3A_96 : vector<16xf32>
          %add3A_98 = arith.constant 0 : i32
          %add3A_99 = arith.addi %mul3A_49, %add3A_98 : i32
          %get3A_100 = arith.index_cast %add3A_99 : i32 to index
          %get3A_101 = arith.constant 48 : index
          %get3A_102 = tpu.vector_load %arg10[%get3A_100, %get3A_101] {strides = array<i32>} : memref<128x64xf32, #tpu.memory_space<vmem>>, vector<16xf32>,
          %add3A_103 = arith.constant 0 : i32
          %add3A_104 = arith.addi %mul3A_49, %add3A_103 : i32
          %get3A_105 = arith.index_cast %add3A_104 : i32 to index
          %get3A_106 = arith.constant 48 : index
          %get3A_107 = tpu.vector_load %arg11[%get3A_105, %get3A_106] {strides = array<i32>} : memref<128x64xf32, #tpu.memory_space<vmem>>, vector<16xf32>,
          %add3A_108 = arith.addf %get3A_102, %get3A_107 : vector<16xf32>
          %max3A_109 = arith.constant 0.000000e+00 : f32
          %max3A_110 = vector.broadcast %max3A_109 : f32 to vector<16xf32>
          %max3A_111 = arith.maximumf %add3A_108, %max3A_110 : vector<16xf32>
          %mul3A_112 = arith.mulf %max3A_111, %get3A_7 : vector<16xf32>
          %add3A_113 = arith.addf %add3A_97, %mul3A_112 : vector<16xf32>
          %swap3A = arith.constant 0 : index
          %swap3A_114 = tpu.vector_load %arg13[%swap3A] {strides = array<i32>} : memref<256xf32, #tpu.memory_space<vmem>>, vector<16xf32>,
          tpu.vector_store %arg13[%swap3A], %add3A_113 {strides = array<i32>} : memref<256xf32, #tpu.memory_space<vmem>>, vector<16xf32>,
          %broadcast_in_dim3A_115 = arith.constant 0.000000e+00 : f32
          %broadcast_in_dim3A_116 = vector.broadcast %broadcast_in_dim3A_115 : f32 to vector<16xf32>
          %add3A_117 = arith.constant 1 : i32
          %add3A_118 = arith.addi %mul3A_49, %add3A_117 : i32
          %get3A_119 = arith.index_cast %add3A_118 : i32 to index
          %get3A_120 = arith.constant 0 : index
          %get3A_121 = tpu.vector_load %arg10[%get3A_119, %get3A_120] {strides = array<i32>} : memref<128x64xf32, #tpu.memory_space<vmem>>, vector<16xf32>,
          %add3A_122 = arith.constant 1 : i32
          %add3A_123 = arith.addi %mul3A_49, %add3A_122 : i32
          %get3A_124 = arith.index_cast %add3A_123 : i32 to index
          %get3A_125 = arith.constant 0 : index
          %get3A_126 = tpu.vector_load %arg11[%get3A_124, %get3A_125] {strides = array<i32>} : memref<128x64xf32, #tpu.memory_space<vmem>>, vector<16xf32>,
          %add3A_127 = arith.addf %get3A_121, %get3A_126 : vector<16xf32>
          %max3A_128 = arith.constant 0.000000e+00 : f32
          %max3A_129 = vector.broadcast %max3A_128 : f32 to vector<16xf32>
          %max3A_130 = arith.maximumf %add3A_127, %max3A_129 : vector<16xf32>
          %mul3A_131 = arith.mulf %max3A_130, %get3A_1 : vector<16xf32>
          %add3A_132 = arith.addf %broadcast_in_dim3A_116, %mul3A_131 : vector<16xf32>
          %add3A_133 = arith.constant 1 : i32
          %add3A_134 = arith.addi %mul3A_49, %add3A_133 : i32
          %get3A_135 = arith.index_cast %add3A_134 : i32 to index
          %get3A_136 = arith.constant 16 : index
          %get3A_137 = tpu.vector_load %arg10[%get3A_135, %get3A_136] {strides = array<i32>} : memref<128x64xf32, #tpu.memory_space<vmem>>, vector<16xf32>,
          %add3A_138 = arith.constant 1 : i32
          %add3A_139 = arith.addi %mul3A_49, %add3A_138 : i32
          %get3A_140 = arith.index_cast %add3A_139 : i32 to index
          %get3A_141 = arith.constant 16 : index
          %get3A_142 = tpu.vector_load %arg11[%get3A_140, %get3A_141] {strides = array<i32>} : memref<128x64xf32, #tpu.memory_space<vmem>>, vector<16xf32>,
          %add3A_143 = arith.addf %get3A_137, %get3A_142 : vector<16xf32>
          %max3A_144 = arith.constant 0.000000e+00 : f32
          %max3A_145 = vector.broadcast %max3A_144 : f32 to vector<16xf32>
          %max3A_146 = arith.maximumf %add3A_143, %max3A_145 : vector<16xf32>
          %mul3A_147 = arith.mulf %max3A_146, %get3A_3 : vector<16xf32>
          %add3A_148 = arith.addf %add3A_132, %mul3A_147 : vector<16xf32>
          %add3A_149 = arith.constant 1 : i32
          %add3A_150 = arith.addi %mul3A_49, %add3A_149 : i32
          %get3A_151 = arith.index_cast %add3A_150 : i32 to index
          %get3A_152 = arith.constant 32 : index
          %get3A_153 = tpu.vector_load %arg10[%get3A_151, %get3A_152] {strides = array<i32>} : memref<128x64xf32, #tpu.memory_space<vmem>>, vector<16xf32>,
          %add3A_154 = arith.constant 1 : i32
          %add3A_155 = arith.addi %mul3A_49, %add3A_154 : i32
          %get3A_156 = arith.index_cast %add3A_155 : i32 to index
          %get3A_157 = arith.constant 32 : index
          %get3A_158 = tpu.vector_load %arg11[%get3A_156, %get3A_157] {strides = array<i32>} : memref<128x64xf32, #tpu.memory_space<vmem>>, vector<16xf32>,
          %add3A_159 = arith.addf %get3A_153, %get3A_158 : vector<16xf32>
          %max3A_160 = arith.constant 0.000000e+00 : f32
          %max3A_161 = vector.broadcast %max3A_160 : f32 to vector<16xf32>
          %max3A_162 = arith.maximumf %add3A_159, %max3A_161 : vector<16xf32>
          %mul3A_163 = arith.mulf %max3A_162, %get3A_5 : vector<16xf32>
          %add3A_164 = arith.addf %add3A_148, %mul3A_163 : vector<16xf32>
          %add3A_165 = arith.constant 1 : i32
          %add3A_166 = arith.addi %mul3A_49, %add3A_165 : i32
          %get3A_167 = arith.index_cast %add3A_166 : i32 to index
          %get3A_168 = arith.constant 48 : index
          %get3A_169 = tpu.vector_load %arg10[%get3A_167, %get3A_168] {strides = array<i32>} : memref<128x64xf32, #tpu.memory_space<vmem>>, vector<16xf32>,
          %add3A_170 = arith.constant 1 : i32
          %add3A_171 = arith.addi %mul3A_49, %add3A_170 : i32
          %get3A_172 = arith.index_cast %add3A_171 : i32 to index
          %get3A_173 = arith.constant 48 : index
          %get3A_174 = tpu.vector_load %arg11[%get3A_172, %get3A_173] {strides = array<i32>} : memref<128x64xf32, #tpu.memory_space<vmem>>, vector<16xf32>,
          %add3A_175 = arith.addf %get3A_169, %get3A_174 : vector<16xf32>
          %max3A_176 = arith.constant 0.000000e+00 : f32
          %max3A_177 = vector.broadcast %max3A_176 : f32 to vector<16xf32>
          %max3A_178 = arith.maximumf %add3A_175, %max3A_177 : vector<16xf32>
          %mul3A_179 = arith.mulf %max3A_178, %get3A_7 : vector<16xf32>
          %add3A_180 = arith.addf %add3A_164, %mul3A_179 : vector<16xf32>
          %swap3A_181 = arith.constant 16 : index
          %swap3A_182 = tpu.vector_load %arg13[%swap3A_181] {strides = array<i32>} : memref<256xf32, #tpu.memory_space<vmem>>, vector<16xf32>,
          tpu.vector_store %arg13[%swap3A_181], %add3A_180 {strides = array<i32>} : memref<256xf32, #tpu.memory_space<vmem>>, vector<16xf32>,
          %broadcast_in_dim3A_183 = arith.constant 0.000000e+00 : f32
          %broadcast_in_dim3A_184 = vector.broadcast %broadcast_in_dim3A_183 : f32 to vector<16xf32>
          %add3A_185 = arith.constant 2 : i32
          %add3A_186 = arith.addi %mul3A_49, %add3A_185 : i32
          %get3A_187 = arith.index_cast %add3A_186 : i32 to index
          %get3A_188 = arith.constant 0 : index
          %get3A_189 = tpu.vector_load %arg10[%get3A_187, %get3A_188] {strides = array<i32>} : memref<128x64xf32, #tpu.memory_space<vmem>>, vector<16xf32>,
          %add3A_190 = arith.constant 2 : i32
          %add3A_191 = arith.addi %mul3A_49, %add3A_190 : i32
          %get3A_192 = arith.index_cast %add3A_191 : i32 to index
          %get3A_193 = arith.constant 0 : index
          %get3A_194 = tpu.vector_load %arg11[%get3A_192, %get3A_193] {strides = array<i32>} : memref<128x64xf32, #tpu.memory_space<vmem>>, vector<16xf32>,
          %add3A_195 = arith.addf %get3A_189, %get3A_194 : vector<16xf32>
          %max3A_196 = arith.constant 0.000000e+00 : f32
          %max3A_197 = vector.broadcast %max3A_196 : f32 to vector<16xf32>
          %max3A_198 = arith.maximumf %add3A_195, %max3A_197 : vector<16xf32>
          %mul3A_199 = arith.mulf %max3A_198, %get3A_1 : vector<16xf32>
          %add3A_200 = arith.addf %broadcast_in_dim3A_184, %mul3A_199 : vector<16xf32>
          %add3A_201 = arith.constant 2 : i32
          %add3A_202 = arith.addi %mul3A_49, %add3A_201 : i32
          %get3A_203 = arith.index_cast %add3A_202 : i32 to index
          %get3A_204 = arith.constant 16 : index
          %get3A_205 = tpu.vector_load %arg10[%get3A_203, %get3A_204] {strides = array<i32>} : memref<128x64xf32, #tpu.memory_space<vmem>>, vector<16xf32>,
          %add3A_206 = arith.constant 2 : i32
          %add3A_207 = arith.addi %mul3A_49, %add3A_206 : i32
          %get3A_208 = arith.index_cast %add3A_207 : i32 to index
          %get3A_209 = arith.constant 16 : index
          %get3A_210 = tpu.vector_load %arg11[%get3A_208, %get3A_209] {strides = array<i32>} : memref<128x64xf32, #tpu.memory_space<vmem>>, vector<16xf32>,
          %add3A_211 = arith.addf %get3A_205, %get3A_210 : vector<16xf32>
          %max3A_212 = arith.constant 0.000000e+00 : f32
          %max3A_213 = vector.broadcast %max3A_212 : f32 to vector<16xf32>
          %max3A_214 = arith.maximumf %add3A_211, %max3A_213 : vector<16xf32>
          %mul3A_215 = arith.mulf %max3A_214, %get3A_3 : vector<16xf32>
          %add3A_216 = arith.addf %add3A_200, %mul3A_215 : vector<16xf32>
          %add3A_217 = arith.constant 2 : i32
          %add3A_218 = arith.addi %mul3A_49, %add3A_217 : i32
          %get3A_219 = arith.index_cast %add3A_218 : i32 to index
          %get3A_220 = arith.constant 32 : index
          %get3A_221 = tpu.vector_load %arg10[%get3A_219, %get3A_220] {strides = array<i32>} : memref<128x64xf32, #tpu.memory_space<vmem>>, vector<16xf32>,
          %add3A_222 = arith.constant 2 : i32
          %add3A_223 = arith.addi %mul3A_49, %add3A_222 : i32
          %get3A_224 = arith.index_cast %add3A_223 : i32 to index
          %get3A_225 = arith.constant 32 : index
          %get3A_226 = tpu.vector_load %arg11[%get3A_224, %get3A_225] {strides = array<i32>} : memref<128x64xf32, #tpu.memory_space<vmem>>, vector<16xf32>,
          %add3A_227 = arith.addf %get3A_221, %get3A_226 : vector<16xf32>
          %max3A_228 = arith.constant 0.000000e+00 : f32
          %max3A_229 = vector.broadcast %max3A_228 : f32 to vector<16xf32>
          %max3A_230 = arith.maximumf %add3A_227, %max3A_229 : vector<16xf32>
          %mul3A_231 = arith.mulf %max3A_230, %get3A_5 : vector<16xf32>
          %add3A_232 = arith.addf %add3A_216, %mul3A_231 : vector<16xf32>
          %add3A_233 = arith.constant 2 : i32
          %add3A_234 = arith.addi %mul3A_49, %add3A_233 : i32
          %get3A_235 = arith.index_cast %add3A_234 : i32 to index
          %get3A_236 = arith.constant 48 : index
          %get3A_237 = tpu.vector_load %arg10[%get3A_235, %get3A_236] {strides = array<i32>} : memref<128x64xf32, #tpu.memory_space<vmem>>, vector<16xf32>,
          %add3A_238 = arith.constant 2 : i32
          %add3A_239 = arith.addi %mul3A_49, %add3A_238 : i32
          %get3A_240 = arith.index_cast %add3A_239 : i32 to index
          %get3A_241 = arith.constant 48 : index
          %get3A_242 = tpu.vector_load %arg11[%get3A_240, %get3A_241] {strides = array<i32>} : memref<128x64xf32, #tpu.memory_space<vmem>>, vector<16xf32>,
          %add3A_243 = arith.addf %get3A_237, %get3A_242 : vector<16xf32>
          %max3A_244 = arith.constant 0.000000e+00 : f32
          %max3A_245 = vector.broadcast %max3A_244 : f32 to vector<16xf32>
          %max3A_246 = arith.maximumf %add3A_243, %max3A_245 : vector<16xf32>
          %mul3A_247 = arith.mulf %max3A_246, %get3A_7 : vector<16xf32>
          %add3A_248 = arith.addf %add3A_232, %mul3A_247 : vector<16xf32>
          %swap3A_249 = arith.constant 32 : index
          %swap3A_250 = tpu.vector_load %arg13[%swap3A_249] {strides = array<i32>} : memref<256xf32, #tpu.memory_space<vmem>>, vector<16xf32>,
          tpu.vector_store %arg13[%swap3A_249], %add3A_248 {strides = array<i32>} : memref<256xf32, #tpu.memory_space<vmem>>, vector<16xf32>,
          %broadcast_in_dim3A_251 = arith.constant 0.000000e+00 : f32
          %broadcast_in_dim3A_252 = vector.broadcast %broadcast_in_dim3A_251 : f32 to vector<16xf32>
          %add3A_253 = arith.constant 3 : i32
          %add3A_254 = arith.addi %mul3A_49, %add3A_253 : i32
          %get3A_255 = arith.index_cast %add3A_254 : i32 to index
          %get3A_256 = arith.constant 0 : index
          %get3A_257 = tpu.vector_load %arg10[%get3A_255, %get3A_256] {strides = array<i32>} : memref<128x64xf32, #tpu.memory_space<vmem>>, vector<16xf32>,
          %add3A_258 = arith.constant 3 : i32
          %add3A_259 = arith.addi %mul3A_49, %add3A_258 : i32
          %get3A_260 = arith.index_cast %add3A_259 : i32 to index
          %get3A_261 = arith.constant 0 : index
          %get3A_262 = tpu.vector_load %arg11[%get3A_260, %get3A_261] {strides = array<i32>} : memref<128x64xf32, #tpu.memory_space<vmem>>, vector<16xf32>,
          %add3A_263 = arith.addf %get3A_257, %get3A_262 : vector<16xf32>
          %max3A_264 = arith.constant 0.000000e+00 : f32
          %max3A_265 = vector.broadcast %max3A_264 : f32 to vector<16xf32>
          %max3A_266 = arith.maximumf %add3A_263, %max3A_265 : vector<16xf32>
          %mul3A_267 = arith.mulf %max3A_266, %get3A_1 : vector<16xf32>
          %add3A_268 = arith.addf %broadcast_in_dim3A_252, %mul3A_267 : vector<16xf32>
          %add3A_269 = arith.constant 3 : i32
          %add3A_270 = arith.addi %mul3A_49, %add3A_269 : i32
          %get3A_271 = arith.index_cast %add3A_270 : i32 to index
          %get3A_272 = arith.constant 16 : index
          %get3A_273 = tpu.vector_load %arg10[%get3A_271, %get3A_272] {strides = array<i32>} : memref<128x64xf32, #tpu.memory_space<vmem>>, vector<16xf32>,
          %add3A_274 = arith.constant 3 : i32
          %add3A_275 = arith.addi %mul3A_49, %add3A_274 : i32
          %get3A_276 = arith.index_cast %add3A_275 : i32 to index
          %get3A_277 = arith.constant 16 : index
          %get3A_278 = tpu.vector_load %arg11[%get3A_276, %get3A_277] {strides = array<i32>} : memref<128x64xf32, #tpu.memory_space<vmem>>, vector<16xf32>,
          %add3A_279 = arith.addf %get3A_273, %get3A_278 : vector<16xf32>
          %max3A_280 = arith.constant 0.000000e+00 : f32
          %max3A_281 = vector.broadcast %max3A_280 : f32 to vector<16xf32>
          %max3A_282 = arith.maximumf %add3A_279, %max3A_281 : vector<16xf32>
          %mul3A_283 = arith.mulf %max3A_282, %get3A_3 : vector<16xf32>
          %add3A_284 = arith.addf %add3A_268, %mul3A_283 : vector<16xf32>
          %add3A_285 = arith.constant 3 : i32
          %add3A_286 = arith.addi %mul3A_49, %add3A_285 : i32
          %get3A_287 = arith.index_cast %add3A_286 : i32 to index
          %get3A_288 = arith.constant 32 : index
          %get3A_289 = tpu.vector_load %arg10[%get3A_287, %get3A_288] {strides = array<i32>} : memref<128x64xf32, #tpu.memory_space<vmem>>, vector<16xf32>,
          %add3A_290 = arith.constant 3 : i32
          %add3A_291 = arith.addi %mul3A_49, %add3A_290 : i32
          %get3A_292 = arith.index_cast %add3A_291 : i32 to index
          %get3A_293 = arith.constant 32 : index
          %get3A_294 = tpu.vector_load %arg11[%get3A_292, %get3A_293] {strides = array<i32>} : memref<128x64xf32, #tpu.memory_space<vmem>>, vector<16xf32>,
          %add3A_295 = arith.addf %get3A_289, %get3A_294 : vector<16xf32>
          %max3A_296 = arith.constant 0.000000e+00 : f32
          %max3A_297 = vector.broadcast %max3A_296 : f32 to vector<16xf32>
          %max3A_298 = arith.maximumf %add3A_295, %max3A_297 : vector<16xf32>
          %mul3A_299 = arith.mulf %max3A_298, %get3A_5 : vector<16xf32>
          %add3A_300 = arith.addf %add3A_284, %mul3A_299 : vector<16xf32>
          %add3A_301 = arith.constant 3 : i32
          %add3A_302 = arith.addi %mul3A_49, %add3A_301 : i32
          %get3A_303 = arith.index_cast %add3A_302 : i32 to index
          %get3A_304 = arith.constant 48 : index
          %get3A_305 = tpu.vector_load %arg10[%get3A_303, %get3A_304] {strides = array<i32>} : memref<128x64xf32, #tpu.memory_space<vmem>>, vector<16xf32>,
          %add3A_306 = arith.constant 3 : i32
          %add3A_307 = arith.addi %mul3A_49, %add3A_306 : i32
          %get3A_308 = arith.index_cast %add3A_307 : i32 to index
          %get3A_309 = arith.constant 48 : index
          %get3A_310 = tpu.vector_load %arg11[%get3A_308, %get3A_309] {strides = array<i32>} : memref<128x64xf32, #tpu.memory_space<vmem>>, vector<16xf32>,
          %add3A_311 = arith.addf %get3A_305, %get3A_310 : vector<16xf32>
          %max3A_312 = arith.constant 0.000000e+00 : f32
          %max3A_313 = vector.broadcast %max3A_312 : f32 to vector<16xf32>
          %max3A_314 = arith.maximumf %add3A_311, %max3A_313 : vector<16xf32>
          %mul3A_315 = arith.mulf %max3A_314, %get3A_7 : vector<16xf32>
          %add3A_316 = arith.addf %add3A_300, %mul3A_315 : vector<16xf32>
          %swap3A_317 = arith.constant 48 : index
          %swap3A_318 = tpu.vector_load %arg13[%swap3A_317] {strides = array<i32>} : memref<256xf32, #tpu.memory_space<vmem>>, vector<16xf32>,
          tpu.vector_store %arg13[%swap3A_317], %add3A_316 {strides = array<i32>} : memref<256xf32, #tpu.memory_space<vmem>>, vector<16xf32>,
          %broadcast_in_dim3A_319 = arith.constant 0.000000e+00 : f32
          %broadcast_in_dim3A_320 = vector.broadcast %broadcast_in_dim3A_319 : f32 to vector<16xf32>
          %add3A_321 = arith.constant 4 : i32
          %add3A_322 = arith.addi %mul3A_49, %add3A_321 : i32
          %get3A_323 = arith.index_cast %add3A_322 : i32 to index
          %get3A_324 = arith.constant 0 : index
          %get3A_325 = tpu.vector_load %arg10[%get3A_323, %get3A_324] {strides = array<i32>} : memref<128x64xf32, #tpu.memory_space<vmem>>, vector<16xf32>,
          %add3A_326 = arith.constant 4 : i32
          %add3A_327 = arith.addi %mul3A_49, %add3A_326 : i32
          %get3A_328 = arith.index_cast %add3A_327 : i32 to index
          %get3A_329 = arith.constant 0 : index
          %get3A_330 = tpu.vector_load %arg11[%get3A_328, %get3A_329] {strides = array<i32>} : memref<128x64xf32, #tpu.memory_space<vmem>>, vector<16xf32>,
          %add3A_331 = arith.addf %get3A_325, %get3A_330 : vector<16xf32>
          %max3A_332 = arith.constant 0.000000e+00 : f32
          %max3A_333 = vector.broadcast %max3A_332 : f32 to vector<16xf32>
          %max3A_334 = arith.maximumf %add3A_331, %max3A_333 : vector<16xf32>
          %mul3A_335 = arith.mulf %max3A_334, %get3A_1 : vector<16xf32>
          %add3A_336 = arith.addf %broadcast_in_dim3A_320, %mul3A_335 : vector<16xf32>
          %add3A_337 = arith.constant 4 : i32
          %add3A_338 = arith.addi %mul3A_49, %add3A_337 : i32
          %get3A_339 = arith.index_cast %add3A_338 : i32 to index
          %get3A_340 = arith.constant 16 : index
          %get3A_341 = tpu.vector_load %arg10[%get3A_339, %get3A_340] {strides = array<i32>} : memref<128x64xf32, #tpu.memory_space<vmem>>, vector<16xf32>,
          %add3A_342 = arith.constant 4 : i32
          %add3A_343 = arith.addi %mul3A_49, %add3A_342 : i32
          %get3A_344 = arith.index_cast %add3A_343 : i32 to index
          %get3A_345 = arith.constant 16 : index
          %get3A_346 = tpu.vector_load %arg11[%get3A_344, %get3A_345] {strides = array<i32>} : memref<128x64xf32, #tpu.memory_space<vmem>>, vector<16xf32>,
          %add3A_347 = arith.addf %get3A_341, %get3A_346 : vector<16xf32>
          %max3A_348 = arith.constant 0.000000e+00 : f32
          %max3A_349 = vector.broadcast %max3A_348 : f32 to vector<16xf32>
          %max3A_350 = arith.maximumf %add3A_347, %max3A_349 : vector<16xf32>
          %mul3A_351 = arith.mulf %max3A_350, %get3A_3 : vector<16xf32>
          %add3A_352 = arith.addf %add3A_336, %mul3A_351 : vector<16xf32>
          %add3A_353 = arith.constant 4 : i32
          %add3A_354 = arith.addi %mul3A_49, %add3A_353 : i32
          %get3A_355 = arith.index_cast %add3A_354 : i32 to index
          %get3A_356 = arith.constant 32 : index
          %get3A_357 = tpu.vector_load %arg10[%get3A_355, %get3A_356] {strides = array<i32>} : memref<128x64xf32, #tpu.memory_space<vmem>>, vector<16xf32>,
          %add3A_358 = arith.constant 4 : i32
          %add3A_359 = arith.addi %mul3A_49, %add3A_358 : i32
          %get3A_360 = arith.index_cast %add3A_359 : i32 to index
          %get3A_361 = arith.constant 32 : index
          %get3A_362 = tpu.vector_load %arg11[%get3A_360, %get3A_361] {strides = array<i32>} : memref<128x64xf32, #tpu.memory_space<vmem>>, vector<16xf32>,
          %add3A_363 = arith.addf %get3A_357, %get3A_362 : vector<16xf32>
          %max3A_364 = arith.constant 0.000000e+00 : f32
          %max3A_365 = vector.broadcast %max3A_364 : f32 to vector<16xf32>
          %max3A_366 = arith.maximumf %add3A_363, %max3A_365 : vector<16xf32>
          %mul3A_367 = arith.mulf %max3A_366, %get3A_5 : vector<16xf32>
          %add3A_368 = arith.addf %add3A_352, %mul3A_367 : vector<16xf32>
          %add3A_369 = arith.constant 4 : i32
          %add3A_370 = arith.addi %mul3A_49, %add3A_369 : i32
          %get3A_371 = arith.index_cast %add3A_370 : i32 to index
          %get3A_372 = arith.constant 48 : index
          %get3A_373 = tpu.vector_load %arg10[%get3A_371, %get3A_372] {strides = array<i32>} : memref<128x64xf32, #tpu.memory_space<vmem>>, vector<16xf32>,
          %add3A_374 = arith.constant 4 : i32
          %add3A_375 = arith.addi %mul3A_49, %add3A_374 : i32
          %get3A_376 = arith.index_cast %add3A_375 : i32 to index
          %get3A_377 = arith.constant 48 : index
          %get3A_378 = tpu.vector_load %arg11[%get3A_376, %get3A_377] {strides = array<i32>} : memref<128x64xf32, #tpu.memory_space<vmem>>, vector<16xf32>,
          %add3A_379 = arith.addf %get3A_373, %get3A_378 : vector<16xf32>
          %max3A_380 = arith.constant 0.000000e+00 : f32
          %max3A_381 = vector.broadcast %max3A_380 : f32 to vector<16xf32>
          %max3A_382 = arith.maximumf %add3A_379, %max3A_381 : vector<16xf32>
          %mul3A_383 = arith.mulf %max3A_382, %get3A_7 : vector<16xf32>
          %add3A_384 = arith.addf %add3A_368, %mul3A_383 : vector<16xf32>
          %swap3A_385 = arith.constant 64 : index
          %swap3A_386 = tpu.vector_load %arg13[%swap3A_385] {strides = array<i32>} : memref<256xf32, #tpu.memory_space<vmem>>, vector<16xf32>,
          tpu.vector_store %arg13[%swap3A_385], %add3A_384 {strides = array<i32>} : memref<256xf32, #tpu.memory_space<vmem>>, vector<16xf32>,
          %broadcast_in_dim3A_387 = arith.constant 0.000000e+00 : f32
          %broadcast_in_dim3A_388 = vector.broadcast %broadcast_in_dim3A_387 : f32 to vector<16xf32>
          %add3A_389 = arith.constant 5 : i32
          %add3A_390 = arith.addi %mul3A_49, %add3A_389 : i32
          %get3A_391 = arith.index_cast %add3A_390 : i32 to index
          %get3A_392 = arith.constant 0 : index
          %get3A_393 = tpu.vector_load %arg10[%get3A_391, %get3A_392] {strides = array<i32>} : memref<128x64xf32, #tpu.memory_space<vmem>>, vector<16xf32>,
          %add3A_394 = arith.constant 5 : i32
          %add3A_395 = arith.addi %mul3A_49, %add3A_394 : i32
          %get3A_396 = arith.index_cast %add3A_395 : i32 to index
          %get3A_397 = arith.constant 0 : index
          %get3A_398 = tpu.vector_load %arg11[%get3A_396, %get3A_397] {strides = array<i32>} : memref<128x64xf32, #tpu.memory_space<vmem>>, vector<16xf32>,
          %add3A_399 = arith.addf %get3A_393, %get3A_398 : vector<16xf32>
          %max3A_400 = arith.constant 0.000000e+00 : f32
          %max3A_401 = vector.broadcast %max3A_400 : f32 to vector<16xf32>
          %max3A_402 = arith.maximumf %add3A_399, %max3A_401 : vector<16xf32>
          %mul3A_403 = arith.mulf %max3A_402, %get3A_1 : vector<16xf32>
          %add3A_404 = arith.addf %broadcast_in_dim3A_388, %mul3A_403 : vector<16xf32>
          %add3A_405 = arith.constant 5 : i32
          %add3A_406 = arith.addi %mul3A_49, %add3A_405 : i32
          %get3A_407 = arith.index_cast %add3A_406 : i32 to index
          %get3A_408 = arith.constant 16 : index
          %get3A_409 = tpu.vector_load %arg10[%get3A_407, %get3A_408] {strides = array<i32>} : memref<128x64xf32, #tpu.memory_space<vmem>>, vector<16xf32>,
          %add3A_410 = arith.constant 5 : i32
          %add3A_411 = arith.addi %mul3A_49, %add3A_410 : i32
          %get3A_412 = arith.index_cast %add3A_411 : i32 to index
          %get3A_413 = arith.constant 16 : index
          %get3A_414 = tpu.vector_load %arg11[%get3A_412, %get3A_413] {strides = array<i32>} : memref<128x64xf32, #tpu.memory_space<vmem>>, vector<16xf32>,
          %add3A_415 = arith.addf %get3A_409, %get3A_414 : vector<16xf32>
          %max3A_416 = arith.constant 0.000000e+00 : f32
          %max3A_417 = vector.broadcast %max3A_416 : f32 to vector<16xf32>
          %max3A_418 = arith.maximumf %add3A_415, %max3A_417 : vector<16xf32>
          %mul3A_419 = arith.mulf %max3A_418, %get3A_3 : vector<16xf32>
          %add3A_420 = arith.addf %add3A_404, %mul3A_419 : vector<16xf32>
          %add3A_421 = arith.constant 5 : i32
          %add3A_422 = arith.addi %mul3A_49, %add3A_421 : i32
          %get3A_423 = arith.index_cast %add3A_422 : i32 to index
          %get3A_424 = arith.constant 32 : index
          %get3A_425 = tpu.vector_load %arg10[%get3A_423, %get3A_424] {strides = array<i32>} : memref<128x64xf32, #tpu.memory_space<vmem>>, vector<16xf32>,
          %add3A_426 = arith.constant 5 : i32
          %add3A_427 = arith.addi %mul3A_49, %add3A_426 : i32
          %get3A_428 = arith.index_cast %add3A_427 : i32 to index
          %get3A_429 = arith.constant 32 : index
          %get3A_430 = tpu.vector_load %arg11[%get3A_428, %get3A_429] {strides = array<i32>} : memref<128x64xf32, #tpu.memory_space<vmem>>, vector<16xf32>,
          %add3A_431 = arith.addf %get3A_425, %get3A_430 : vector<16xf32>
          %max3A_432 = arith.constant 0.000000e+00 : f32
          %max3A_433 = vector.broadcast %max3A_432 : f32 to vector<16xf32>
          %max3A_434 = arith.maximumf %add3A_431, %max3A_433 : vector<16xf32>
          %mul3A_435 = arith.mulf %max3A_434, %get3A_5 : vector<16xf32>
          %add3A_436 = arith.addf %add3A_420, %mul3A_435 : vector<16xf32>
          %add3A_437 = arith.constant 5 : i32
          %add3A_438 = arith.addi %mul3A_49, %add3A_437 : i32
          %get3A_439 = arith.index_cast %add3A_438 : i32 to index
          %get3A_440 = arith.constant 48 : index
          %get3A_441 = tpu.vector_load %arg10[%get3A_439, %get3A_440] {strides = array<i32>} : memref<128x64xf32, #tpu.memory_space<vmem>>, vector<16xf32>,
          %add3A_442 = arith.constant 5 : i32
          %add3A_443 = arith.addi %mul3A_49, %add3A_442 : i32
          %get3A_444 = arith.index_cast %add3A_443 : i32 to index
          %get3A_445 = arith.constant 48 : index
          %get3A_446 = tpu.vector_load %arg11[%get3A_444, %get3A_445] {strides = array<i32>} : memref<128x64xf32, #tpu.memory_space<vmem>>, vector<16xf32>,
          %add3A_447 = arith.addf %get3A_441, %get3A_446 : vector<16xf32>
          %max3A_448 = arith.constant 0.000000e+00 : f32
          %max3A_449 = vector.broadcast %max3A_448 : f32 to vector<16xf32>
          %max3A_450 = arith.maximumf %add3A_447, %max3A_449 : vector<16xf32>
          %mul3A_451 = arith.mulf %max3A_450, %get3A_7 : vector<16xf32>
          %add3A_452 = arith.addf %add3A_436, %mul3A_451 : vector<16xf32>
          %swap3A_453 = arith.constant 80 : index
          %swap3A_454 = tpu.vector_load %arg13[%swap3A_453] {strides = array<i32>} : memref<256xf32, #tpu.memory_space<vmem>>, vector<16xf32>,
          tpu.vector_store %arg13[%swap3A_453], %add3A_452 {strides = array<i32>} : memref<256xf32, #tpu.memory_space<vmem>>, vector<16xf32>,
          %broadcast_in_dim3A_455 = arith.constant 0.000000e+00 : f32
          %broadcast_in_dim3A_456 = vector.broadcast %broadcast_in_dim3A_455 : f32 to vector<16xf32>
          %add3A_457 = arith.constant 6 : i32
          %add3A_458 = arith.addi %mul3A_49, %add3A_457 : i32
          %get3A_459 = arith.index_cast %add3A_458 : i32 to index
          %get3A_460 = arith.constant 0 : index
          %get3A_461 = tpu.vector_load %arg10[%get3A_459, %get3A_460] {strides = array<i32>} : memref<128x64xf32, #tpu.memory_space<vmem>>, vector<16xf32>,
          %add3A_462 = arith.constant 6 : i32
          %add3A_463 = arith.addi %mul3A_49, %add3A_462 : i32
          %get3A_464 = arith.index_cast %add3A_463 : i32 to index
          %get3A_465 = arith.constant 0 : index
          %get3A_466 = tpu.vector_load %arg11[%get3A_464, %get3A_465] {strides = array<i32>} : memref<128x64xf32, #tpu.memory_space<vmem>>, vector<16xf32>,
          %add3A_467 = arith.addf %get3A_461, %get3A_466 : vector<16xf32>
          %max3A_468 = arith.constant 0.000000e+00 : f32
          %max3A_469 = vector.broadcast %max3A_468 : f32 to vector<16xf32>
          %max3A_470 = arith.maximumf %add3A_467, %max3A_469 : vector<16xf32>
          %mul3A_471 = arith.mulf %max3A_470, %get3A_1 : vector<16xf32>
          %add3A_472 = arith.addf %broadcast_in_dim3A_456, %mul3A_471 : vector<16xf32>
          %add3A_473 = arith.constant 6 : i32
          %add3A_474 = arith.addi %mul3A_49, %add3A_473 : i32
          %get3A_475 = arith.index_cast %add3A_474 : i32 to index
          %get3A_476 = arith.constant 16 : index
          %get3A_477 = tpu.vector_load %arg10[%get3A_475, %get3A_476] {strides = array<i32>} : memref<128x64xf32, #tpu.memory_space<vmem>>, vector<16xf32>,
          %add3A_478 = arith.constant 6 : i32
          %add3A_479 = arith.addi %mul3A_49, %add3A_478 : i32
          %get3A_480 = arith.index_cast %add3A_479 : i32 to index
          %get3A_481 = arith.constant 16 : index
          %get3A_482 = tpu.vector_load %arg11[%get3A_480, %get3A_481] {strides = array<i32>} : memref<128x64xf32, #tpu.memory_space<vmem>>, vector<16xf32>,
          %add3A_483 = arith.addf %get3A_477, %get3A_482 : vector<16xf32>
          %max3A_484 = arith.constant 0.000000e+00 : f32
          %max3A_485 = vector.broadcast %max3A_484 : f32 to vector<16xf32>
          %max3A_486 = arith.maximumf %add3A_483, %max3A_485 : vector<16xf32>
          %mul3A_487 = arith.mulf %max3A_486, %get3A_3 : vector<16xf32>
          %add3A_488 = arith.addf %add3A_472, %mul3A_487 : vector<16xf32>
          %add3A_489 = arith.constant 6 : i32
          %add3A_490 = arith.addi %mul3A_49, %add3A_489 : i32
          %get3A_491 = arith.index_cast %add3A_490 : i32 to index
          %get3A_492 = arith.constant 32 : index
          %get3A_493 = tpu.vector_load %arg10[%get3A_491, %get3A_492] {strides = array<i32>} : memref<128x64xf32, #tpu.memory_space<vmem>>, vector<16xf32>,
          %add3A_494 = arith.constant 6 : i32
          %add3A_495 = arith.addi %mul3A_49, %add3A_494 : i32
          %get3A_496 = arith.index_cast %add3A_495 : i32 to index
          %get3A_497 = arith.constant 32 : index
          %get3A_498 = tpu.vector_load %arg11[%get3A_496, %get3A_497] {strides = array<i32>} : memref<128x64xf32, #tpu.memory_space<vmem>>, vector<16xf32>,
          %add3A_499 = arith.addf %get3A_493, %get3A_498 : vector<16xf32>
          %max3A_500 = arith.constant 0.000000e+00 : f32
          %max3A_501 = vector.broadcast %max3A_500 : f32 to vector<16xf32>
          %max3A_502 = arith.maximumf %add3A_499, %max3A_501 : vector<16xf32>
          %mul3A_503 = arith.mulf %max3A_502, %get3A_5 : vector<16xf32>
          %add3A_504 = arith.addf %add3A_488, %mul3A_503 : vector<16xf32>
          %add3A_505 = arith.constant 6 : i32
          %add3A_506 = arith.addi %mul3A_49, %add3A_505 : i32
          %get3A_507 = arith.index_cast %add3A_506 : i32 to index
          %get3A_508 = arith.constant 48 : index
          %get3A_509 = tpu.vector_load %arg10[%get3A_507, %get3A_508] {strides = array<i32>} : memref<128x64xf32, #tpu.memory_space<vmem>>, vector<16xf32>,
          %add3A_510 = arith.constant 6 : i32
          %add3A_511 = arith.addi %mul3A_49, %add3A_510 : i32
          %get3A_512 = arith.index_cast %add3A_511 : i32 to index
          %get3A_513 = arith.constant 48 : index
          %get3A_514 = tpu.vector_load %arg11[%get3A_512, %get3A_513] {strides = array<i32>} : memref<128x64xf32, #tpu.memory_space<vmem>>, vector<16xf32>,
          %add3A_515 = arith.addf %get3A_509, %get3A_514 : vector<16xf32>
          %max3A_516 = arith.constant 0.000000e+00 : f32
          %max3A_517 = vector.broadcast %max3A_516 : f32 to vector<16xf32>
          %max3A_518 = arith.maximumf %add3A_515, %max3A_517 : vector<16xf32>
          %mul3A_519 = arith.mulf %max3A_518, %get3A_7 : vector<16xf32>
          %add3A_520 = arith.addf %add3A_504, %mul3A_519 : vector<16xf32>
          %swap3A_521 = arith.constant 96 : index
          %swap3A_522 = tpu.vector_load %arg13[%swap3A_521] {strides = array<i32>} : memref<256xf32, #tpu.memory_space<vmem>>, vector<16xf32>,
          tpu.vector_store %arg13[%swap3A_521], %add3A_520 {strides = array<i32>} : memref<256xf32, #tpu.memory_space<vmem>>, vector<16xf32>,
          %broadcast_in_dim3A_523 = arith.constant 0.000000e+00 : f32
          %broadcast_in_dim3A_524 = vector.broadcast %broadcast_in_dim3A_523 : f32 to vector<16xf32>
          %add3A_525 = arith.constant 7 : i32
          %add3A_526 = arith.addi %mul3A_49, %add3A_525 : i32
          %get3A_527 = arith.index_cast %add3A_526 : i32 to index
          %get3A_528 = arith.constant 0 : index
          %get3A_529 = tpu.vector_load %arg10[%get3A_527, %get3A_528] {strides = array<i32>} : memref<128x64xf32, #tpu.memory_space<vmem>>, vector<16xf32>,
          %add3A_530 = arith.constant 7 : i32
          %add3A_531 = arith.addi %mul3A_49, %add3A_530 : i32
          %get3A_532 = arith.index_cast %add3A_531 : i32 to index
          %get3A_533 = arith.constant 0 : index
          %get3A_534 = tpu.vector_load %arg11[%get3A_532, %get3A_533] {strides = array<i32>} : memref<128x64xf32, #tpu.memory_space<vmem>>, vector<16xf32>,
          %add3A_535 = arith.addf %get3A_529, %get3A_534 : vector<16xf32>
          %max3A_536 = arith.constant 0.000000e+00 : f32
          %max3A_537 = vector.broadcast %max3A_536 : f32 to vector<16xf32>
          %max3A_538 = arith.maximumf %add3A_535, %max3A_537 : vector<16xf32>
          %mul3A_539 = arith.mulf %max3A_538, %get3A_1 : vector<16xf32>
          %add3A_540 = arith.addf %broadcast_in_dim3A_524, %mul3A_539 : vector<16xf32>
          %add3A_541 = arith.constant 7 : i32
          %add3A_542 = arith.addi %mul3A_49, %add3A_541 : i32
          %get3A_543 = arith.index_cast %add3A_542 : i32 to index
          %get3A_544 = arith.constant 16 : index
          %get3A_545 = tpu.vector_load %arg10[%get3A_543, %get3A_544] {strides = array<i32>} : memref<128x64xf32, #tpu.memory_space<vmem>>, vector<16xf32>,
          %add3A_546 = arith.constant 7 : i32
          %add3A_547 = arith.addi %mul3A_49, %add3A_546 : i32
          %get3A_548 = arith.index_cast %add3A_547 : i32 to index
          %get3A_549 = arith.constant 16 : index
          %get3A_550 = tpu.vector_load %arg11[%get3A_548, %get3A_549] {strides = array<i32>} : memref<128x64xf32, #tpu.memory_space<vmem>>, vector<16xf32>,
          %add3A_551 = arith.addf %get3A_545, %get3A_550 : vector<16xf32>
          %max3A_552 = arith.constant 0.000000e+00 : f32
          %max3A_553 = vector.broadcast %max3A_552 : f32 to vector<16xf32>
          %max3A_554 = arith.maximumf %add3A_551, %max3A_553 : vector<16xf32>
          %mul3A_555 = arith.mulf %max3A_554, %get3A_3 : vector<16xf32>
          %add3A_556 = arith.addf %add3A_540, %mul3A_555 : vector<16xf32>
          %add3A_557 = arith.constant 7 : i32
          %add3A_558 = arith.addi %mul3A_49, %add3A_557 : i32
          %get3A_559 = arith.index_cast %add3A_558 : i32 to index
          %get3A_560 = arith.constant 32 : index
          %get3A_561 = tpu.vector_load %arg10[%get3A_559, %get3A_560] {strides = array<i32>} : memref<128x64xf32, #tpu.memory_space<vmem>>, vector<16xf32>,
          %add3A_562 = arith.constant 7 : i32
          %add3A_563 = arith.addi %mul3A_49, %add3A_562 : i32
          %get3A_564 = arith.index_cast %add3A_563 : i32 to index
          %get3A_565 = arith.constant 32 : index
          %get3A_566 = tpu.vector_load %arg11[%get3A_564, %get3A_565] {strides = array<i32>} : memref<128x64xf32, #tpu.memory_space<vmem>>, vector<16xf32>,
          %add3A_567 = arith.addf %get3A_561, %get3A_566 : vector<16xf32>
          %max3A_568 = arith.constant 0.000000e+00 : f32
          %max3A_569 = vector.broadcast %max3A_568 : f32 to vector<16xf32>
          %max3A_570 = arith.maximumf %add3A_567, %max3A_569 : vector<16xf32>
          %mul3A_571 = arith.mulf %max3A_570, %get3A_5 : vector<16xf32>
          %add3A_572 = arith.addf %add3A_556, %mul3A_571 : vector<16xf32>
          %add3A_573 = arith.constant 7 : i32
          %add3A_574 = arith.addi %mul3A_49, %add3A_573 : i32
          %get3A_575 = arith.index_cast %add3A_574 : i32 to index
          %get3A_576 = arith.constant 48 : index
          %get3A_577 = tpu.vector_load %arg10[%get3A_575, %get3A_576] {strides = array<i32>} : memref<128x64xf32, #tpu.memory_space<vmem>>, vector<16xf32>,
          %add3A_578 = arith.constant 7 : i32
          %add3A_579 = arith.addi %mul3A_49, %add3A_578 : i32
          %get3A_580 = arith.index_cast %add3A_579 : i32 to index
          %get3A_581 = arith.constant 48 : index
          %get3A_582 = tpu.vector_load %arg11[%get3A_580, %get3A_581] {strides = array<i32>} : memref<128x64xf32, #tpu.memory_space<vmem>>, vector<16xf32>,
          %add3A_583 = arith.addf %get3A_577, %get3A_582 : vector<16xf32>
          %max3A_584 = arith.constant 0.000000e+00 : f32
          %max3A_585 = vector.broadcast %max3A_584 : f32 to vector<16xf32>
          %max3A_586 = arith.maximumf %add3A_583, %max3A_585 : vector<16xf32>
          %mul3A_587 = arith.mulf %max3A_586, %get3A_7 : vector<16xf32>
          %add3A_588 = arith.addf %add3A_572, %mul3A_587 : vector<16xf32>
          %swap3A_589 = arith.constant 112 : index
          %swap3A_590 = tpu.vector_load %arg13[%swap3A_589] {strides = array<i32>} : memref<256xf32, #tpu.memory_space<vmem>>, vector<16xf32>,
          tpu.vector_store %arg13[%swap3A_589], %add3A_588 {strides = array<i32>} : memref<256xf32, #tpu.memory_space<vmem>>, vector<16xf32>,
          %broadcast_in_dim3A_591 = arith.constant 0.000000e+00 : f32
          %broadcast_in_dim3A_592 = vector.broadcast %broadcast_in_dim3A_591 : f32 to vector<16xf32>
          %add3A_593 = arith.constant 8 : i32
          %add3A_594 = arith.addi %mul3A_49, %add3A_593 : i32
          %get3A_595 = arith.index_cast %add3A_594 : i32 to index
          %get3A_596 = arith.constant 0 : index
          %get3A_597 = tpu.vector_load %arg10[%get3A_595, %get3A_596] {strides = array<i32>} : memref<128x64xf32, #tpu.memory_space<vmem>>, vector<16xf32>,
          %add3A_598 = arith.constant 8 : i32
          %add3A_599 = arith.addi %mul3A_49, %add3A_598 : i32
          %get3A_600 = arith.index_cast %add3A_599 : i32 to index
          %get3A_601 = arith.constant 0 : index
          %get3A_602 = tpu.vector_load %arg11[%get3A_600, %get3A_601] {strides = array<i32>} : memref<128x64xf32, #tpu.memory_space<vmem>>, vector<16xf32>,
          %add3A_603 = arith.addf %get3A_597, %get3A_602 : vector<16xf32>
          %max3A_604 = arith.constant 0.000000e+00 : f32
          %max3A_605 = vector.broadcast %max3A_604 : f32 to vector<16xf32>
          %max3A_606 = arith.maximumf %add3A_603, %max3A_605 : vector<16xf32>
          %mul3A_607 = arith.mulf %max3A_606, %get3A_1 : vector<16xf32>
          %add3A_608 = arith.addf %broadcast_in_dim3A_592, %mul3A_607 : vector<16xf32>
          %add3A_609 = arith.constant 8 : i32
          %add3A_610 = arith.addi %mul3A_49, %add3A_609 : i32
          %get3A_611 = arith.index_cast %add3A_610 : i32 to index
          %get3A_612 = arith.constant 16 : index
          %get3A_613 = tpu.vector_load %arg10[%get3A_611, %get3A_612] {strides = array<i32>} : memref<128x64xf32, #tpu.memory_space<vmem>>, vector<16xf32>,
          %add3A_614 = arith.constant 8 : i32
          %add3A_615 = arith.addi %mul3A_49, %add3A_614 : i32
          %get3A_616 = arith.index_cast %add3A_615 : i32 to index
          %get3A_617 = arith.constant 16 : index
          %get3A_618 = tpu.vector_load %arg11[%get3A_616, %get3A_617] {strides = array<i32>} : memref<128x64xf32, #tpu.memory_space<vmem>>, vector<16xf32>,
          %add3A_619 = arith.addf %get3A_613, %get3A_618 : vector<16xf32>
          %max3A_620 = arith.constant 0.000000e+00 : f32
          %max3A_621 = vector.broadcast %max3A_620 : f32 to vector<16xf32>
          %max3A_622 = arith.maximumf %add3A_619, %max3A_621 : vector<16xf32>
          %mul3A_623 = arith.mulf %max3A_622, %get3A_3 : vector<16xf32>
          %add3A_624 = arith.addf %add3A_608, %mul3A_623 : vector<16xf32>
          %add3A_625 = arith.constant 8 : i32
          %add3A_626 = arith.addi %mul3A_49, %add3A_625 : i32
          %get3A_627 = arith.index_cast %add3A_626 : i32 to index
          %get3A_628 = arith.constant 32 : index
          %get3A_629 = tpu.vector_load %arg10[%get3A_627, %get3A_628] {strides = array<i32>} : memref<128x64xf32, #tpu.memory_space<vmem>>, vector<16xf32>,
          %add3A_630 = arith.constant 8 : i32
          %add3A_631 = arith.addi %mul3A_49, %add3A_630 : i32
          %get3A_632 = arith.index_cast %add3A_631 : i32 to index
          %get3A_633 = arith.constant 32 : index
          %get3A_634 = tpu.vector_load %arg11[%get3A_632, %get3A_633] {strides = array<i32>} : memref<128x64xf32, #tpu.memory_space<vmem>>, vector<16xf32>,
          %add3A_635 = arith.addf %get3A_629, %get3A_634 : vector<16xf32>
          %max3A_636 = arith.constant 0.000000e+00 : f32
          %max3A_637 = vector.broadcast %max3A_636 : f32 to vector<16xf32>
          %max3A_638 = arith.maximumf %add3A_635, %max3A_637 : vector<16xf32>
          %mul3A_639 = arith.mulf %max3A_638, %get3A_5 : vector<16xf32>
          %add3A_640 = arith.addf %add3A_624, %mul3A_639 : vector<16xf32>
          %add3A_641 = arith.constant 8 : i32
          %add3A_642 = arith.addi %mul3A_49, %add3A_641 : i32
          %get3A_643 = arith.index_cast %add3A_642 : i32 to index
          %get3A_644 = arith.constant 48 : index
          %get3A_645 = tpu.vector_load %arg10[%get3A_643, %get3A_644] {strides = array<i32>} : memref<128x64xf32, #tpu.memory_space<vmem>>, vector<16xf32>,
          %add3A_646 = arith.constant 8 : i32
          %add3A_647 = arith.addi %mul3A_49, %add3A_646 : i32
          %get3A_648 = arith.index_cast %add3A_647 : i32 to index
          %get3A_649 = arith.constant 48 : index
          %get3A_650 = tpu.vector_load %arg11[%get3A_648, %get3A_649] {strides = array<i32>} : memref<128x64xf32, #tpu.memory_space<vmem>>, vector<16xf32>,
          %add3A_651 = arith.addf %get3A_645, %get3A_650 : vector<16xf32>
          %max3A_652 = arith.constant 0.000000e+00 : f32
          %max3A_653 = vector.broadcast %max3A_652 : f32 to vector<16xf32>
          %max3A_654 = arith.maximumf %add3A_651, %max3A_653 : vector<16xf32>
          %mul3A_655 = arith.mulf %max3A_654, %get3A_7 : vector<16xf32>
          %add3A_656 = arith.addf %add3A_640, %mul3A_655 : vector<16xf32>
          %swap3A_657 = arith.constant 128 : index
          %swap3A_658 = tpu.vector_load %arg13[%swap3A_657] {strides = array<i32>} : memref<256xf32, #tpu.memory_space<vmem>>, vector<16xf32>,
          tpu.vector_store %arg13[%swap3A_657], %add3A_656 {strides = array<i32>} : memref<256xf32, #tpu.memory_space<vmem>>, vector<16xf32>,
          %broadcast_in_dim3A_659 = arith.constant 0.000000e+00 : f32
          %broadcast_in_dim3A_660 = vector.broadcast %broadcast_in_dim3A_659 : f32 to vector<16xf32>
          %add3A_661 = arith.constant 9 : i32
          %add3A_662 = arith.addi %mul3A_49, %add3A_661 : i32
          %get3A_663 = arith.index_cast %add3A_662 : i32 to index
          %get3A_664 = arith.constant 0 : index
          %get3A_665 = tpu.vector_load %arg10[%get3A_663, %get3A_664] {strides = array<i32>} : memref<128x64xf32, #tpu.memory_space<vmem>>, vector<16xf32>,
          %add3A_666 = arith.constant 9 : i32
          %add3A_667 = arith.addi %mul3A_49, %add3A_666 : i32
          %get3A_668 = arith.index_cast %add3A_667 : i32 to index
          %get3A_669 = arith.constant 0 : index
          %get3A_670 = tpu.vector_load %arg11[%get3A_668, %get3A_669] {strides = array<i32>} : memref<128x64xf32, #tpu.memory_space<vmem>>, vector<16xf32>,
          %add3A_671 = arith.addf %get3A_665, %get3A_670 : vector<16xf32>
          %max3A_672 = arith.constant 0.000000e+00 : f32
          %max3A_673 = vector.broadcast %max3A_672 : f32 to vector<16xf32>
          %max3A_674 = arith.maximumf %add3A_671, %max3A_673 : vector<16xf32>
          %mul3A_675 = arith.mulf %max3A_674, %get3A_1 : vector<16xf32>
          %add3A_676 = arith.addf %broadcast_in_dim3A_660, %mul3A_675 : vector<16xf32>
          %add3A_677 = arith.constant 9 : i32
          %add3A_678 = arith.addi %mul3A_49, %add3A_677 : i32
          %get3A_679 = arith.index_cast %add3A_678 : i32 to index
          %get3A_680 = arith.constant 16 : index
          %get3A_681 = tpu.vector_load %arg10[%get3A_679, %get3A_680] {strides = array<i32>} : memref<128x64xf32, #tpu.memory_space<vmem>>, vector<16xf32>,
          %add3A_682 = arith.constant 9 : i32
          %add3A_683 = arith.addi %mul3A_49, %add3A_682 : i32
          %get3A_684 = arith.index_cast %add3A_683 : i32 to index
          %get3A_685 = arith.constant 16 : index
          %get3A_686 = tpu.vector_load %arg11[%get3A_684, %get3A_685] {strides = array<i32>} : memref<128x64xf32, #tpu.memory_space<vmem>>, vector<16xf32>,
          %add3A_687 = arith.addf %get3A_681, %get3A_686 : vector<16xf32>
          %max3A_688 = arith.constant 0.000000e+00 : f32
          %max3A_689 = vector.broadcast %max3A_688 : f32 to vector<16xf32>
          %max3A_690 = arith.maximumf %add3A_687, %max3A_689 : vector<16xf32>
          %mul3A_691 = arith.mulf %max3A_690, %get3A_3 : vector<16xf32>
          %add3A_692 = arith.addf %add3A_676, %mul3A_691 : vector<16xf32>
          %add3A_693 = arith.constant 9 : i32
          %add3A_694 = arith.addi %mul3A_49, %add3A_693 : i32
          %get3A_695 = arith.index_cast %add3A_694 : i32 to index
          %get3A_696 = arith.constant 32 : index
          %get3A_697 = tpu.vector_load %arg10[%get3A_695, %get3A_696] {strides = array<i32>} : memref<128x64xf32, #tpu.memory_space<vmem>>, vector<16xf32>,
          %add3A_698 = arith.constant 9 : i32
          %add3A_699 = arith.addi %mul3A_49, %add3A_698 : i32
          %get3A_700 = arith.index_cast %add3A_699 : i32 to index
          %get3A_701 = arith.constant 32 : index
          %get3A_702 = tpu.vector_load %arg11[%get3A_700, %get3A_701] {strides = array<i32>} : memref<128x64xf32, #tpu.memory_space<vmem>>, vector<16xf32>,
          %add3A_703 = arith.addf %get3A_697, %get3A_702 : vector<16xf32>
          %max3A_704 = arith.constant 0.000000e+00 : f32
          %max3A_705 = vector.broadcast %max3A_704 : f32 to vector<16xf32>
          %max3A_706 = arith.maximumf %add3A_703, %max3A_705 : vector<16xf32>
          %mul3A_707 = arith.mulf %max3A_706, %get3A_5 : vector<16xf32>
          %add3A_708 = arith.addf %add3A_692, %mul3A_707 : vector<16xf32>
          %add3A_709 = arith.constant 9 : i32
          %add3A_710 = arith.addi %mul3A_49, %add3A_709 : i32
          %get3A_711 = arith.index_cast %add3A_710 : i32 to index
          %get3A_712 = arith.constant 48 : index
          %get3A_713 = tpu.vector_load %arg10[%get3A_711, %get3A_712] {strides = array<i32>} : memref<128x64xf32, #tpu.memory_space<vmem>>, vector<16xf32>,
          %add3A_714 = arith.constant 9 : i32
          %add3A_715 = arith.addi %mul3A_49, %add3A_714 : i32
          %get3A_716 = arith.index_cast %add3A_715 : i32 to index
          %get3A_717 = arith.constant 48 : index
          %get3A_718 = tpu.vector_load %arg11[%get3A_716, %get3A_717] {strides = array<i32>} : memref<128x64xf32, #tpu.memory_space<vmem>>, vector<16xf32>,
          %add3A_719 = arith.addf %get3A_713, %get3A_718 : vector<16xf32>
          %max3A_720 = arith.constant 0.000000e+00 : f32
          %max3A_721 = vector.broadcast %max3A_720 : f32 to vector<16xf32>
          %max3A_722 = arith.maximumf %add3A_719, %max3A_721 : vector<16xf32>
          %mul3A_723 = arith.mulf %max3A_722, %get3A_7 : vector<16xf32>
          %add3A_724 = arith.addf %add3A_708, %mul3A_723 : vector<16xf32>
          %swap3A_725 = arith.constant 144 : index
          %swap3A_726 = tpu.vector_load %arg13[%swap3A_725] {strides = array<i32>} : memref<256xf32, #tpu.memory_space<vmem>>, vector<16xf32>,
          tpu.vector_store %arg13[%swap3A_725], %add3A_724 {strides = array<i32>} : memref<256xf32, #tpu.memory_space<vmem>>, vector<16xf32>,
          %broadcast_in_dim3A_727 = arith.constant 0.000000e+00 : f32
          %broadcast_in_dim3A_728 = vector.broadcast %broadcast_in_dim3A_727 : f32 to vector<16xf32>
          %add3A_729 = arith.constant 10 : i32
          %add3A_730 = arith.addi %mul3A_49, %add3A_729 : i32
          %get3A_731 = arith.index_cast %add3A_730 : i32 to index
          %get3A_732 = arith.constant 0 : index
          %get3A_733 = tpu.vector_load %arg10[%get3A_731, %get3A_732] {strides = array<i32>} : memref<128x64xf32, #tpu.memory_space<vmem>>, vector<16xf32>,
          %add3A_734 = arith.constant 10 : i32
          %add3A_735 = arith.addi %mul3A_49, %add3A_734 : i32
          %get3A_736 = arith.index_cast %add3A_735 : i32 to index
          %get3A_737 = arith.constant 0 : index
          %get3A_738 = tpu.vector_load %arg11[%get3A_736, %get3A_737] {strides = array<i32>} : memref<128x64xf32, #tpu.memory_space<vmem>>, vector<16xf32>,
          %add3A_739 = arith.addf %get3A_733, %get3A_738 : vector<16xf32>
          %max3A_740 = arith.constant 0.000000e+00 : f32
          %max3A_741 = vector.broadcast %max3A_740 : f32 to vector<16xf32>
          %max3A_742 = arith.maximumf %add3A_739, %max3A_741 : vector<16xf32>
          %mul3A_743 = arith.mulf %max3A_742, %get3A_1 : vector<16xf32>
          %add3A_744 = arith.addf %broadcast_in_dim3A_728, %mul3A_743 : vector<16xf32>
          %add3A_745 = arith.constant 10 : i32
          %add3A_746 = arith.addi %mul3A_49, %add3A_745 : i32
          %get3A_747 = arith.index_cast %add3A_746 : i32 to index
          %get3A_748 = arith.constant 16 : index
          %get3A_749 = tpu.vector_load %arg10[%get3A_747, %get3A_748] {strides = array<i32>} : memref<128x64xf32, #tpu.memory_space<vmem>>, vector<16xf32>,
          %add3A_750 = arith.constant 10 : i32
          %add3A_751 = arith.addi %mul3A_49, %add3A_750 : i32
          %get3A_752 = arith.index_cast %add3A_751 : i32 to index
          %get3A_753 = arith.constant 16 : index
          %get3A_754 = tpu.vector_load %arg11[%get3A_752, %get3A_753] {strides = array<i32>} : memref<128x64xf32, #tpu.memory_space<vmem>>, vector<16xf32>,
          %add3A_755 = arith.addf %get3A_749, %get3A_754 : vector<16xf32>
          %max3A_756 = arith.constant 0.000000e+00 : f32
          %max3A_757 = vector.broadcast %max3A_756 : f32 to vector<16xf32>
          %max3A_758 = arith.maximumf %add3A_755, %max3A_757 : vector<16xf32>
          %mul3A_759 = arith.mulf %max3A_758, %get3A_3 : vector<16xf32>
          %add3A_760 = arith.addf %add3A_744, %mul3A_759 : vector<16xf32>
          %add3A_761 = arith.constant 10 : i32
          %add3A_762 = arith.addi %mul3A_49, %add3A_761 : i32
          %get3A_763 = arith.index_cast %add3A_762 : i32 to index
          %get3A_764 = arith.constant 32 : index
          %get3A_765 = tpu.vector_load %arg10[%get3A_763, %get3A_764] {strides = array<i32>} : memref<128x64xf32, #tpu.memory_space<vmem>>, vector<16xf32>,
          %add3A_766 = arith.constant 10 : i32
          %add3A_767 = arith.addi %mul3A_49, %add3A_766 : i32
          %get3A_768 = arith.index_cast %add3A_767 : i32 to index
          %get3A_769 = arith.constant 32 : index
          %get3A_770 = tpu.vector_load %arg11[%get3A_768, %get3A_769] {strides = array<i32>} : memref<128x64xf32, #tpu.memory_space<vmem>>, vector<16xf32>,
          %add3A_771 = arith.addf %get3A_765, %get3A_770 : vector<16xf32>
          %max3A_772 = arith.constant 0.000000e+00 : f32
          %max3A_773 = vector.broadcast %max3A_772 : f32 to vector<16xf32>
          %max3A_774 = arith.maximumf %add3A_771, %max3A_773 : vector<16xf32>
          %mul3A_775 = arith.mulf %max3A_774, %get3A_5 : vector<16xf32>
          %add3A_776 = arith.addf %add3A_760, %mul3A_775 : vector<16xf32>
          %add3A_777 = arith.constant 10 : i32
          %add3A_778 = arith.addi %mul3A_49, %add3A_777 : i32
          %get3A_779 = arith.index_cast %add3A_778 : i32 to index
          %get3A_780 = arith.constant 48 : index
          %get3A_781 = tpu.vector_load %arg10[%get3A_779, %get3A_780] {strides = array<i32>} : memref<128x64xf32, #tpu.memory_space<vmem>>, vector<16xf32>,
          %add3A_782 = arith.constant 10 : i32
          %add3A_783 = arith.addi %mul3A_49, %add3A_782 : i32
          %get3A_784 = arith.index_cast %add3A_783 : i32 to index
          %get3A_785 = arith.constant 48 : index
          %get3A_786 = tpu.vector_load %arg11[%get3A_784, %get3A_785] {strides = array<i32>} : memref<128x64xf32, #tpu.memory_space<vmem>>, vector<16xf32>,
          %add3A_787 = arith.addf %get3A_781, %get3A_786 : vector<16xf32>
          %max3A_788 = arith.constant 0.000000e+00 : f32
          %max3A_789 = vector.broadcast %max3A_788 : f32 to vector<16xf32>
          %max3A_790 = arith.maximumf %add3A_787, %max3A_789 : vector<16xf32>
          %mul3A_791 = arith.mulf %max3A_790, %get3A_7 : vector<16xf32>
          %add3A_792 = arith.addf %add3A_776, %mul3A_791 : vector<16xf32>
          %swap3A_793 = arith.constant 160 : index
          %swap3A_794 = tpu.vector_load %arg13[%swap3A_793] {strides = array<i32>} : memref<256xf32, #tpu.memory_space<vmem>>, vector<16xf32>,
          tpu.vector_store %arg13[%swap3A_793], %add3A_792 {strides = array<i32>} : memref<256xf32, #tpu.memory_space<vmem>>, vector<16xf32>,
          %broadcast_in_dim3A_795 = arith.constant 0.000000e+00 : f32
          %broadcast_in_dim3A_796 = vector.broadcast %broadcast_in_dim3A_795 : f32 to vector<16xf32>
          %add3A_797 = arith.constant 11 : i32
          %add3A_798 = arith.addi %mul3A_49, %add3A_797 : i32
          %get3A_799 = arith.index_cast %add3A_798 : i32 to index
          %get3A_800 = arith.constant 0 : index
          %get3A_801 = tpu.vector_load %arg10[%get3A_799, %get3A_800] {strides = array<i32>} : memref<128x64xf32, #tpu.memory_space<vmem>>, vector<16xf32>,
          %add3A_802 = arith.constant 11 : i32
          %add3A_803 = arith.addi %mul3A_49, %add3A_802 : i32
          %get3A_804 = arith.index_cast %add3A_803 : i32 to index
          %get3A_805 = arith.constant 0 : index
          %get3A_806 = tpu.vector_load %arg11[%get3A_804, %get3A_805] {strides = array<i32>} : memref<128x64xf32, #tpu.memory_space<vmem>>, vector<16xf32>,
          %add3A_807 = arith.addf %get3A_801, %get3A_806 : vector<16xf32>
          %max3A_808 = arith.constant 0.000000e+00 : f32
          %max3A_809 = vector.broadcast %max3A_808 : f32 to vector<16xf32>
          %max3A_810 = arith.maximumf %add3A_807, %max3A_809 : vector<16xf32>
          %mul3A_811 = arith.mulf %max3A_810, %get3A_1 : vector<16xf32>
          %add3A_812 = arith.addf %broadcast_in_dim3A_796, %mul3A_811 : vector<16xf32>
          %add3A_813 = arith.constant 11 : i32
          %add3A_814 = arith.addi %mul3A_49, %add3A_813 : i32
          %get3A_815 = arith.index_cast %add3A_814 : i32 to index
          %get3A_816 = arith.constant 16 : index
          %get3A_817 = tpu.vector_load %arg10[%get3A_815, %get3A_816] {strides = array<i32>} : memref<128x64xf32, #tpu.memory_space<vmem>>, vector<16xf32>,
          %add3A_818 = arith.constant 11 : i32
          %add3A_819 = arith.addi %mul3A_49, %add3A_818 : i32
          %get3A_820 = arith.index_cast %add3A_819 : i32 to index
          %get3A_821 = arith.constant 16 : index
          %get3A_822 = tpu.vector_load %arg11[%get3A_820, %get3A_821] {strides = array<i32>} : memref<128x64xf32, #tpu.memory_space<vmem>>, vector<16xf32>,
          %add3A_823 = arith.addf %get3A_817, %get3A_822 : vector<16xf32>
          %max3A_824 = arith.constant 0.000000e+00 : f32
          %max3A_825 = vector.broadcast %max3A_824 : f32 to vector<16xf32>
          %max3A_826 = arith.maximumf %add3A_823, %max3A_825 : vector<16xf32>
          %mul3A_827 = arith.mulf %max3A_826, %get3A_3 : vector<16xf32>
          %add3A_828 = arith.addf %add3A_812, %mul3A_827 : vector<16xf32>
          %add3A_829 = arith.constant 11 : i32
          %add3A_830 = arith.addi %mul3A_49, %add3A_829 : i32
          %get3A_831 = arith.index_cast %add3A_830 : i32 to index
          %get3A_832 = arith.constant 32 : index
          %get3A_833 = tpu.vector_load %arg10[%get3A_831, %get3A_832] {strides = array<i32>} : memref<128x64xf32, #tpu.memory_space<vmem>>, vector<16xf32>,
          %add3A_834 = arith.constant 11 : i32
          %add3A_835 = arith.addi %mul3A_49, %add3A_834 : i32
          %get3A_836 = arith.index_cast %add3A_835 : i32 to index
          %get3A_837 = arith.constant 32 : index
          %get3A_838 = tpu.vector_load %arg11[%get3A_836, %get3A_837] {strides = array<i32>} : memref<128x64xf32, #tpu.memory_space<vmem>>, vector<16xf32>,
          %add3A_839 = arith.addf %get3A_833, %get3A_838 : vector<16xf32>
          %max3A_840 = arith.constant 0.000000e+00 : f32
          %max3A_841 = vector.broadcast %max3A_840 : f32 to vector<16xf32>
          %max3A_842 = arith.maximumf %add3A_839, %max3A_841 : vector<16xf32>
          %mul3A_843 = arith.mulf %max3A_842, %get3A_5 : vector<16xf32>
          %add3A_844 = arith.addf %add3A_828, %mul3A_843 : vector<16xf32>
          %add3A_845 = arith.constant 11 : i32
          %add3A_846 = arith.addi %mul3A_49, %add3A_845 : i32
          %get3A_847 = arith.index_cast %add3A_846 : i32 to index
          %get3A_848 = arith.constant 48 : index
          %get3A_849 = tpu.vector_load %arg10[%get3A_847, %get3A_848] {strides = array<i32>} : memref<128x64xf32, #tpu.memory_space<vmem>>, vector<16xf32>,
          %add3A_850 = arith.constant 11 : i32
          %add3A_851 = arith.addi %mul3A_49, %add3A_850 : i32
          %get3A_852 = arith.index_cast %add3A_851 : i32 to index
          %get3A_853 = arith.constant 48 : index
          %get3A_854 = tpu.vector_load %arg11[%get3A_852, %get3A_853] {strides = array<i32>} : memref<128x64xf32, #tpu.memory_space<vmem>>, vector<16xf32>,
          %add3A_855 = arith.addf %get3A_849, %get3A_854 : vector<16xf32>
          %max3A_856 = arith.constant 0.000000e+00 : f32
          %max3A_857 = vector.broadcast %max3A_856 : f32 to vector<16xf32>
          %max3A_858 = arith.maximumf %add3A_855, %max3A_857 : vector<16xf32>
          %mul3A_859 = arith.mulf %max3A_858, %get3A_7 : vector<16xf32>
          %add3A_860 = arith.addf %add3A_844, %mul3A_859 : vector<16xf32>
          %swap3A_861 = arith.constant 176 : index
          %swap3A_862 = tpu.vector_load %arg13[%swap3A_861] {strides = array<i32>} : memref<256xf32, #tpu.memory_space<vmem>>, vector<16xf32>,
          tpu.vector_store %arg13[%swap3A_861], %add3A_860 {strides = array<i32>} : memref<256xf32, #tpu.memory_space<vmem>>, vector<16xf32>,
          %broadcast_in_dim3A_863 = arith.constant 0.000000e+00 : f32
          %broadcast_in_dim3A_864 = vector.broadcast %broadcast_in_dim3A_863 : f32 to vector<16xf32>
          %add3A_865 = arith.constant 12 : i32
          %add3A_866 = arith.addi %mul3A_49, %add3A_865 : i32
          %get3A_867 = arith.index_cast %add3A_866 : i32 to index
          %get3A_868 = arith.constant 0 : index
          %get3A_869 = tpu.vector_load %arg10[%get3A_867, %get3A_868] {strides = array<i32>} : memref<128x64xf32, #tpu.memory_space<vmem>>, vector<16xf32>,
          %add3A_870 = arith.constant 12 : i32
          %add3A_871 = arith.addi %mul3A_49, %add3A_870 : i32
          %get3A_872 = arith.index_cast %add3A_871 : i32 to index
          %get3A_873 = arith.constant 0 : index
          %get3A_874 = tpu.vector_load %arg11[%get3A_872, %get3A_873] {strides = array<i32>} : memref<128x64xf32, #tpu.memory_space<vmem>>, vector<16xf32>,
          %add3A_875 = arith.addf %get3A_869, %get3A_874 : vector<16xf32>
          %max3A_876 = arith.constant 0.000000e+00 : f32
          %max3A_877 = vector.broadcast %max3A_876 : f32 to vector<16xf32>
          %max3A_878 = arith.maximumf %add3A_875, %max3A_877 : vector<16xf32>
          %mul3A_879 = arith.mulf %max3A_878, %get3A_1 : vector<16xf32>
          %add3A_880 = arith.addf %broadcast_in_dim3A_864, %mul3A_879 : vector<16xf32>
          %add3A_881 = arith.constant 12 : i32
          %add3A_882 = arith.addi %mul3A_49, %add3A_881 : i32
          %get3A_883 = arith.index_cast %add3A_882 : i32 to index
          %get3A_884 = arith.constant 16 : index
          %get3A_885 = tpu.vector_load %arg10[%get3A_883, %get3A_884] {strides = array<i32>} : memref<128x64xf32, #tpu.memory_space<vmem>>, vector<16xf32>,
          %add3A_886 = arith.constant 12 : i32
          %add3A_887 = arith.addi %mul3A_49, %add3A_886 : i32
          %get3A_888 = arith.index_cast %add3A_887 : i32 to index
          %get3A_889 = arith.constant 16 : index
          %get3A_890 = tpu.vector_load %arg11[%get3A_888, %get3A_889] {strides = array<i32>} : memref<128x64xf32, #tpu.memory_space<vmem>>, vector<16xf32>,
          %add3A_891 = arith.addf %get3A_885, %get3A_890 : vector<16xf32>
          %max3A_892 = arith.constant 0.000000e+00 : f32
          %max3A_893 = vector.broadcast %max3A_892 : f32 to vector<16xf32>
          %max3A_894 = arith.maximumf %add3A_891, %max3A_893 : vector<16xf32>
          %mul3A_895 = arith.mulf %max3A_894, %get3A_3 : vector<16xf32>
          %add3A_896 = arith.addf %add3A_880, %mul3A_895 : vector<16xf32>
          %add3A_897 = arith.constant 12 : i32
          %add3A_898 = arith.addi %mul3A_49, %add3A_897 : i32
          %get3A_899 = arith.index_cast %add3A_898 : i32 to index
          %get3A_900 = arith.constant 32 : index
          %get3A_901 = tpu.vector_load %arg10[%get3A_899, %get3A_900] {strides = array<i32>} : memref<128x64xf32, #tpu.memory_space<vmem>>, vector<16xf32>,
          %add3A_902 = arith.constant 12 : i32
          %add3A_903 = arith.addi %mul3A_49, %add3A_902 : i32
          %get3A_904 = arith.index_cast %add3A_903 : i32 to index
          %get3A_905 = arith.constant 32 : index
          %get3A_906 = tpu.vector_load %arg11[%get3A_904, %get3A_905] {strides = array<i32>} : memref<128x64xf32, #tpu.memory_space<vmem>>, vector<16xf32>,
          %add3A_907 = arith.addf %get3A_901, %get3A_906 : vector<16xf32>
          %max3A_908 = arith.constant 0.000000e+00 : f32
          %max3A_909 = vector.broadcast %max3A_908 : f32 to vector<16xf32>
          %max3A_910 = arith.maximumf %add3A_907, %max3A_909 : vector<16xf32>
          %mul3A_911 = arith.mulf %max3A_910, %get3A_5 : vector<16xf32>
          %add3A_912 = arith.addf %add3A_896, %mul3A_911 : vector<16xf32>
          %add3A_913 = arith.constant 12 : i32
          %add3A_914 = arith.addi %mul3A_49, %add3A_913 : i32
          %get3A_915 = arith.index_cast %add3A_914 : i32 to index
          %get3A_916 = arith.constant 48 : index
          %get3A_917 = tpu.vector_load %arg10[%get3A_915, %get3A_916] {strides = array<i32>} : memref<128x64xf32, #tpu.memory_space<vmem>>, vector<16xf32>,
          %add3A_918 = arith.constant 12 : i32
          %add3A_919 = arith.addi %mul3A_49, %add3A_918 : i32
          %get3A_920 = arith.index_cast %add3A_919 : i32 to index
          %get3A_921 = arith.constant 48 : index
          %get3A_922 = tpu.vector_load %arg11[%get3A_920, %get3A_921] {strides = array<i32>} : memref<128x64xf32, #tpu.memory_space<vmem>>, vector<16xf32>,
          %add3A_923 = arith.addf %get3A_917, %get3A_922 : vector<16xf32>
          %max3A_924 = arith.constant 0.000000e+00 : f32
          %max3A_925 = vector.broadcast %max3A_924 : f32 to vector<16xf32>
          %max3A_926 = arith.maximumf %add3A_923, %max3A_925 : vector<16xf32>
          %mul3A_927 = arith.mulf %max3A_926, %get3A_7 : vector<16xf32>
          %add3A_928 = arith.addf %add3A_912, %mul3A_927 : vector<16xf32>
          %swap3A_929 = arith.constant 192 : index
          %swap3A_930 = tpu.vector_load %arg13[%swap3A_929] {strides = array<i32>} : memref<256xf32, #tpu.memory_space<vmem>>, vector<16xf32>,
          tpu.vector_store %arg13[%swap3A_929], %add3A_928 {strides = array<i32>} : memref<256xf32, #tpu.memory_space<vmem>>, vector<16xf32>,
          %broadcast_in_dim3A_931 = arith.constant 0.000000e+00 : f32
          %broadcast_in_dim3A_932 = vector.broadcast %broadcast_in_dim3A_931 : f32 to vector<16xf32>
          %add3A_933 = arith.constant 13 : i32
          %add3A_934 = arith.addi %mul3A_49, %add3A_933 : i32
          %get3A_935 = arith.index_cast %add3A_934 : i32 to index
          %get3A_936 = arith.constant 0 : index
          %get3A_937 = tpu.vector_load %arg10[%get3A_935, %get3A_936] {strides = array<i32>} : memref<128x64xf32, #tpu.memory_space<vmem>>, vector<16xf32>,
          %add3A_938 = arith.constant 13 : i32
          %add3A_939 = arith.addi %mul3A_49, %add3A_938 : i32
          %get3A_940 = arith.index_cast %add3A_939 : i32 to index
          %get3A_941 = arith.constant 0 : index
          %get3A_942 = tpu.vector_load %arg11[%get3A_940, %get3A_941] {strides = array<i32>} : memref<128x64xf32, #tpu.memory_space<vmem>>, vector<16xf32>,
          %add3A_943 = arith.addf %get3A_937, %get3A_942 : vector<16xf32>
          %max3A_944 = arith.constant 0.000000e+00 : f32
          %max3A_945 = vector.broadcast %max3A_944 : f32 to vector<16xf32>
          %max3A_946 = arith.maximumf %add3A_943, %max3A_945 : vector<16xf32>
          %mul3A_947 = arith.mulf %max3A_946, %get3A_1 : vector<16xf32>
          %add3A_948 = arith.addf %broadcast_in_dim3A_932, %mul3A_947 : vector<16xf32>
          %add3A_949 = arith.constant 13 : i32
          %add3A_950 = arith.addi %mul3A_49, %add3A_949 : i32
          %get3A_951 = arith.index_cast %add3A_950 : i32 to index
          %get3A_952 = arith.constant 16 : index
          %get3A_953 = tpu.vector_load %arg10[%get3A_951, %get3A_952] {strides = array<i32>} : memref<128x64xf32, #tpu.memory_space<vmem>>, vector<16xf32>,
          %add3A_954 = arith.constant 13 : i32
          %add3A_955 = arith.addi %mul3A_49, %add3A_954 : i32
          %get3A_956 = arith.index_cast %add3A_955 : i32 to index
          %get3A_957 = arith.constant 16 : index
          %get3A_958 = tpu.vector_load %arg11[%get3A_956, %get3A_957] {strides = array<i32>} : memref<128x64xf32, #tpu.memory_space<vmem>>, vector<16xf32>,
          %add3A_959 = arith.addf %get3A_953, %get3A_958 : vector<16xf32>
          %max3A_960 = arith.constant 0.000000e+00 : f32
          %max3A_961 = vector.broadcast %max3A_960 : f32 to vector<16xf32>
          %max3A_962 = arith.maximumf %add3A_959, %max3A_961 : vector<16xf32>
          %mul3A_963 = arith.mulf %max3A_962, %get3A_3 : vector<16xf32>
          %add3A_964 = arith.addf %add3A_948, %mul3A_963 : vector<16xf32>
          %add3A_965 = arith.constant 13 : i32
          %add3A_966 = arith.addi %mul3A_49, %add3A_965 : i32
          %get3A_967 = arith.index_cast %add3A_966 : i32 to index
          %get3A_968 = arith.constant 32 : index
          %get3A_969 = tpu.vector_load %arg10[%get3A_967, %get3A_968] {strides = array<i32>} : memref<128x64xf32, #tpu.memory_space<vmem>>, vector<16xf32>,
          %add3A_970 = arith.constant 13 : i32
          %add3A_971 = arith.addi %mul3A_49, %add3A_970 : i32
          %get3A_972 = arith.index_cast %add3A_971 : i32 to index
          %get3A_973 = arith.constant 32 : index
          %get3A_974 = tpu.vector_load %arg11[%get3A_972, %get3A_973] {strides = array<i32>} : memref<128x64xf32, #tpu.memory_space<vmem>>, vector<16xf32>,
          %add3A_975 = arith.addf %get3A_969, %get3A_974 : vector<16xf32>
          %max3A_976 = arith.constant 0.000000e+00 : f32
          %max3A_977 = vector.broadcast %max3A_976 : f32 to vector<16xf32>
          %max3A_978 = arith.maximumf %add3A_975, %max3A_977 : vector<16xf32>
          %mul3A_979 = arith.mulf %max3A_978, %get3A_5 : vector<16xf32>
          %add3A_980 = arith.addf %add3A_964, %mul3A_979 : vector<16xf32>
          %add3A_981 = arith.constant 13 : i32
          %add3A_982 = arith.addi %mul3A_49, %add3A_981 : i32
          %get3A_983 = arith.index_cast %add3A_982 : i32 to index
          %get3A_984 = arith.constant 48 : index
          %get3A_985 = tpu.vector_load %arg10[%get3A_983, %get3A_984] {strides = array<i32>} : memref<128x64xf32, #tpu.memory_space<vmem>>, vector<16xf32>,
          %add3A_986 = arith.constant 13 : i32
          %add3A_987 = arith.addi %mul3A_49, %add3A_986 : i32
          %get3A_988 = arith.index_cast %add3A_987 : i32 to index
          %get3A_989 = arith.constant 48 : index
          %get3A_990 = tpu.vector_load %arg11[%get3A_988, %get3A_989] {strides = array<i32>} : memref<128x64xf32, #tpu.memory_space<vmem>>, vector<16xf32>,
          %add3A_991 = arith.addf %get3A_985, %get3A_990 : vector<16xf32>
          %max3A_992 = arith.constant 0.000000e+00 : f32
          %max3A_993 = vector.broadcast %max3A_992 : f32 to vector<16xf32>
          %max3A_994 = arith.maximumf %add3A_991, %max3A_993 : vector<16xf32>
          %mul3A_995 = arith.mulf %max3A_994, %get3A_7 : vector<16xf32>
          %add3A_996 = arith.addf %add3A_980, %mul3A_995 : vector<16xf32>
          %swap3A_997 = arith.constant 208 : index
          %swap3A_998 = tpu.vector_load %arg13[%swap3A_997] {strides = array<i32>} : memref<256xf32, #tpu.memory_space<vmem>>, vector<16xf32>,
          tpu.vector_store %arg13[%swap3A_997], %add3A_996 {strides = array<i32>} : memref<256xf32, #tpu.memory_space<vmem>>, vector<16xf32>,
          %broadcast_in_dim3A_999 = arith.constant 0.000000e+00 : f32
          %broadcast_in_dim3A_1000 = vector.broadcast %broadcast_in_dim3A_999 : f32 to vector<16xf32>
          %add3A_1001 = arith.constant 14 : i32
          %add3A_1002 = arith.addi %mul3A_49, %add3A_1001 : i32
          %get3A_1003 = arith.index_cast %add3A_1002 : i32 to index
          %get3A_1004 = arith.constant 0 : index
          %get3A_1005 = tpu.vector_load %arg10[%get3A_1003, %get3A_1004] {strides = array<i32>} : memref<128x64xf32, #tpu.memory_space<vmem>>, vector<16xf32>,
          %add3A_1006 = arith.constant 14 : i32
          %add3A_1007 = arith.addi %mul3A_49, %add3A_1006 : i32
          %get3A_1008 = arith.index_cast %add3A_1007 : i32 to index
          %get3A_1009 = arith.constant 0 : index
          %get3A_1010 = tpu.vector_load %arg11[%get3A_1008, %get3A_1009] {strides = array<i32>} : memref<128x64xf32, #tpu.memory_space<vmem>>, vector<16xf32>,
          %add3A_1011 = arith.addf %get3A_1005, %get3A_1010 : vector<16xf32>
          %max3A_1012 = arith.constant 0.000000e+00 : f32
          %max3A_1013 = vector.broadcast %max3A_1012 : f32 to vector<16xf32>
          %max3A_1014 = arith.maximumf %add3A_1011, %max3A_1013 : vector<16xf32>
          %mul3A_1015 = arith.mulf %max3A_1014, %get3A_1 : vector<16xf32>
          %add3A_1016 = arith.addf %broadcast_in_dim3A_1000, %mul3A_1015 : vector<16xf32>
          %add3A_1017 = arith.constant 14 : i32
          %add3A_1018 = arith.addi %mul3A_49, %add3A_1017 : i32
          %get3A_1019 = arith.index_cast %add3A_1018 : i32 to index
          %get3A_1020 = arith.constant 16 : index
          %get3A_1021 = tpu.vector_load %arg10[%get3A_1019, %get3A_1020] {strides = array<i32>} : memref<128x64xf32, #tpu.memory_space<vmem>>, vector<16xf32>,
          %add3A_1022 = arith.constant 14 : i32
          %add3A_1023 = arith.addi %mul3A_49, %add3A_1022 : i32
          %get3A_1024 = arith.index_cast %add3A_1023 : i32 to index
          %get3A_1025 = arith.constant 16 : index
          %get3A_1026 = tpu.vector_load %arg11[%get3A_1024, %get3A_1025] {strides = array<i32>} : memref<128x64xf32, #tpu.memory_space<vmem>>, vector<16xf32>,
          %add3A_1027 = arith.addf %get3A_1021, %get3A_1026 : vector<16xf32>
          %max3A_1028 = arith.constant 0.000000e+00 : f32
          %max3A_1029 = vector.broadcast %max3A_1028 : f32 to vector<16xf32>
          %max3A_1030 = arith.maximumf %add3A_1027, %max3A_1029 : vector<16xf32>
          %mul3A_1031 = arith.mulf %max3A_1030, %get3A_3 : vector<16xf32>
          %add3A_1032 = arith.addf %add3A_1016, %mul3A_1031 : vector<16xf32>
          %add3A_1033 = arith.constant 14 : i32
          %add3A_1034 = arith.addi %mul3A_49, %add3A_1033 : i32
          %get3A_1035 = arith.index_cast %add3A_1034 : i32 to index
          %get3A_1036 = arith.constant 32 : index
          %get3A_1037 = tpu.vector_load %arg10[%get3A_1035, %get3A_1036] {strides = array<i32>} : memref<128x64xf32, #tpu.memory_space<vmem>>, vector<16xf32>,
          %add3A_1038 = arith.constant 14 : i32
          %add3A_1039 = arith.addi %mul3A_49, %add3A_1038 : i32
          %get3A_1040 = arith.index_cast %add3A_1039 : i32 to index
          %get3A_1041 = arith.constant 32 : index
          %get3A_1042 = tpu.vector_load %arg11[%get3A_1040, %get3A_1041] {strides = array<i32>} : memref<128x64xf32, #tpu.memory_space<vmem>>, vector<16xf32>,
          %add3A_1043 = arith.addf %get3A_1037, %get3A_1042 : vector<16xf32>
          %max3A_1044 = arith.constant 0.000000e+00 : f32
          %max3A_1045 = vector.broadcast %max3A_1044 : f32 to vector<16xf32>
          %max3A_1046 = arith.maximumf %add3A_1043, %max3A_1045 : vector<16xf32>
          %mul3A_1047 = arith.mulf %max3A_1046, %get3A_5 : vector<16xf32>
          %add3A_1048 = arith.addf %add3A_1032, %mul3A_1047 : vector<16xf32>
          %add3A_1049 = arith.constant 14 : i32
          %add3A_1050 = arith.addi %mul3A_49, %add3A_1049 : i32
          %get3A_1051 = arith.index_cast %add3A_1050 : i32 to index
          %get3A_1052 = arith.constant 48 : index
          %get3A_1053 = tpu.vector_load %arg10[%get3A_1051, %get3A_1052] {strides = array<i32>} : memref<128x64xf32, #tpu.memory_space<vmem>>, vector<16xf32>,
          %add3A_1054 = arith.constant 14 : i32
          %add3A_1055 = arith.addi %mul3A_49, %add3A_1054 : i32
          %get3A_1056 = arith.index_cast %add3A_1055 : i32 to index
          %get3A_1057 = arith.constant 48 : index
          %get3A_1058 = tpu.vector_load %arg11[%get3A_1056, %get3A_1057] {strides = array<i32>} : memref<128x64xf32, #tpu.memory_space<vmem>>, vector<16xf32>,
          %add3A_1059 = arith.addf %get3A_1053, %get3A_1058 : vector<16xf32>
          %max3A_1060 = arith.constant 0.000000e+00 : f32
          %max3A_1061 = vector.broadcast %max3A_1060 : f32 to vector<16xf32>
          %max3A_1062 = arith.maximumf %add3A_1059, %max3A_1061 : vector<16xf32>
          %mul3A_1063 = arith.mulf %max3A_1062, %get3A_7 : vector<16xf32>
          %add3A_1064 = arith.addf %add3A_1048, %mul3A_1063 : vector<16xf32>
          %swap3A_1065 = arith.constant 224 : index
          %swap3A_1066 = tpu.vector_load %arg13[%swap3A_1065] {strides = array<i32>} : memref<256xf32, #tpu.memory_space<vmem>>, vector<16xf32>,
          tpu.vector_store %arg13[%swap3A_1065], %add3A_1064 {strides = array<i32>} : memref<256xf32, #tpu.memory_space<vmem>>, vector<16xf32>,
          %broadcast_in_dim3A_1067 = arith.constant 0.000000e+00 : f32
          %broadcast_in_dim3A_1068 = vector.broadcast %broadcast_in_dim3A_1067 : f32 to vector<16xf32>
          %add3A_1069 = arith.constant 15 : i32
          %add3A_1070 = arith.addi %mul3A_49, %add3A_1069 : i32
          %get3A_1071 = arith.index_cast %add3A_1070 : i32 to index
          %get3A_1072 = arith.constant 0 : index
          %get3A_1073 = tpu.vector_load %arg10[%get3A_1071, %get3A_1072] {strides = array<i32>} : memref<128x64xf32, #tpu.memory_space<vmem>>, vector<16xf32>,
          %add3A_1074 = arith.constant 15 : i32
          %add3A_1075 = arith.addi %mul3A_49, %add3A_1074 : i32
          %get3A_1076 = arith.index_cast %add3A_1075 : i32 to index
          %get3A_1077 = arith.constant 0 : index
          %get3A_1078 = tpu.vector_load %arg11[%get3A_1076, %get3A_1077] {strides = array<i32>} : memref<128x64xf32, #tpu.memory_space<vmem>>, vector<16xf32>,
          %add3A_1079 = arith.addf %get3A_1073, %get3A_1078 : vector<16xf32>
          %max3A_1080 = arith.constant 0.000000e+00 : f32
          %max3A_1081 = vector.broadcast %max3A_1080 : f32 to vector<16xf32>
          %max3A_1082 = arith.maximumf %add3A_1079, %max3A_1081 : vector<16xf32>
          %mul3A_1083 = arith.mulf %max3A_1082, %get3A_1 : vector<16xf32>
          %add3A_1084 = arith.addf %broadcast_in_dim3A_1068, %mul3A_1083 : vector<16xf32>
          %add3A_1085 = arith.constant 15 : i32
          %add3A_1086 = arith.addi %mul3A_49, %add3A_1085 : i32
          %get3A_1087 = arith.index_cast %add3A_1086 : i32 to index
          %get3A_1088 = arith.constant 16 : index
          %get3A_1089 = tpu.vector_load %arg10[%get3A_1087, %get3A_1088] {strides = array<i32>} : memref<128x64xf32, #tpu.memory_space<vmem>>, vector<16xf32>,
          %add3A_1090 = arith.constant 15 : i32
          %add3A_1091 = arith.addi %mul3A_49, %add3A_1090 : i32
          %get3A_1092 = arith.index_cast %add3A_1091 : i32 to index
          %get3A_1093 = arith.constant 16 : index
          %get3A_1094 = tpu.vector_load %arg11[%get3A_1092, %get3A_1093] {strides = array<i32>} : memref<128x64xf32, #tpu.memory_space<vmem>>, vector<16xf32>,
          %add3A_1095 = arith.addf %get3A_1089, %get3A_1094 : vector<16xf32>
          %max3A_1096 = arith.constant 0.000000e+00 : f32
          %max3A_1097 = vector.broadcast %max3A_1096 : f32 to vector<16xf32>
          %max3A_1098 = arith.maximumf %add3A_1095, %max3A_1097 : vector<16xf32>
          %mul3A_1099 = arith.mulf %max3A_1098, %get3A_3 : vector<16xf32>
          %add3A_1100 = arith.addf %add3A_1084, %mul3A_1099 : vector<16xf32>
          %add3A_1101 = arith.constant 15 : i32
          %add3A_1102 = arith.addi %mul3A_49, %add3A_1101 : i32
          %get3A_1103 = arith.index_cast %add3A_1102 : i32 to index
          %get3A_1104 = arith.constant 32 : index
          %get3A_1105 = tpu.vector_load %arg10[%get3A_1103, %get3A_1104] {strides = array<i32>} : memref<128x64xf32, #tpu.memory_space<vmem>>, vector<16xf32>,
          %add3A_1106 = arith.constant 15 : i32
          %add3A_1107 = arith.addi %mul3A_49, %add3A_1106 : i32
          %get3A_1108 = arith.index_cast %add3A_1107 : i32 to index
          %get3A_1109 = arith.constant 32 : index
          %get3A_1110 = tpu.vector_load %arg11[%get3A_1108, %get3A_1109] {strides = array<i32>} : memref<128x64xf32, #tpu.memory_space<vmem>>, vector<16xf32>,
          %add3A_1111 = arith.addf %get3A_1105, %get3A_1110 : vector<16xf32>
          %max3A_1112 = arith.constant 0.000000e+00 : f32
          %max3A_1113 = vector.broadcast %max3A_1112 : f32 to vector<16xf32>
          %max3A_1114 = arith.maximumf %add3A_1111, %max3A_1113 : vector<16xf32>
          %mul3A_1115 = arith.mulf %max3A_1114, %get3A_5 : vector<16xf32>
          %add3A_1116 = arith.addf %add3A_1100, %mul3A_1115 : vector<16xf32>
          %add3A_1117 = arith.constant 15 : i32
          %add3A_1118 = arith.addi %mul3A_49, %add3A_1117 : i32
          %get3A_1119 = arith.index_cast %add3A_1118 : i32 to index
          %get3A_1120 = arith.constant 48 : index
          %get3A_1121 = tpu.vector_load %arg10[%get3A_1119, %get3A_1120] {strides = array<i32>} : memref<128x64xf32, #tpu.memory_space<vmem>>, vector<16xf32>,
          %add3A_1122 = arith.constant 15 : i32
          %add3A_1123 = arith.addi %mul3A_49, %add3A_1122 : i32
          %get3A_1124 = arith.index_cast %add3A_1123 : i32 to index
          %get3A_1125 = arith.constant 48 : index
          %get3A_1126 = tpu.vector_load %arg11[%get3A_1124, %get3A_1125] {strides = array<i32>} : memref<128x64xf32, #tpu.memory_space<vmem>>, vector<16xf32>,
          %add3A_1127 = arith.addf %get3A_1121, %get3A_1126 : vector<16xf32>
          %max3A_1128 = arith.constant 0.000000e+00 : f32
          %max3A_1129 = vector.broadcast %max3A_1128 : f32 to vector<16xf32>
          %max3A_1130 = arith.maximumf %add3A_1127, %max3A_1129 : vector<16xf32>
          %mul3A_1131 = arith.mulf %max3A_1130, %get3A_7 : vector<16xf32>
          %add3A_1132 = arith.addf %add3A_1116, %mul3A_1131 : vector<16xf32>
          %swap3A_1133 = arith.constant 240 : index
          %swap3A_1134 = tpu.vector_load %arg13[%swap3A_1133] {strides = array<i32>} : memref<256xf32, #tpu.memory_space<vmem>>, vector<16xf32>,
          tpu.vector_store %arg13[%swap3A_1133], %add3A_1132 {strides = array<i32>} : memref<256xf32, #tpu.memory_space<vmem>>, vector<16xf32>,
          %add3A_1135 = arith.constant 0 : i32
          %add3A_1136 = vector.broadcast %add3A_1135 : i32 to vector<16xi32>
          %add3A_1137 = arith.addi %mul3A_12, %add3A_1136 : vector<16xi32>
          %gather3A = tpu.vector_load_idx %arg13[%add3A_1137] : memref<256xf32, #tpu.memory_space<vmem>>[vector<16xi32>], vector<16xf32>,
          %add3A_1138 = arith.addf %get3A_9, %gather3A : vector<16xf32>
          %add3A_1139 = arith.constant 1 : i32
          %add3A_1140 = vector.broadcast %add3A_1139 : i32 to vector<16xi32>
          %add3A_1141 = arith.addi %mul3A_12, %add3A_1140 : vector<16xi32>
          %gather3A_1142 = tpu.vector_load_idx %arg13[%add3A_1141] : memref<256xf32, #tpu.memory_space<vmem>>[vector<16xi32>], vector<16xf32>,
          %add3A_1143 = arith.addf %add3A_1138, %gather3A_1142 : vector<16xf32>
          %add3A_1144 = arith.constant 2 : i32
          %add3A_1145 = vector.broadcast %add3A_1144 : i32 to vector<16xi32>
          %add3A_1146 = arith.addi %mul3A_12, %add3A_1145 : vector<16xi32>
          %gather3A_1147 = tpu.vector_load_idx %arg13[%add3A_1146] : memref<256xf32, #tpu.memory_space<vmem>>[vector<16xi32>], vector<16xf32>,
          %add3A_1148 = arith.addf %add3A_1143, %gather3A_1147 : vector<16xf32>
          %add3A_1149 = arith.constant 3 : i32
          %add3A_1150 = vector.broadcast %add3A_1149 : i32 to vector<16xi32>
          %add3A_1151 = arith.addi %mul3A_12, %add3A_1150 : vector<16xi32>
          %gather3A_1152 = tpu.vector_load_idx %arg13[%add3A_1151] : memref<256xf32, #tpu.memory_space<vmem>>[vector<16xi32>], vector<16xf32>,
          %add3A_1153 = arith.addf %add3A_1148, %gather3A_1152 : vector<16xf32>
          %add3A_1154 = arith.constant 4 : i32
          %add3A_1155 = vector.broadcast %add3A_1154 : i32 to vector<16xi32>
          %add3A_1156 = arith.addi %mul3A_12, %add3A_1155 : vector<16xi32>
          %gather3A_1157 = tpu.vector_load_idx %arg13[%add3A_1156] : memref<256xf32, #tpu.memory_space<vmem>>[vector<16xi32>], vector<16xf32>,
          %add3A_1158 = arith.addf %add3A_1153, %gather3A_1157 : vector<16xf32>
          %add3A_1159 = arith.constant 5 : i32
          %add3A_1160 = vector.broadcast %add3A_1159 : i32 to vector<16xi32>
          %add3A_1161 = arith.addi %mul3A_12, %add3A_1160 : vector<16xi32>
          %gather3A_1162 = tpu.vector_load_idx %arg13[%add3A_1161] : memref<256xf32, #tpu.memory_space<vmem>>[vector<16xi32>], vector<16xf32>,
          %add3A_1163 = arith.addf %add3A_1158, %gather3A_1162 : vector<16xf32>
          %add3A_1164 = arith.constant 6 : i32
          %add3A_1165 = vector.broadcast %add3A_1164 : i32 to vector<16xi32>
          %add3A_1166 = arith.addi %mul3A_12, %add3A_1165 : vector<16xi32>
          %gather3A_1167 = tpu.vector_load_idx %arg13[%add3A_1166] : memref<256xf32, #tpu.memory_space<vmem>>[vector<16xi32>], vector<16xf32>,
          %add3A_1168 = arith.addf %add3A_1163, %gather3A_1167 : vector<16xf32>
          %add3A_1169 = arith.constant 7 : i32
          %add3A_1170 = vector.broadcast %add3A_1169 : i32 to vector<16xi32>
          %add3A_1171 = arith.addi %mul3A_12, %add3A_1170 : vector<16xi32>
          %gather3A_1172 = tpu.vector_load_idx %arg13[%add3A_1171] : memref<256xf32, #tpu.memory_space<vmem>>[vector<16xi32>], vector<16xf32>,
          %add3A_1173 = arith.addf %add3A_1168, %gather3A_1172 : vector<16xf32>
          %add3A_1174 = arith.constant 8 : i32
          %add3A_1175 = vector.broadcast %add3A_1174 : i32 to vector<16xi32>
          %add3A_1176 = arith.addi %mul3A_12, %add3A_1175 : vector<16xi32>
          %gather3A_1177 = tpu.vector_load_idx %arg13[%add3A_1176] : memref<256xf32, #tpu.memory_space<vmem>>[vector<16xi32>], vector<16xf32>,
          %add3A_1178 = arith.addf %add3A_1173, %gather3A_1177 : vector<16xf32>
          %add3A_1179 = arith.constant 9 : i32
          %add3A_1180 = vector.broadcast %add3A_1179 : i32 to vector<16xi32>
          %add3A_1181 = arith.addi %mul3A_12, %add3A_1180 : vector<16xi32>
          %gather3A_1182 = tpu.vector_load_idx %arg13[%add3A_1181] : memref<256xf32, #tpu.memory_space<vmem>>[vector<16xi32>], vector<16xf32>,
          %add3A_1183 = arith.addf %add3A_1178, %gather3A_1182 : vector<16xf32>
          %add3A_1184 = arith.constant 10 : i32
          %add3A_1185 = vector.broadcast %add3A_1184 : i32 to vector<16xi32>
          %add3A_1186 = arith.addi %mul3A_12, %add3A_1185 : vector<16xi32>
          %gather3A_1187 = tpu.vector_load_idx %arg13[%add3A_1186] : memref<256xf32, #tpu.memory_space<vmem>>[vector<16xi32>], vector<16xf32>,
          %add3A_1188 = arith.addf %add3A_1183, %gather3A_1187 : vector<16xf32>
          %add3A_1189 = arith.constant 11 : i32
          %add3A_1190 = vector.broadcast %add3A_1189 : i32 to vector<16xi32>
          %add3A_1191 = arith.addi %mul3A_12, %add3A_1190 : vector<16xi32>
          %gather3A_1192 = tpu.vector_load_idx %arg13[%add3A_1191] : memref<256xf32, #tpu.memory_space<vmem>>[vector<16xi32>], vector<16xf32>,
          %add3A_1193 = arith.addf %add3A_1188, %gather3A_1192 : vector<16xf32>
          %add3A_1194 = arith.constant 12 : i32
          %add3A_1195 = vector.broadcast %add3A_1194 : i32 to vector<16xi32>
          %add3A_1196 = arith.addi %mul3A_12, %add3A_1195 : vector<16xi32>
          %gather3A_1197 = tpu.vector_load_idx %arg13[%add3A_1196] : memref<256xf32, #tpu.memory_space<vmem>>[vector<16xi32>], vector<16xf32>,
          %add3A_1198 = arith.addf %add3A_1193, %gather3A_1197 : vector<16xf32>
          %add3A_1199 = arith.constant 13 : i32
          %add3A_1200 = vector.broadcast %add3A_1199 : i32 to vector<16xi32>
          %add3A_1201 = arith.addi %mul3A_12, %add3A_1200 : vector<16xi32>
          %gather3A_1202 = tpu.vector_load_idx %arg13[%add3A_1201] : memref<256xf32, #tpu.memory_space<vmem>>[vector<16xi32>], vector<16xf32>,
          %add3A_1203 = arith.addf %add3A_1198, %gather3A_1202 : vector<16xf32>
          %add3A_1204 = arith.constant 14 : i32
          %add3A_1205 = vector.broadcast %add3A_1204 : i32 to vector<16xi32>
          %add3A_1206 = arith.addi %mul3A_12, %add3A_1205 : vector<16xi32>
          %gather3A_1207 = tpu.vector_load_idx %arg13[%add3A_1206] : memref<256xf32, #tpu.memory_space<vmem>>[vector<16xi32>], vector<16xf32>,
          %add3A_1208 = arith.addf %add3A_1203, %gather3A_1207 : vector<16xf32>
          %add3A_1209 = arith.constant 15 : i32
          %add3A_1210 = vector.broadcast %add3A_1209 : i32 to vector<16xi32>
          %add3A_1211 = arith.addi %mul3A_12, %add3A_1210 : vector<16xi32>
          %gather3A_1212 = tpu.vector_load_idx %arg13[%add3A_1211] : memref<256xf32, #tpu.memory_space<vmem>>[vector<16xi32>], vector<16xf32>,
          %add3A_1213 = arith.addf %add3A_1208, %gather3A_1212 : vector<16xf32>
          %neg3A = arith.constant 0.000000e+00 : f32
          %neg3A_1214 = vector.broadcast %neg3A : f32 to vector<16xf32>
          %neg3A_1215 = arith.subf %neg3A_1214, %add3A_1213 : vector<16xf32>
          %exp3A = math.exp %neg3A_1215 : vector<16xf32>
          %add3A_1216 = arith.constant 1.000000e+00 : f32
          %add3A_1217 = vector.broadcast %add3A_1216 : f32 to vector<16xf32>
          %add3A_1218 = arith.addf %add3A_1217, %exp3A : vector<16xf32>
          %div3A = arith.constant 1.000000e+00 : f32
          %div3A_1219 = vector.broadcast %div3A : f32 to vector<16xf32>
          %div3A_1220 = arith.divf %div3A_1219, %add3A_1218 : vector<16xf32>
          %swap3A_1221 = arith.index_cast %mul3A_49 : i32 to index
          %swap3A_1222 = tpu.vector_load %arg14[%swap3A_1221] {strides = array<i32>} : memref<128xf32, #tpu.memory_space<vmem>>, vector<16xf32>,
          tpu.vector_store %arg14[%swap3A_1221], %div3A_1220 {strides = array<i32>} : memref<128xf32, #tpu.memory_space<vmem>>, vector<16xf32>,
          %scan3A_1223 = arith.constant 0 : i32
          scf.yield %scan3A_1223 : i32
        }
        %scan3A_45 = arith.constant 8 : i32
        "tpu.region"() ({
          %run_scoped3A = tpu.sem_alloc : memref<!tpu.dma_semaphore, #tpu.memory_space<semaphore_mem>>
          %dma_start3A_46 = tpu.memref_slice %arg7[%mul3A_28] : memref<320000xf32, #tpu.memory_space<hbm>> -> memref<128xf32, #tpu.memory_space<hbm>>
          %dma_start3A_47 = tpu.memref_slice %arg7[%mul3A_28] : memref<320000xf32, #tpu.memory_space<hbm>> -> memref<128xf32, #tpu.memory_space<hbm>>
          tpu.enqueue_dma source(%arg14 : memref<128xf32, #tpu.memory_space<vmem>>) target(%dma_start3A_47 : memref<128xf32, #tpu.memory_space<hbm>>) target_semaphore(%run_scoped3A : memref<!tpu.dma_semaphore, #tpu.memory_space<semaphore_mem>>)
          %dma_wait3A_48 = tpu.memref_slice %arg7[%mul3A_28] : memref<320000xf32, #tpu.memory_space<hbm>> -> memref<128xf32, #tpu.memory_space<hbm>>
          %dma_wait3A_49 = tpu.memref_slice %arg7[%mul3A_28] : memref<320000xf32, #tpu.memory_space<hbm>> -> memref<128xf32, #tpu.memory_space<hbm>>
          tpu.wait_dma2 semaphore(%run_scoped3A : memref<!tpu.dma_semaphore, #tpu.memory_space<semaphore_mem>>) src(%arg14 : memref<128xf32, #tpu.memory_space<vmem>>) dst(%dma_wait3A_49 : memref<128xf32, #tpu.memory_space<hbm>>)
          tpu.yield
        }) : () -> ()
      } else {
      }
      %scan3A_26 = arith.constant 0 : i32
      scf.yield %scan3A_26 : i32
    }
    %scan3A_18 = arith.constant 79 : i32
    return
  }
}

#map = affine_map<(d0, d1) -> (0, 0)>
module attributes {stable_mosaic.version = 14 : i64} {
  func.func @_bgather_body(%arg0: i32, %arg1: i32, %arg2: memref<128x128xi32, #tpu.memory_space<hbm>>, %arg3: memref<128x128xi32, #tpu.memory_space<hbm>>, %arg4: memref<10000x128xf32, #tpu.memory_space<hbm>>, %arg5: memref<16384x128xf32, #tpu.memory_space<hbm>>, %arg6: memref<16384x128xf32, #tpu.memory_space<hbm>>, %arg7: memref<4x128xi32, #tpu.memory_space<vmem>>, %arg8: memref<512x128xf32, #tpu.memory_space<vmem>>, %arg9: memref<!tpu.dma_semaphore, #tpu.memory_space<semaphore_mem>>) attributes {dimension_semantics = [#tpu.dimension_semantics<core_parallel>, #tpu.dimension_semantics<subcore_parallel>], iteration_bounds = array<i64: 2, 16>, scalar_prefetch = 0 : i64, scratch_operands = 3 : i64, tpu.core_type = #tpu.core_type<sc_vector_subcore>, window_params = [{transform_indices = #map}, {transform_indices = #map}, {transform_indices = #map}, {transform_indices = #map}, {transform_indices = #map}]} {
    %mul3A = arith.constant 2 : i32
    %mul3A_0 = arith.muli %arg1, %mul3A : i32
    %add3A = arith.addi %mul3A_0, %arg0 : i32
    %mul3A_1 = arith.constant 512 : i32
    %mul3A_2 = arith.muli %add3A, %mul3A_1 : i32
    %mul3A_3 = arith.constant 4 : i32
    %mul3A_4 = arith.muli %add3A, %mul3A_3 : i32
    "tpu.region"() ({
      %run_scoped3A = tpu.sem_alloc : memref<!tpu.dma_semaphore, #tpu.memory_space<semaphore_mem>>
      %dma_start3A_165 = arith.constant 0 : i32
      %dma_start3A_166 = tpu.memref_slice %arg2[%mul3A_4, %dma_start3A_165] : memref<128x128xi32, #tpu.memory_space<hbm>> -> memref<4x128xi32, #tpu.memory_space<hbm>>
      %dma_start3A_167 = arith.constant 0 : i32
      %dma_start3A_168 = tpu.memref_slice %arg2[%mul3A_4, %dma_start3A_167] : memref<128x128xi32, #tpu.memory_space<hbm>> -> memref<4x128xi32, #tpu.memory_space<hbm>>
      tpu.enqueue_dma source(%dma_start3A_168 : memref<4x128xi32, #tpu.memory_space<hbm>>) target(%arg7 : memref<4x128xi32, #tpu.memory_space<vmem>>) target_semaphore(%run_scoped3A : memref<!tpu.dma_semaphore, #tpu.memory_space<semaphore_mem>>)
      %dma_wait3A_169 = arith.constant 0 : i32
      %dma_wait3A_170 = tpu.memref_slice %arg2[%mul3A_4, %dma_wait3A_169] : memref<128x128xi32, #tpu.memory_space<hbm>> -> memref<4x128xi32, #tpu.memory_space<hbm>>
      %dma_wait3A_171 = arith.constant 0 : i32
      %dma_wait3A_172 = tpu.memref_slice %arg2[%mul3A_4, %dma_wait3A_171] : memref<128x128xi32, #tpu.memory_space<hbm>> -> memref<4x128xi32, #tpu.memory_space<hbm>>
      tpu.wait_dma2 semaphore(%run_scoped3A : memref<!tpu.dma_semaphore, #tpu.memory_space<semaphore_mem>>) src(%dma_wait3A_172 : memref<4x128xi32, #tpu.memory_space<hbm>>) dst(%arg7 : memref<4x128xi32, #tpu.memory_space<vmem>>)
      tpu.yield
    }) : () -> ()
    %dma_start3A = arith.constant 0 : i32
    %dma_start3A_5 = arith.constant 0 : i32
    %dma_start3A_6 = arith.constant 0 : i32
    %dma_start3A_7 = tpu.memref_slice %arg8[%dma_start3A_5, %dma_start3A_6] : memref<512x128xf32, #tpu.memory_space<vmem>> -> memref<128x128xf32, #tpu.memory_space<vmem>>
    %dma_start3A_8 = arith.constant 0 : i32
    %dma_start3A_9 = tpu.memref_slice %arg7[%dma_start3A, %dma_start3A_8] : memref<4x128xi32, #tpu.memory_space<vmem>> -> memref<1x128xi32, #tpu.memory_space<vmem>>
    %dma_start3A_10 = tpu.memref_squeeze %dma_start3A_9 : memref<1x128xi32, #tpu.memory_space<vmem>> -> memref<128xi32, #tpu.memory_space<vmem>>
    %dma_start3A_11 = arith.constant 0 : i32
    %dma_start3A_12 = arith.constant 0 : i32
    %dma_start3A_13 = tpu.memref_slice %arg4[%dma_start3A_11, %dma_start3A_12] : memref<10000x128xf32, #tpu.memory_space<hbm>> -> memref<10000x128xf32, #tpu.memory_space<hbm>>
    tpu.enqueue_indirect_dma source(%dma_start3A_13 : memref<10000x128xf32, #tpu.memory_space<hbm>>) target(%dma_start3A_7 : memref<128x128xf32, #tpu.memory_space<vmem>>) offsets(%dma_start3A_10 : memref<128xi32, #tpu.memory_space<vmem>>) semaphore(%arg9 : memref<!tpu.dma_semaphore, #tpu.memory_space<semaphore_mem>>)
    %dma_start3A_14 = arith.constant 1 : i32
    %dma_start3A_15 = arith.constant 128 : i32
    %dma_start3A_16 = arith.constant 0 : i32
    %dma_start3A_17 = tpu.memref_slice %arg8[%dma_start3A_15, %dma_start3A_16] : memref<512x128xf32, #tpu.memory_space<vmem>> -> memref<128x128xf32, #tpu.memory_space<vmem>>
    %dma_start3A_18 = arith.constant 0 : i32
    %dma_start3A_19 = tpu.memref_slice %arg7[%dma_start3A_14, %dma_start3A_18] : memref<4x128xi32, #tpu.memory_space<vmem>> -> memref<1x128xi32, #tpu.memory_space<vmem>>
    %dma_start3A_20 = tpu.memref_squeeze %dma_start3A_19 : memref<1x128xi32, #tpu.memory_space<vmem>> -> memref<128xi32, #tpu.memory_space<vmem>>
    %dma_start3A_21 = arith.constant 0 : i32
    %dma_start3A_22 = arith.constant 0 : i32
    %dma_start3A_23 = tpu.memref_slice %arg4[%dma_start3A_21, %dma_start3A_22] : memref<10000x128xf32, #tpu.memory_space<hbm>> -> memref<10000x128xf32, #tpu.memory_space<hbm>>
    tpu.enqueue_indirect_dma source(%dma_start3A_23 : memref<10000x128xf32, #tpu.memory_space<hbm>>) target(%dma_start3A_17 : memref<128x128xf32, #tpu.memory_space<vmem>>) offsets(%dma_start3A_20 : memref<128xi32, #tpu.memory_space<vmem>>) semaphore(%arg9 : memref<!tpu.dma_semaphore, #tpu.memory_space<semaphore_mem>>)
    %dma_start3A_24 = arith.constant 2 : i32
    %dma_start3A_25 = arith.constant 256 : i32
    %dma_start3A_26 = arith.constant 0 : i32
    %dma_start3A_27 = tpu.memref_slice %arg8[%dma_start3A_25, %dma_start3A_26] : memref<512x128xf32, #tpu.memory_space<vmem>> -> memref<128x128xf32, #tpu.memory_space<vmem>>
    %dma_start3A_28 = arith.constant 0 : i32
    %dma_start3A_29 = tpu.memref_slice %arg7[%dma_start3A_24, %dma_start3A_28] : memref<4x128xi32, #tpu.memory_space<vmem>> -> memref<1x128xi32, #tpu.memory_space<vmem>>
    %dma_start3A_30 = tpu.memref_squeeze %dma_start3A_29 : memref<1x128xi32, #tpu.memory_space<vmem>> -> memref<128xi32, #tpu.memory_space<vmem>>
    %dma_start3A_31 = arith.constant 0 : i32
    %dma_start3A_32 = arith.constant 0 : i32
    %dma_start3A_33 = tpu.memref_slice %arg4[%dma_start3A_31, %dma_start3A_32] : memref<10000x128xf32, #tpu.memory_space<hbm>> -> memref<10000x128xf32, #tpu.memory_space<hbm>>
    tpu.enqueue_indirect_dma source(%dma_start3A_33 : memref<10000x128xf32, #tpu.memory_space<hbm>>) target(%dma_start3A_27 : memref<128x128xf32, #tpu.memory_space<vmem>>) offsets(%dma_start3A_30 : memref<128xi32, #tpu.memory_space<vmem>>) semaphore(%arg9 : memref<!tpu.dma_semaphore, #tpu.memory_space<semaphore_mem>>)
    %dma_start3A_34 = arith.constant 3 : i32
    %dma_start3A_35 = arith.constant 384 : i32
    %dma_start3A_36 = arith.constant 0 : i32
    %dma_start3A_37 = tpu.memref_slice %arg8[%dma_start3A_35, %dma_start3A_36] : memref<512x128xf32, #tpu.memory_space<vmem>> -> memref<128x128xf32, #tpu.memory_space<vmem>>
    %dma_start3A_38 = arith.constant 0 : i32
    %dma_start3A_39 = tpu.memref_slice %arg7[%dma_start3A_34, %dma_start3A_38] : memref<4x128xi32, #tpu.memory_space<vmem>> -> memref<1x128xi32, #tpu.memory_space<vmem>>
    %dma_start3A_40 = tpu.memref_squeeze %dma_start3A_39 : memref<1x128xi32, #tpu.memory_space<vmem>> -> memref<128xi32, #tpu.memory_space<vmem>>
    %dma_start3A_41 = arith.constant 0 : i32
    %dma_start3A_42 = arith.constant 0 : i32
    %dma_start3A_43 = tpu.memref_slice %arg4[%dma_start3A_41, %dma_start3A_42] : memref<10000x128xf32, #tpu.memory_space<hbm>> -> memref<10000x128xf32, #tpu.memory_space<hbm>>
    tpu.enqueue_indirect_dma source(%dma_start3A_43 : memref<10000x128xf32, #tpu.memory_space<hbm>>) target(%dma_start3A_37 : memref<128x128xf32, #tpu.memory_space<vmem>>) offsets(%dma_start3A_40 : memref<128xi32, #tpu.memory_space<vmem>>) semaphore(%arg9 : memref<!tpu.dma_semaphore, #tpu.memory_space<semaphore_mem>>)
    %dma_wait3A = arith.constant 0 : i32
    %dma_wait3A_44 = arith.constant 0 : i32
    %dma_wait3A_45 = arith.constant 0 : i32
    %dma_wait3A_46 = tpu.memref_slice %arg8[%dma_wait3A_44, %dma_wait3A_45] : memref<512x128xf32, #tpu.memory_space<vmem>> -> memref<128x128xf32, #tpu.memory_space<vmem>>
    %dma_wait3A_47 = arith.constant 0 : i32
    %dma_wait3A_48 = tpu.memref_slice %arg7[%dma_wait3A, %dma_wait3A_47] : memref<4x128xi32, #tpu.memory_space<vmem>> -> memref<1x128xi32, #tpu.memory_space<vmem>>
    %dma_wait3A_49 = tpu.memref_squeeze %dma_wait3A_48 : memref<1x128xi32, #tpu.memory_space<vmem>> -> memref<128xi32, #tpu.memory_space<vmem>>
    %dma_wait3A_50 = arith.constant 0 : i32
    %dma_wait3A_51 = arith.constant 0 : i32
    %dma_wait3A_52 = tpu.memref_slice %arg4[%dma_wait3A_50, %dma_wait3A_51] : memref<10000x128xf32, #tpu.memory_space<hbm>> -> memref<10000x128xf32, #tpu.memory_space<hbm>>
    tpu.wait_indirect_dma semaphore(%arg9 : memref<!tpu.dma_semaphore, #tpu.memory_space<semaphore_mem>>) src(%dma_wait3A_52 : memref<10000x128xf32, #tpu.memory_space<hbm>>) dst(%dma_wait3A_46 : memref<128x128xf32, #tpu.memory_space<vmem>>)
    %dma_wait3A_53 = arith.constant 1 : i32
    %dma_wait3A_54 = arith.constant 128 : i32
    %dma_wait3A_55 = arith.constant 0 : i32
    %dma_wait3A_56 = tpu.memref_slice %arg8[%dma_wait3A_54, %dma_wait3A_55] : memref<512x128xf32, #tpu.memory_space<vmem>> -> memref<128x128xf32, #tpu.memory_space<vmem>>
    %dma_wait3A_57 = arith.constant 0 : i32
    %dma_wait3A_58 = tpu.memref_slice %arg7[%dma_wait3A_53, %dma_wait3A_57] : memref<4x128xi32, #tpu.memory_space<vmem>> -> memref<1x128xi32, #tpu.memory_space<vmem>>
    %dma_wait3A_59 = tpu.memref_squeeze %dma_wait3A_58 : memref<1x128xi32, #tpu.memory_space<vmem>> -> memref<128xi32, #tpu.memory_space<vmem>>
    %dma_wait3A_60 = arith.constant 0 : i32
    %dma_wait3A_61 = arith.constant 0 : i32
    %dma_wait3A_62 = tpu.memref_slice %arg4[%dma_wait3A_60, %dma_wait3A_61] : memref<10000x128xf32, #tpu.memory_space<hbm>> -> memref<10000x128xf32, #tpu.memory_space<hbm>>
    tpu.wait_indirect_dma semaphore(%arg9 : memref<!tpu.dma_semaphore, #tpu.memory_space<semaphore_mem>>) src(%dma_wait3A_62 : memref<10000x128xf32, #tpu.memory_space<hbm>>) dst(%dma_wait3A_56 : memref<128x128xf32, #tpu.memory_space<vmem>>)
    %dma_wait3A_63 = arith.constant 2 : i32
    %dma_wait3A_64 = arith.constant 256 : i32
    %dma_wait3A_65 = arith.constant 0 : i32
    %dma_wait3A_66 = tpu.memref_slice %arg8[%dma_wait3A_64, %dma_wait3A_65] : memref<512x128xf32, #tpu.memory_space<vmem>> -> memref<128x128xf32, #tpu.memory_space<vmem>>
    %dma_wait3A_67 = arith.constant 0 : i32
    %dma_wait3A_68 = tpu.memref_slice %arg7[%dma_wait3A_63, %dma_wait3A_67] : memref<4x128xi32, #tpu.memory_space<vmem>> -> memref<1x128xi32, #tpu.memory_space<vmem>>
    %dma_wait3A_69 = tpu.memref_squeeze %dma_wait3A_68 : memref<1x128xi32, #tpu.memory_space<vmem>> -> memref<128xi32, #tpu.memory_space<vmem>>
    %dma_wait3A_70 = arith.constant 0 : i32
    %dma_wait3A_71 = arith.constant 0 : i32
    %dma_wait3A_72 = tpu.memref_slice %arg4[%dma_wait3A_70, %dma_wait3A_71] : memref<10000x128xf32, #tpu.memory_space<hbm>> -> memref<10000x128xf32, #tpu.memory_space<hbm>>
    tpu.wait_indirect_dma semaphore(%arg9 : memref<!tpu.dma_semaphore, #tpu.memory_space<semaphore_mem>>) src(%dma_wait3A_72 : memref<10000x128xf32, #tpu.memory_space<hbm>>) dst(%dma_wait3A_66 : memref<128x128xf32, #tpu.memory_space<vmem>>)
    %dma_wait3A_73 = arith.constant 3 : i32
    %dma_wait3A_74 = arith.constant 384 : i32
    %dma_wait3A_75 = arith.constant 0 : i32
    %dma_wait3A_76 = tpu.memref_slice %arg8[%dma_wait3A_74, %dma_wait3A_75] : memref<512x128xf32, #tpu.memory_space<vmem>> -> memref<128x128xf32, #tpu.memory_space<vmem>>
    %dma_wait3A_77 = arith.constant 0 : i32
    %dma_wait3A_78 = tpu.memref_slice %arg7[%dma_wait3A_73, %dma_wait3A_77] : memref<4x128xi32, #tpu.memory_space<vmem>> -> memref<1x128xi32, #tpu.memory_space<vmem>>
    %dma_wait3A_79 = tpu.memref_squeeze %dma_wait3A_78 : memref<1x128xi32, #tpu.memory_space<vmem>> -> memref<128xi32, #tpu.memory_space<vmem>>
    %dma_wait3A_80 = arith.constant 0 : i32
    %dma_wait3A_81 = arith.constant 0 : i32
    %dma_wait3A_82 = tpu.memref_slice %arg4[%dma_wait3A_80, %dma_wait3A_81] : memref<10000x128xf32, #tpu.memory_space<hbm>> -> memref<10000x128xf32, #tpu.memory_space<hbm>>
    tpu.wait_indirect_dma semaphore(%arg9 : memref<!tpu.dma_semaphore, #tpu.memory_space<semaphore_mem>>) src(%dma_wait3A_82 : memref<10000x128xf32, #tpu.memory_space<hbm>>) dst(%dma_wait3A_76 : memref<128x128xf32, #tpu.memory_space<vmem>>)
    "tpu.region"() ({
      %run_scoped3A = tpu.sem_alloc : memref<!tpu.dma_semaphore, #tpu.memory_space<semaphore_mem>>
      %dma_start3A_165 = arith.constant 0 : i32
      %dma_start3A_166 = tpu.memref_slice %arg5[%mul3A_2, %dma_start3A_165] : memref<16384x128xf32, #tpu.memory_space<hbm>> -> memref<512x128xf32, #tpu.memory_space<hbm>>
      %dma_start3A_167 = arith.constant 0 : i32
      %dma_start3A_168 = tpu.memref_slice %arg5[%mul3A_2, %dma_start3A_167] : memref<16384x128xf32, #tpu.memory_space<hbm>> -> memref<512x128xf32, #tpu.memory_space<hbm>>
      tpu.enqueue_dma source(%arg8 : memref<512x128xf32, #tpu.memory_space<vmem>>) target(%dma_start3A_168 : memref<512x128xf32, #tpu.memory_space<hbm>>) target_semaphore(%run_scoped3A : memref<!tpu.dma_semaphore, #tpu.memory_space<semaphore_mem>>)
      %dma_wait3A_169 = arith.constant 0 : i32
      %dma_wait3A_170 = tpu.memref_slice %arg5[%mul3A_2, %dma_wait3A_169] : memref<16384x128xf32, #tpu.memory_space<hbm>> -> memref<512x128xf32, #tpu.memory_space<hbm>>
      %dma_wait3A_171 = arith.constant 0 : i32
      %dma_wait3A_172 = tpu.memref_slice %arg5[%mul3A_2, %dma_wait3A_171] : memref<16384x128xf32, #tpu.memory_space<hbm>> -> memref<512x128xf32, #tpu.memory_space<hbm>>
      tpu.wait_dma2 semaphore(%run_scoped3A : memref<!tpu.dma_semaphore, #tpu.memory_space<semaphore_mem>>) src(%arg8 : memref<512x128xf32, #tpu.memory_space<vmem>>) dst(%dma_wait3A_172 : memref<512x128xf32, #tpu.memory_space<hbm>>)
      tpu.yield
    }) : () -> ()
    %mul3A_83 = arith.constant 4 : i32
    %mul3A_84 = arith.muli %add3A, %mul3A_83 : i32
    "tpu.region"() ({
      %run_scoped3A = tpu.sem_alloc : memref<!tpu.dma_semaphore, #tpu.memory_space<semaphore_mem>>
      %dma_start3A_165 = arith.constant 0 : i32
      %dma_start3A_166 = tpu.memref_slice %arg3[%mul3A_84, %dma_start3A_165] : memref<128x128xi32, #tpu.memory_space<hbm>> -> memref<4x128xi32, #tpu.memory_space<hbm>>
      %dma_start3A_167 = arith.constant 0 : i32
      %dma_start3A_168 = tpu.memref_slice %arg3[%mul3A_84, %dma_start3A_167] : memref<128x128xi32, #tpu.memory_space<hbm>> -> memref<4x128xi32, #tpu.memory_space<hbm>>
      tpu.enqueue_dma source(%dma_start3A_168 : memref<4x128xi32, #tpu.memory_space<hbm>>) target(%arg7 : memref<4x128xi32, #tpu.memory_space<vmem>>) target_semaphore(%run_scoped3A : memref<!tpu.dma_semaphore, #tpu.memory_space<semaphore_mem>>)
      %dma_wait3A_169 = arith.constant 0 : i32
      %dma_wait3A_170 = tpu.memref_slice %arg3[%mul3A_84, %dma_wait3A_169] : memref<128x128xi32, #tpu.memory_space<hbm>> -> memref<4x128xi32, #tpu.memory_space<hbm>>
      %dma_wait3A_171 = arith.constant 0 : i32
      %dma_wait3A_172 = tpu.memref_slice %arg3[%mul3A_84, %dma_wait3A_171] : memref<128x128xi32, #tpu.memory_space<hbm>> -> memref<4x128xi32, #tpu.memory_space<hbm>>
      tpu.wait_dma2 semaphore(%run_scoped3A : memref<!tpu.dma_semaphore, #tpu.memory_space<semaphore_mem>>) src(%dma_wait3A_172 : memref<4x128xi32, #tpu.memory_space<hbm>>) dst(%arg7 : memref<4x128xi32, #tpu.memory_space<vmem>>)
      tpu.yield
    }) : () -> ()
    %dma_start3A_85 = arith.constant 0 : i32
    %dma_start3A_86 = arith.constant 0 : i32
    %dma_start3A_87 = arith.constant 0 : i32
    %dma_start3A_88 = tpu.memref_slice %arg8[%dma_start3A_86, %dma_start3A_87] : memref<512x128xf32, #tpu.memory_space<vmem>> -> memref<128x128xf32, #tpu.memory_space<vmem>>
    %dma_start3A_89 = arith.constant 0 : i32
    %dma_start3A_90 = tpu.memref_slice %arg7[%dma_start3A_85, %dma_start3A_89] : memref<4x128xi32, #tpu.memory_space<vmem>> -> memref<1x128xi32, #tpu.memory_space<vmem>>
    %dma_start3A_91 = tpu.memref_squeeze %dma_start3A_90 : memref<1x128xi32, #tpu.memory_space<vmem>> -> memref<128xi32, #tpu.memory_space<vmem>>
    %dma_start3A_92 = arith.constant 0 : i32
    %dma_start3A_93 = arith.constant 0 : i32
    %dma_start3A_94 = tpu.memref_slice %arg4[%dma_start3A_92, %dma_start3A_93] : memref<10000x128xf32, #tpu.memory_space<hbm>> -> memref<10000x128xf32, #tpu.memory_space<hbm>>
    tpu.enqueue_indirect_dma source(%dma_start3A_94 : memref<10000x128xf32, #tpu.memory_space<hbm>>) target(%dma_start3A_88 : memref<128x128xf32, #tpu.memory_space<vmem>>) offsets(%dma_start3A_91 : memref<128xi32, #tpu.memory_space<vmem>>) semaphore(%arg9 : memref<!tpu.dma_semaphore, #tpu.memory_space<semaphore_mem>>)
    %dma_start3A_95 = arith.constant 1 : i32
    %dma_start3A_96 = arith.constant 128 : i32
    %dma_start3A_97 = arith.constant 0 : i32
    %dma_start3A_98 = tpu.memref_slice %arg8[%dma_start3A_96, %dma_start3A_97] : memref<512x128xf32, #tpu.memory_space<vmem>> -> memref<128x128xf32, #tpu.memory_space<vmem>>
    %dma_start3A_99 = arith.constant 0 : i32
    %dma_start3A_100 = tpu.memref_slice %arg7[%dma_start3A_95, %dma_start3A_99] : memref<4x128xi32, #tpu.memory_space<vmem>> -> memref<1x128xi32, #tpu.memory_space<vmem>>
    %dma_start3A_101 = tpu.memref_squeeze %dma_start3A_100 : memref<1x128xi32, #tpu.memory_space<vmem>> -> memref<128xi32, #tpu.memory_space<vmem>>
    %dma_start3A_102 = arith.constant 0 : i32
    %dma_start3A_103 = arith.constant 0 : i32
    %dma_start3A_104 = tpu.memref_slice %arg4[%dma_start3A_102, %dma_start3A_103] : memref<10000x128xf32, #tpu.memory_space<hbm>> -> memref<10000x128xf32, #tpu.memory_space<hbm>>
    tpu.enqueue_indirect_dma source(%dma_start3A_104 : memref<10000x128xf32, #tpu.memory_space<hbm>>) target(%dma_start3A_98 : memref<128x128xf32, #tpu.memory_space<vmem>>) offsets(%dma_start3A_101 : memref<128xi32, #tpu.memory_space<vmem>>) semaphore(%arg9 : memref<!tpu.dma_semaphore, #tpu.memory_space<semaphore_mem>>)
    %dma_start3A_105 = arith.constant 2 : i32
    %dma_start3A_106 = arith.constant 256 : i32
    %dma_start3A_107 = arith.constant 0 : i32
    %dma_start3A_108 = tpu.memref_slice %arg8[%dma_start3A_106, %dma_start3A_107] : memref<512x128xf32, #tpu.memory_space<vmem>> -> memref<128x128xf32, #tpu.memory_space<vmem>>
    %dma_start3A_109 = arith.constant 0 : i32
    %dma_start3A_110 = tpu.memref_slice %arg7[%dma_start3A_105, %dma_start3A_109] : memref<4x128xi32, #tpu.memory_space<vmem>> -> memref<1x128xi32, #tpu.memory_space<vmem>>
    %dma_start3A_111 = tpu.memref_squeeze %dma_start3A_110 : memref<1x128xi32, #tpu.memory_space<vmem>> -> memref<128xi32, #tpu.memory_space<vmem>>
    %dma_start3A_112 = arith.constant 0 : i32
    %dma_start3A_113 = arith.constant 0 : i32
    %dma_start3A_114 = tpu.memref_slice %arg4[%dma_start3A_112, %dma_start3A_113] : memref<10000x128xf32, #tpu.memory_space<hbm>> -> memref<10000x128xf32, #tpu.memory_space<hbm>>
    tpu.enqueue_indirect_dma source(%dma_start3A_114 : memref<10000x128xf32, #tpu.memory_space<hbm>>) target(%dma_start3A_108 : memref<128x128xf32, #tpu.memory_space<vmem>>) offsets(%dma_start3A_111 : memref<128xi32, #tpu.memory_space<vmem>>) semaphore(%arg9 : memref<!tpu.dma_semaphore, #tpu.memory_space<semaphore_mem>>)
    %dma_start3A_115 = arith.constant 3 : i32
    %dma_start3A_116 = arith.constant 384 : i32
    %dma_start3A_117 = arith.constant 0 : i32
    %dma_start3A_118 = tpu.memref_slice %arg8[%dma_start3A_116, %dma_start3A_117] : memref<512x128xf32, #tpu.memory_space<vmem>> -> memref<128x128xf32, #tpu.memory_space<vmem>>
    %dma_start3A_119 = arith.constant 0 : i32
    %dma_start3A_120 = tpu.memref_slice %arg7[%dma_start3A_115, %dma_start3A_119] : memref<4x128xi32, #tpu.memory_space<vmem>> -> memref<1x128xi32, #tpu.memory_space<vmem>>
    %dma_start3A_121 = tpu.memref_squeeze %dma_start3A_120 : memref<1x128xi32, #tpu.memory_space<vmem>> -> memref<128xi32, #tpu.memory_space<vmem>>
    %dma_start3A_122 = arith.constant 0 : i32
    %dma_start3A_123 = arith.constant 0 : i32
    %dma_start3A_124 = tpu.memref_slice %arg4[%dma_start3A_122, %dma_start3A_123] : memref<10000x128xf32, #tpu.memory_space<hbm>> -> memref<10000x128xf32, #tpu.memory_space<hbm>>
    tpu.enqueue_indirect_dma source(%dma_start3A_124 : memref<10000x128xf32, #tpu.memory_space<hbm>>) target(%dma_start3A_118 : memref<128x128xf32, #tpu.memory_space<vmem>>) offsets(%dma_start3A_121 : memref<128xi32, #tpu.memory_space<vmem>>) semaphore(%arg9 : memref<!tpu.dma_semaphore, #tpu.memory_space<semaphore_mem>>)
    %dma_wait3A_125 = arith.constant 0 : i32
    %dma_wait3A_126 = arith.constant 0 : i32
    %dma_wait3A_127 = arith.constant 0 : i32
    %dma_wait3A_128 = tpu.memref_slice %arg8[%dma_wait3A_126, %dma_wait3A_127] : memref<512x128xf32, #tpu.memory_space<vmem>> -> memref<128x128xf32, #tpu.memory_space<vmem>>
    %dma_wait3A_129 = arith.constant 0 : i32
    %dma_wait3A_130 = tpu.memref_slice %arg7[%dma_wait3A_125, %dma_wait3A_129] : memref<4x128xi32, #tpu.memory_space<vmem>> -> memref<1x128xi32, #tpu.memory_space<vmem>>
    %dma_wait3A_131 = tpu.memref_squeeze %dma_wait3A_130 : memref<1x128xi32, #tpu.memory_space<vmem>> -> memref<128xi32, #tpu.memory_space<vmem>>
    %dma_wait3A_132 = arith.constant 0 : i32
    %dma_wait3A_133 = arith.constant 0 : i32
    %dma_wait3A_134 = tpu.memref_slice %arg4[%dma_wait3A_132, %dma_wait3A_133] : memref<10000x128xf32, #tpu.memory_space<hbm>> -> memref<10000x128xf32, #tpu.memory_space<hbm>>
    tpu.wait_indirect_dma semaphore(%arg9 : memref<!tpu.dma_semaphore, #tpu.memory_space<semaphore_mem>>) src(%dma_wait3A_134 : memref<10000x128xf32, #tpu.memory_space<hbm>>) dst(%dma_wait3A_128 : memref<128x128xf32, #tpu.memory_space<vmem>>)
    %dma_wait3A_135 = arith.constant 1 : i32
    %dma_wait3A_136 = arith.constant 128 : i32
    %dma_wait3A_137 = arith.constant 0 : i32
    %dma_wait3A_138 = tpu.memref_slice %arg8[%dma_wait3A_136, %dma_wait3A_137] : memref<512x128xf32, #tpu.memory_space<vmem>> -> memref<128x128xf32, #tpu.memory_space<vmem>>
    %dma_wait3A_139 = arith.constant 0 : i32
    %dma_wait3A_140 = tpu.memref_slice %arg7[%dma_wait3A_135, %dma_wait3A_139] : memref<4x128xi32, #tpu.memory_space<vmem>> -> memref<1x128xi32, #tpu.memory_space<vmem>>
    %dma_wait3A_141 = tpu.memref_squeeze %dma_wait3A_140 : memref<1x128xi32, #tpu.memory_space<vmem>> -> memref<128xi32, #tpu.memory_space<vmem>>
    %dma_wait3A_142 = arith.constant 0 : i32
    %dma_wait3A_143 = arith.constant 0 : i32
    %dma_wait3A_144 = tpu.memref_slice %arg4[%dma_wait3A_142, %dma_wait3A_143] : memref<10000x128xf32, #tpu.memory_space<hbm>> -> memref<10000x128xf32, #tpu.memory_space<hbm>>
    tpu.wait_indirect_dma semaphore(%arg9 : memref<!tpu.dma_semaphore, #tpu.memory_space<semaphore_mem>>) src(%dma_wait3A_144 : memref<10000x128xf32, #tpu.memory_space<hbm>>) dst(%dma_wait3A_138 : memref<128x128xf32, #tpu.memory_space<vmem>>)
    %dma_wait3A_145 = arith.constant 2 : i32
    %dma_wait3A_146 = arith.constant 256 : i32
    %dma_wait3A_147 = arith.constant 0 : i32
    %dma_wait3A_148 = tpu.memref_slice %arg8[%dma_wait3A_146, %dma_wait3A_147] : memref<512x128xf32, #tpu.memory_space<vmem>> -> memref<128x128xf32, #tpu.memory_space<vmem>>
    %dma_wait3A_149 = arith.constant 0 : i32
    %dma_wait3A_150 = tpu.memref_slice %arg7[%dma_wait3A_145, %dma_wait3A_149] : memref<4x128xi32, #tpu.memory_space<vmem>> -> memref<1x128xi32, #tpu.memory_space<vmem>>
    %dma_wait3A_151 = tpu.memref_squeeze %dma_wait3A_150 : memref<1x128xi32, #tpu.memory_space<vmem>> -> memref<128xi32, #tpu.memory_space<vmem>>
    %dma_wait3A_152 = arith.constant 0 : i32
    %dma_wait3A_153 = arith.constant 0 : i32
    %dma_wait3A_154 = tpu.memref_slice %arg4[%dma_wait3A_152, %dma_wait3A_153] : memref<10000x128xf32, #tpu.memory_space<hbm>> -> memref<10000x128xf32, #tpu.memory_space<hbm>>
    tpu.wait_indirect_dma semaphore(%arg9 : memref<!tpu.dma_semaphore, #tpu.memory_space<semaphore_mem>>) src(%dma_wait3A_154 : memref<10000x128xf32, #tpu.memory_space<hbm>>) dst(%dma_wait3A_148 : memref<128x128xf32, #tpu.memory_space<vmem>>)
    %dma_wait3A_155 = arith.constant 3 : i32
    %dma_wait3A_156 = arith.constant 384 : i32
    %dma_wait3A_157 = arith.constant 0 : i32
    %dma_wait3A_158 = tpu.memref_slice %arg8[%dma_wait3A_156, %dma_wait3A_157] : memref<512x128xf32, #tpu.memory_space<vmem>> -> memref<128x128xf32, #tpu.memory_space<vmem>>
    %dma_wait3A_159 = arith.constant 0 : i32
    %dma_wait3A_160 = tpu.memref_slice %arg7[%dma_wait3A_155, %dma_wait3A_159] : memref<4x128xi32, #tpu.memory_space<vmem>> -> memref<1x128xi32, #tpu.memory_space<vmem>>
    %dma_wait3A_161 = tpu.memref_squeeze %dma_wait3A_160 : memref<1x128xi32, #tpu.memory_space<vmem>> -> memref<128xi32, #tpu.memory_space<vmem>>
    %dma_wait3A_162 = arith.constant 0 : i32
    %dma_wait3A_163 = arith.constant 0 : i32
    %dma_wait3A_164 = tpu.memref_slice %arg4[%dma_wait3A_162, %dma_wait3A_163] : memref<10000x128xf32, #tpu.memory_space<hbm>> -> memref<10000x128xf32, #tpu.memory_space<hbm>>
    tpu.wait_indirect_dma semaphore(%arg9 : memref<!tpu.dma_semaphore, #tpu.memory_space<semaphore_mem>>) src(%dma_wait3A_164 : memref<10000x128xf32, #tpu.memory_space<hbm>>) dst(%dma_wait3A_158 : memref<128x128xf32, #tpu.memory_space<vmem>>)
    "tpu.region"() ({
      %run_scoped3A = tpu.sem_alloc : memref<!tpu.dma_semaphore, #tpu.memory_space<semaphore_mem>>
      %dma_start3A_165 = arith.constant 0 : i32
      %dma_start3A_166 = tpu.memref_slice %arg6[%mul3A_2, %dma_start3A_165] : memref<16384x128xf32, #tpu.memory_space<hbm>> -> memref<512x128xf32, #tpu.memory_space<hbm>>
      %dma_start3A_167 = arith.constant 0 : i32
      %dma_start3A_168 = tpu.memref_slice %arg6[%mul3A_2, %dma_start3A_167] : memref<16384x128xf32, #tpu.memory_space<hbm>> -> memref<512x128xf32, #tpu.memory_space<hbm>>
      tpu.enqueue_dma source(%arg8 : memref<512x128xf32, #tpu.memory_space<vmem>>) target(%dma_start3A_168 : memref<512x128xf32, #tpu.memory_space<hbm>>) target_semaphore(%run_scoped3A : memref<!tpu.dma_semaphore, #tpu.memory_space<semaphore_mem>>)
      %dma_wait3A_169 = arith.constant 0 : i32
      %dma_wait3A_170 = tpu.memref_slice %arg6[%mul3A_2, %dma_wait3A_169] : memref<16384x128xf32, #tpu.memory_space<hbm>> -> memref<512x128xf32, #tpu.memory_space<hbm>>
      %dma_wait3A_171 = arith.constant 0 : i32
      %dma_wait3A_172 = tpu.memref_slice %arg6[%mul3A_2, %dma_wait3A_171] : memref<16384x128xf32, #tpu.memory_space<hbm>> -> memref<512x128xf32, #tpu.memory_space<hbm>>
      tpu.wait_dma2 semaphore(%run_scoped3A : memref<!tpu.dma_semaphore, #tpu.memory_space<semaphore_mem>>) src(%arg8 : memref<512x128xf32, #tpu.memory_space<vmem>>) dst(%dma_wait3A_172 : memref<512x128xf32, #tpu.memory_space<hbm>>)
      tpu.yield
    }) : () -> ()
    return
  }
}

#map = affine_map<(d0, d1) -> (0)>
module attributes {stable_mosaic.version = 14 : i64} {
  func.func @_nodesel_body(%arg0: i32, %arg1: i32, %arg2: memref<320000xi32, #tpu.memory_space<hbm>>, %arg3: memref<320000xi32, #tpu.memory_space<hbm>>, %arg4: memref<320000xf32, #tpu.memory_space<hbm>>, %arg5: memref<16xf32, #tpu.memory_space<hbm>>, %arg6: memref<10000xf32, #tpu.memory_space<hbm>>, %arg7: memref<10000xf32, #tpu.memory_space<hbm>>, %arg8: memref<128xi32, #tpu.memory_space<vmem>>, %arg9: memref<128xi32, #tpu.memory_space<vmem>>, %arg10: memref<128xf32, #tpu.memory_space<vmem>>, %arg11: memref<128xf32, #tpu.memory_space<vmem>>, %arg12: memref<16xf32, #tpu.memory_space<vmem>>, %arg13: memref<10000xf32, #tpu.memory_space<vmem>>, %arg14: memref<10000xf32, #tpu.memory_space<vmem_shared>>) attributes {dimension_semantics = [#tpu.dimension_semantics<core_parallel>, #tpu.dimension_semantics<subcore_parallel>], iteration_bounds = array<i64: 1, 16>, scalar_prefetch = 0 : i64, scratch_operands = 7 : i64, tpu.core_type = #tpu.core_type<sc_vector_subcore>, window_params = [{transform_indices = #map}, {transform_indices = #map}, {transform_indices = #map}, {transform_indices = #map}, {transform_indices = #map}, {transform_indices = #map}]} {
    %mul3A = arith.constant 0 : i32
    %mul3A_0 = arith.muli %arg0, %mul3A : i32
    %add3A = arith.addi %arg1, %mul3A_0 : i32
    "tpu.region"() ({
      %run_scoped3A = tpu.sem_alloc : memref<!tpu.dma_semaphore, #tpu.memory_space<semaphore_mem>>
      tpu.enqueue_dma source(%arg5 : memref<16xf32, #tpu.memory_space<hbm>>) target(%arg12 : memref<16xf32, #tpu.memory_space<vmem>>) target_semaphore(%run_scoped3A : memref<!tpu.dma_semaphore, #tpu.memory_space<semaphore_mem>>)
      tpu.wait_dma2 semaphore(%run_scoped3A : memref<!tpu.dma_semaphore, #tpu.memory_space<semaphore_mem>>) src(%arg5 : memref<16xf32, #tpu.memory_space<hbm>>) dst(%arg12 : memref<16xf32, #tpu.memory_space<vmem>>)
      tpu.yield
    }) : () -> ()
    %get3A = arith.constant 0 : index
    %get3A_1 = tpu.vector_load %arg12[%get3A] {strides = array<i32>} : memref<16xf32, #tpu.memory_space<vmem>>, vector<16xf32>,
    %eq3A = arith.constant 0 : i32
    %eq3A_2 = arith.cmpi eq, %add3A, %eq3A : i32
    %convert_element_type3A = arith.extui %eq3A_2 : i1 to i32
    %cond3A = arith.constant 0 : i32
    %cond3A_3 = arith.cmpi ne, %convert_element_type3A, %cond3A : i32
    scf.if %cond3A_3 {
      "tpu.region"() ({
        %run_scoped3A = tpu.sem_alloc : memref<!tpu.dma_semaphore, #tpu.memory_space<semaphore_mem>>
        tpu.enqueue_dma source(%arg6 : memref<10000xf32, #tpu.memory_space<hbm>>) target(%arg14 : memref<10000xf32, #tpu.memory_space<vmem_shared>>) target_semaphore(%run_scoped3A : memref<!tpu.dma_semaphore, #tpu.memory_space<semaphore_mem>>)
        tpu.wait_dma2 semaphore(%run_scoped3A : memref<!tpu.dma_semaphore, #tpu.memory_space<semaphore_mem>>) src(%arg6 : memref<10000xf32, #tpu.memory_space<hbm>>) dst(%arg14 : memref<10000xf32, #tpu.memory_space<vmem_shared>>)
        tpu.yield
      }) : () -> ()
    } else {
    }
    %barrier3A = arith.constant 0 : index
    tpu.barrier barrier_id(%barrier3A)
    %scan3A = arith.constant 0 : i32
    %scan3A_4 = arith.constant 0 : i32
    %scan3A_5 = arith.constant 157 : i32
    %scan3A_6 = arith.addi %scan3A_4, %scan3A_5 : i32
    %scan3A_7 = arith.constant 1 : i32
    %scan3A_8 = scf.for %scan3A_16 = %scan3A_4 to %scan3A_6 step %scan3A_7 iter_args(%scan3A_17 = %scan3A) -> (i32)  : i32 {
      %mul3A_18 = arith.constant 16 : i32
      %mul3A_19 = arith.muli %scan3A_16, %mul3A_18 : i32
      %add3A_20 = arith.addi %mul3A_19, %add3A : i32
      %lt3A = arith.constant 2500 : i32
      %lt3A_21 = arith.cmpi slt, %add3A_20, %lt3A : i32
      %convert_element_type3A_22 = arith.extui %lt3A_21 : i1 to i32
      %cond3A_23 = arith.constant 0 : i32
      %cond3A_24 = arith.cmpi ne, %convert_element_type3A_22, %cond3A_23 : i32
      scf.if %cond3A_24 {
        %mul3A_26 = arith.constant 128 : i32
        %mul3A_27 = arith.muli %add3A_20, %mul3A_26 : i32
        "tpu.region"() ({
          %run_scoped3A = tpu.sem_alloc : memref<!tpu.dma_semaphore, #tpu.memory_space<semaphore_mem>>
          %dma_start3A = tpu.memref_slice %arg2[%mul3A_27] : memref<320000xi32, #tpu.memory_space<hbm>> -> memref<128xi32, #tpu.memory_space<hbm>>
          %dma_start3A_103 = tpu.memref_slice %arg2[%mul3A_27] : memref<320000xi32, #tpu.memory_space<hbm>> -> memref<128xi32, #tpu.memory_space<hbm>>
          tpu.enqueue_dma source(%dma_start3A_103 : memref<128xi32, #tpu.memory_space<hbm>>) target(%arg8 : memref<128xi32, #tpu.memory_space<vmem>>) target_semaphore(%run_scoped3A : memref<!tpu.dma_semaphore, #tpu.memory_space<semaphore_mem>>)
          %dma_wait3A = tpu.memref_slice %arg2[%mul3A_27] : memref<320000xi32, #tpu.memory_space<hbm>> -> memref<128xi32, #tpu.memory_space<hbm>>
          %dma_wait3A_104 = tpu.memref_slice %arg2[%mul3A_27] : memref<320000xi32, #tpu.memory_space<hbm>> -> memref<128xi32, #tpu.memory_space<hbm>>
          tpu.wait_dma2 semaphore(%run_scoped3A : memref<!tpu.dma_semaphore, #tpu.memory_space<semaphore_mem>>) src(%dma_wait3A_104 : memref<128xi32, #tpu.memory_space<hbm>>) dst(%arg8 : memref<128xi32, #tpu.memory_space<vmem>>)
          tpu.yield
        }) : () -> ()
        "tpu.region"() ({
          %run_scoped3A = tpu.sem_alloc : memref<!tpu.dma_semaphore, #tpu.memory_space<semaphore_mem>>
          %dma_start3A = tpu.memref_slice %arg3[%mul3A_27] : memref<320000xi32, #tpu.memory_space<hbm>> -> memref<128xi32, #tpu.memory_space<hbm>>
          %dma_start3A_103 = tpu.memref_slice %arg3[%mul3A_27] : memref<320000xi32, #tpu.memory_space<hbm>> -> memref<128xi32, #tpu.memory_space<hbm>>
          tpu.enqueue_dma source(%dma_start3A_103 : memref<128xi32, #tpu.memory_space<hbm>>) target(%arg9 : memref<128xi32, #tpu.memory_space<vmem>>) target_semaphore(%run_scoped3A : memref<!tpu.dma_semaphore, #tpu.memory_space<semaphore_mem>>)
          %dma_wait3A = tpu.memref_slice %arg3[%mul3A_27] : memref<320000xi32, #tpu.memory_space<hbm>> -> memref<128xi32, #tpu.memory_space<hbm>>
          %dma_wait3A_104 = tpu.memref_slice %arg3[%mul3A_27] : memref<320000xi32, #tpu.memory_space<hbm>> -> memref<128xi32, #tpu.memory_space<hbm>>
          tpu.wait_dma2 semaphore(%run_scoped3A : memref<!tpu.dma_semaphore, #tpu.memory_space<semaphore_mem>>) src(%dma_wait3A_104 : memref<128xi32, #tpu.memory_space<hbm>>) dst(%arg9 : memref<128xi32, #tpu.memory_space<vmem>>)
          tpu.yield
        }) : () -> ()
        "tpu.region"() ({
          %run_scoped3A = tpu.sem_alloc : memref<!tpu.dma_semaphore, #tpu.memory_space<semaphore_mem>>
          %dma_start3A = tpu.memref_slice %arg4[%mul3A_27] : memref<320000xf32, #tpu.memory_space<hbm>> -> memref<128xf32, #tpu.memory_space<hbm>>
          %dma_start3A_103 = tpu.memref_slice %arg4[%mul3A_27] : memref<320000xf32, #tpu.memory_space<hbm>> -> memref<128xf32, #tpu.memory_space<hbm>>
          tpu.enqueue_dma source(%dma_start3A_103 : memref<128xf32, #tpu.memory_space<hbm>>) target(%arg10 : memref<128xf32, #tpu.memory_space<vmem>>) target_semaphore(%run_scoped3A : memref<!tpu.dma_semaphore, #tpu.memory_space<semaphore_mem>>)
          %dma_wait3A = tpu.memref_slice %arg4[%mul3A_27] : memref<320000xf32, #tpu.memory_space<hbm>> -> memref<128xf32, #tpu.memory_space<hbm>>
          %dma_wait3A_104 = tpu.memref_slice %arg4[%mul3A_27] : memref<320000xf32, #tpu.memory_space<hbm>> -> memref<128xf32, #tpu.memory_space<hbm>>
          tpu.wait_dma2 semaphore(%run_scoped3A : memref<!tpu.dma_semaphore, #tpu.memory_space<semaphore_mem>>) src(%dma_wait3A_104 : memref<128xf32, #tpu.memory_space<hbm>>) dst(%arg10 : memref<128xf32, #tpu.memory_space<vmem>>)
          tpu.yield
        }) : () -> ()
        %get3A_28 = arith.constant 0 : index
        %get3A_29 = tpu.vector_load %arg10[%get3A_28] {strides = array<i32>} : memref<128xf32, #tpu.memory_space<vmem>>, vector<16xf32>,
        %gt3A = arith.cmpf ogt, %get3A_29, %get3A_1 : vector<16xf32>
        %jit3A = arith.constant 1.000000e+00 : f32
        %jit3A_30 = arith.constant 0.000000e+00 : f32
        %broadcast_in_dim3A = vector.broadcast %jit3A : f32 to vector<16xf32>
        %broadcast_in_dim3A_31 = vector.broadcast %jit3A_30 : f32 to vector<16xf32>
        %select_n3A = arith.select %gt3A, %broadcast_in_dim3A, %broadcast_in_dim3A_31 : vector<16xi1>, vector<16xf32>
        %swap3A = arith.constant 0 : index
        %swap3A_32 = tpu.vector_load %arg11[%swap3A] {strides = array<i32>} : memref<128xf32, #tpu.memory_space<vmem>>, vector<16xf32>,
        tpu.vector_store %arg11[%swap3A], %select_n3A {strides = array<i32>} : memref<128xf32, #tpu.memory_space<vmem>>, vector<16xf32>,
        %get3A_33 = arith.constant 16 : index
        %get3A_34 = tpu.vector_load %arg10[%get3A_33] {strides = array<i32>} : memref<128xf32, #tpu.memory_space<vmem>>, vector<16xf32>,
        %gt3A_35 = arith.cmpf ogt, %get3A_34, %get3A_1 : vector<16xf32>
        %jit3A_36 = arith.constant 1.000000e+00 : f32
        %jit3A_37 = arith.constant 0.000000e+00 : f32
        %broadcast_in_dim3A_38 = vector.broadcast %jit3A_36 : f32 to vector<16xf32>
        %broadcast_in_dim3A_39 = vector.broadcast %jit3A_37 : f32 to vector<16xf32>
        %select_n3A_40 = arith.select %gt3A_35, %broadcast_in_dim3A_38, %broadcast_in_dim3A_39 : vector<16xi1>, vector<16xf32>
        %swap3A_41 = arith.constant 16 : index
        %swap3A_42 = tpu.vector_load %arg11[%swap3A_41] {strides = array<i32>} : memref<128xf32, #tpu.memory_space<vmem>>, vector<16xf32>,
        tpu.vector_store %arg11[%swap3A_41], %select_n3A_40 {strides = array<i32>} : memref<128xf32, #tpu.memory_space<vmem>>, vector<16xf32>,
        %get3A_43 = arith.constant 32 : index
        %get3A_44 = tpu.vector_load %arg10[%get3A_43] {strides = array<i32>} : memref<128xf32, #tpu.memory_space<vmem>>, vector<16xf32>,
        %gt3A_45 = arith.cmpf ogt, %get3A_44, %get3A_1 : vector<16xf32>
        %jit3A_46 = arith.constant 1.000000e+00 : f32
        %jit3A_47 = arith.constant 0.000000e+00 : f32
        %broadcast_in_dim3A_48 = vector.broadcast %jit3A_46 : f32 to vector<16xf32>
        %broadcast_in_dim3A_49 = vector.broadcast %jit3A_47 : f32 to vector<16xf32>
        %select_n3A_50 = arith.select %gt3A_45, %broadcast_in_dim3A_48, %broadcast_in_dim3A_49 : vector<16xi1>, vector<16xf32>
        %swap3A_51 = arith.constant 32 : index
        %swap3A_52 = tpu.vector_load %arg11[%swap3A_51] {strides = array<i32>} : memref<128xf32, #tpu.memory_space<vmem>>, vector<16xf32>,
        tpu.vector_store %arg11[%swap3A_51], %select_n3A_50 {strides = array<i32>} : memref<128xf32, #tpu.memory_space<vmem>>, vector<16xf32>,
        %get3A_53 = arith.constant 48 : index
        %get3A_54 = tpu.vector_load %arg10[%get3A_53] {strides = array<i32>} : memref<128xf32, #tpu.memory_space<vmem>>, vector<16xf32>,
        %gt3A_55 = arith.cmpf ogt, %get3A_54, %get3A_1 : vector<16xf32>
        %jit3A_56 = arith.constant 1.000000e+00 : f32
        %jit3A_57 = arith.constant 0.000000e+00 : f32
        %broadcast_in_dim3A_58 = vector.broadcast %jit3A_56 : f32 to vector<16xf32>
        %broadcast_in_dim3A_59 = vector.broadcast %jit3A_57 : f32 to vector<16xf32>
        %select_n3A_60 = arith.select %gt3A_55, %broadcast_in_dim3A_58, %broadcast_in_dim3A_59 : vector<16xi1>, vector<16xf32>
        %swap3A_61 = arith.constant 48 : index
        %swap3A_62 = tpu.vector_load %arg11[%swap3A_61] {strides = array<i32>} : memref<128xf32, #tpu.memory_space<vmem>>, vector<16xf32>,
        tpu.vector_store %arg11[%swap3A_61], %select_n3A_60 {strides = array<i32>} : memref<128xf32, #tpu.memory_space<vmem>>, vector<16xf32>,
        %get3A_63 = arith.constant 64 : index
        %get3A_64 = tpu.vector_load %arg10[%get3A_63] {strides = array<i32>} : memref<128xf32, #tpu.memory_space<vmem>>, vector<16xf32>,
        %gt3A_65 = arith.cmpf ogt, %get3A_64, %get3A_1 : vector<16xf32>
        %jit3A_66 = arith.constant 1.000000e+00 : f32
        %jit3A_67 = arith.constant 0.000000e+00 : f32
        %broadcast_in_dim3A_68 = vector.broadcast %jit3A_66 : f32 to vector<16xf32>
        %broadcast_in_dim3A_69 = vector.broadcast %jit3A_67 : f32 to vector<16xf32>
        %select_n3A_70 = arith.select %gt3A_65, %broadcast_in_dim3A_68, %broadcast_in_dim3A_69 : vector<16xi1>, vector<16xf32>
        %swap3A_71 = arith.constant 64 : index
        %swap3A_72 = tpu.vector_load %arg11[%swap3A_71] {strides = array<i32>} : memref<128xf32, #tpu.memory_space<vmem>>, vector<16xf32>,
        tpu.vector_store %arg11[%swap3A_71], %select_n3A_70 {strides = array<i32>} : memref<128xf32, #tpu.memory_space<vmem>>, vector<16xf32>,
        %get3A_73 = arith.constant 80 : index
        %get3A_74 = tpu.vector_load %arg10[%get3A_73] {strides = array<i32>} : memref<128xf32, #tpu.memory_space<vmem>>, vector<16xf32>,
        %gt3A_75 = arith.cmpf ogt, %get3A_74, %get3A_1 : vector<16xf32>
        %jit3A_76 = arith.constant 1.000000e+00 : f32
        %jit3A_77 = arith.constant 0.000000e+00 : f32
        %broadcast_in_dim3A_78 = vector.broadcast %jit3A_76 : f32 to vector<16xf32>
        %broadcast_in_dim3A_79 = vector.broadcast %jit3A_77 : f32 to vector<16xf32>
        %select_n3A_80 = arith.select %gt3A_75, %broadcast_in_dim3A_78, %broadcast_in_dim3A_79 : vector<16xi1>, vector<16xf32>
        %swap3A_81 = arith.constant 80 : index
        %swap3A_82 = tpu.vector_load %arg11[%swap3A_81] {strides = array<i32>} : memref<128xf32, #tpu.memory_space<vmem>>, vector<16xf32>,
        tpu.vector_store %arg11[%swap3A_81], %select_n3A_80 {strides = array<i32>} : memref<128xf32, #tpu.memory_space<vmem>>, vector<16xf32>,
        %get3A_83 = arith.constant 96 : index
        %get3A_84 = tpu.vector_load %arg10[%get3A_83] {strides = array<i32>} : memref<128xf32, #tpu.memory_space<vmem>>, vector<16xf32>,
        %gt3A_85 = arith.cmpf ogt, %get3A_84, %get3A_1 : vector<16xf32>
        %jit3A_86 = arith.constant 1.000000e+00 : f32
        %jit3A_87 = arith.constant 0.000000e+00 : f32
        %broadcast_in_dim3A_88 = vector.broadcast %jit3A_86 : f32 to vector<16xf32>
        %broadcast_in_dim3A_89 = vector.broadcast %jit3A_87 : f32 to vector<16xf32>
        %select_n3A_90 = arith.select %gt3A_85, %broadcast_in_dim3A_88, %broadcast_in_dim3A_89 : vector<16xi1>, vector<16xf32>
        %swap3A_91 = arith.constant 96 : index
        %swap3A_92 = tpu.vector_load %arg11[%swap3A_91] {strides = array<i32>} : memref<128xf32, #tpu.memory_space<vmem>>, vector<16xf32>,
        tpu.vector_store %arg11[%swap3A_91], %select_n3A_90 {strides = array<i32>} : memref<128xf32, #tpu.memory_space<vmem>>, vector<16xf32>,
        %get3A_93 = arith.constant 112 : index
        %get3A_94 = tpu.vector_load %arg10[%get3A_93] {strides = array<i32>} : memref<128xf32, #tpu.memory_space<vmem>>, vector<16xf32>,
        %gt3A_95 = arith.cmpf ogt, %get3A_94, %get3A_1 : vector<16xf32>
        %jit3A_96 = arith.constant 1.000000e+00 : f32
        %jit3A_97 = arith.constant 0.000000e+00 : f32
        %broadcast_in_dim3A_98 = vector.broadcast %jit3A_96 : f32 to vector<16xf32>
        %broadcast_in_dim3A_99 = vector.broadcast %jit3A_97 : f32 to vector<16xf32>
        %select_n3A_100 = arith.select %gt3A_95, %broadcast_in_dim3A_98, %broadcast_in_dim3A_99 : vector<16xi1>, vector<16xf32>
        %swap3A_101 = arith.constant 112 : index
        %swap3A_102 = tpu.vector_load %arg11[%swap3A_101] {strides = array<i32>} : memref<128xf32, #tpu.memory_space<vmem>>, vector<16xf32>,
        tpu.vector_store %arg11[%swap3A_101], %select_n3A_100 {strides = array<i32>} : memref<128xf32, #tpu.memory_space<vmem>>, vector<16xf32>,
        "tpu.region"() ({
          %run_scoped3A = tpu.sem_alloc : memref<!tpu.dma_semaphore, #tpu.memory_space<semaphore_mem>>
          %dma_start3A = arith.constant 0 : i32
          %dma_start3A_103 = tpu.memref_slice %arg14[%dma_start3A] : memref<10000xf32, #tpu.memory_space<vmem_shared>> -> memref<10000xf32, #tpu.memory_space<vmem_shared>>
          tpu.enqueue_indirect_dma source(%arg11 : memref<128xf32, #tpu.memory_space<vmem>>) target(%dma_start3A_103 : memref<10000xf32, #tpu.memory_space<vmem_shared>>) offsets(%arg8 : memref<128xi32, #tpu.memory_space<vmem>>) semaphore(%run_scoped3A : memref<!tpu.dma_semaphore, #tpu.memory_space<semaphore_mem>>) {add = true}
          %dma_wait3A = arith.constant 0 : i32
          %dma_wait3A_104 = tpu.memref_slice %arg14[%dma_wait3A] : memref<10000xf32, #tpu.memory_space<vmem_shared>> -> memref<10000xf32, #tpu.memory_space<vmem_shared>>
          tpu.wait_indirect_dma semaphore(%run_scoped3A : memref<!tpu.dma_semaphore, #tpu.memory_space<semaphore_mem>>) src(%arg11 : memref<128xf32, #tpu.memory_space<vmem>>) dst(%dma_wait3A_104 : memref<10000xf32, #tpu.memory_space<vmem_shared>>)
          tpu.yield
        }) : () -> ()
        "tpu.region"() ({
          %run_scoped3A = tpu.sem_alloc : memref<!tpu.dma_semaphore, #tpu.memory_space<semaphore_mem>>
          %dma_start3A = arith.constant 0 : i32
          %dma_start3A_103 = tpu.memref_slice %arg14[%dma_start3A] : memref<10000xf32, #tpu.memory_space<vmem_shared>> -> memref<10000xf32, #tpu.memory_space<vmem_shared>>
          tpu.enqueue_indirect_dma source(%arg11 : memref<128xf32, #tpu.memory_space<vmem>>) target(%dma_start3A_103 : memref<10000xf32, #tpu.memory_space<vmem_shared>>) offsets(%arg9 : memref<128xi32, #tpu.memory_space<vmem>>) semaphore(%run_scoped3A : memref<!tpu.dma_semaphore, #tpu.memory_space<semaphore_mem>>) {add = true}
          %dma_wait3A = arith.constant 0 : i32
          %dma_wait3A_104 = tpu.memref_slice %arg14[%dma_wait3A] : memref<10000xf32, #tpu.memory_space<vmem_shared>> -> memref<10000xf32, #tpu.memory_space<vmem_shared>>
          tpu.wait_indirect_dma semaphore(%run_scoped3A : memref<!tpu.dma_semaphore, #tpu.memory_space<semaphore_mem>>) src(%arg11 : memref<128xf32, #tpu.memory_space<vmem>>) dst(%dma_wait3A_104 : memref<10000xf32, #tpu.memory_space<vmem_shared>>)
          tpu.yield
        }) : () -> ()
      } else {
      }
      %scan3A_25 = arith.constant 0 : i32
      scf.yield %scan3A_25 : i32
    }
    %scan3A_9 = arith.constant 157 : i32
    %barrier3A_10 = arith.constant 0 : index
    tpu.barrier barrier_id(%barrier3A_10)
    %eq3A_11 = arith.constant 0 : i32
    %eq3A_12 = arith.cmpi eq, %add3A, %eq3A_11 : i32
    %convert_element_type3A_13 = arith.extui %eq3A_12 : i1 to i32
    %cond3A_14 = arith.constant 0 : i32
    %cond3A_15 = arith.cmpi ne, %convert_element_type3A_13, %cond3A_14 : i32
    scf.if %cond3A_15 {
      "tpu.region"() ({
        %run_scoped3A = tpu.sem_alloc : memref<!tpu.dma_semaphore, #tpu.memory_space<semaphore_mem>>
        tpu.enqueue_dma source(%arg14 : memref<10000xf32, #tpu.memory_space<vmem_shared>>) target(%arg13 : memref<10000xf32, #tpu.memory_space<vmem>>) target_semaphore(%run_scoped3A : memref<!tpu.dma_semaphore, #tpu.memory_space<semaphore_mem>>)
        tpu.wait_dma2 semaphore(%run_scoped3A : memref<!tpu.dma_semaphore, #tpu.memory_space<semaphore_mem>>) src(%arg14 : memref<10000xf32, #tpu.memory_space<vmem_shared>>) dst(%arg13 : memref<10000xf32, #tpu.memory_space<vmem>>)
        tpu.yield
      }) : () -> ()
      %scan3A_16 = arith.constant 0 : i32
      %scan3A_17 = arith.constant 0 : i32
      %scan3A_18 = arith.constant 625 : i32
      %scan3A_19 = arith.addi %scan3A_17, %scan3A_18 : i32
      %scan3A_20 = arith.constant 1 : i32
      %scan3A_21 = scf.for %scan3A_23 = %scan3A_17 to %scan3A_19 step %scan3A_20 iter_args(%scan3A_24 = %scan3A_16) -> (i32)  : i32 {
        %mul3A_25 = arith.constant 16 : i32
        %mul3A_26 = arith.muli %scan3A_23, %mul3A_25 : i32
        %get3A_27 = arith.index_cast %mul3A_26 : i32 to index
        %get3A_28 = tpu.vector_load %arg13[%get3A_27] {strides = array<i32>} : memref<10000xf32, #tpu.memory_space<vmem>>, vector<16xf32>,
        %gt3A = arith.constant 0.000000e+00 : f32
        %gt3A_29 = vector.broadcast %gt3A : f32 to vector<16xf32>
        %gt3A_30 = arith.cmpf ogt, %get3A_28, %gt3A_29 : vector<16xf32>
        %jit3A = arith.constant 1.000000e+00 : f32
        %jit3A_31 = arith.constant 0.000000e+00 : f32
        %broadcast_in_dim3A = vector.broadcast %jit3A : f32 to vector<16xf32>
        %broadcast_in_dim3A_32 = vector.broadcast %jit3A_31 : f32 to vector<16xf32>
        %select_n3A = arith.select %gt3A_30, %broadcast_in_dim3A, %broadcast_in_dim3A_32 : vector<16xi1>, vector<16xf32>
        %mul3A_33 = arith.constant 16 : i32
        %mul3A_34 = arith.muli %scan3A_23, %mul3A_33 : i32
        %swap3A = arith.index_cast %mul3A_34 : i32 to index
        %swap3A_35 = tpu.vector_load %arg13[%swap3A] {strides = array<i32>} : memref<10000xf32, #tpu.memory_space<vmem>>, vector<16xf32>,
        tpu.vector_store %arg13[%swap3A], %select_n3A {strides = array<i32>} : memref<10000xf32, #tpu.memory_space<vmem>>, vector<16xf32>,
        %scan3A_36 = arith.constant 0 : i32
        scf.yield %scan3A_36 : i32
      }
      %scan3A_22 = arith.constant 625 : i32
      "tpu.region"() ({
        %run_scoped3A = tpu.sem_alloc : memref<!tpu.dma_semaphore, #tpu.memory_space<semaphore_mem>>
        tpu.enqueue_dma source(%arg13 : memref<10000xf32, #tpu.memory_space<vmem>>) target(%arg7 : memref<10000xf32, #tpu.memory_space<hbm>>) target_semaphore(%run_scoped3A : memref<!tpu.dma_semaphore, #tpu.memory_space<semaphore_mem>>)
        tpu.wait_dma2 semaphore(%run_scoped3A : memref<!tpu.dma_semaphore, #tpu.memory_space<semaphore_mem>>) src(%arg13 : memref<10000xf32, #tpu.memory_space<vmem>>) dst(%arg7 : memref<10000xf32, #tpu.memory_space<hbm>>)
        tpu.yield
      }) : () -> ()
    } else {
    }
    return
  }
}

module attributes {stable_mosaic.version = 14 : i64} {
  func.func @_tables_body(%arg0: i32, %arg1: memref<1000x128xf32, #tpu.memory_space<vmem>>, %arg2: memref<256x64xf32, #tpu.memory_space<vmem>>, %arg3: memref<1x64xf32, #tpu.memory_space<vmem>>, %arg4: memref<1000x64xf32, #tpu.memory_space<vmem>>, %arg5: memref<1000x64xf32, #tpu.memory_space<vmem>>) attributes {dimension_semantics = [#tpu.dimension_semantics<arbitrary>], iteration_bounds = array<i64: 10>, scalar_prefetch = 0 : i64, scratch_operands = 0 : i64, tpu.core_type = #tpu.core_type<tc>, window_params = [{transform_indices = @transform_0, window_bounds = array<i64: 1000, 128>}, {pipeline_mode = #tpu.pipeline_mode<synchronous>, transform_indices = @transform_1, window_bounds = array<i64: 256, 64>}, {pipeline_mode = #tpu.pipeline_mode<synchronous>, transform_indices = @transform_2, window_bounds = array<i64: 1, 64>}, {transform_indices = @transform_3, window_bounds = array<i64: 1000, 64>}, {transform_indices = @transform_4, window_bounds = array<i64: 1000, 64>}]} {
    %get3A = arith.constant 0 : index
    %get3A_0 = arith.constant 0 : index
    %get3A_1 = vector.load %arg1[%get3A, %get3A_0] : memref<1000x128xf32, #tpu.memory_space<vmem>>, vector<1000x128xf32>
    %get3A_2 = arith.constant 0 : index
    %get3A_3 = arith.constant 0 : index
    %get3A_4 = vector.load %arg2[%get3A_2, %get3A_3] : memref<256x64xf32, #tpu.memory_space<vmem>>, vector<128x64xf32>
    %dot_general3A = arith.constant dense<0.000000e+00> : vector<1000x64xf32>
    %dot_general3A_5 = tpu.matmul %get3A_1, %get3A_4, %dot_general3A {dimension_numbers = #tpu.dot_dimension_numbers<[1], [0], [0], [1], [0, 0, 1, 1], [], []>, transpose_lhs_hint = false} : vector<1000x128xf32>, vector<128x64xf32>, vector<1000x64xf32> -> vector<1000x64xf32>
    %get3A_6 = arith.constant 0 : index
    %get3A_7 = arith.constant 0 : index
    %get3A_8 = vector.load %arg3[%get3A_6, %get3A_7] : memref<1x64xf32, #tpu.memory_space<vmem>>, vector<1x64xf32>
    %add3A = vector.broadcast %get3A_8 : vector<1x64xf32> to vector<1000x64xf32>
    %add3A_9 = arith.addf %dot_general3A_5, %add3A : vector<1000x64xf32>
    %swap3A = arith.constant 0 : index
    %swap3A_10 = arith.constant 0 : index
    %swap3A_11 = vector.load %arg4[%swap3A, %swap3A_10] : memref<1000x64xf32, #tpu.memory_space<vmem>>, vector<1000x64xf32>
    tpu.vector_store %arg4[%swap3A, %swap3A_10], %add3A_9 {strides = array<i32>} : memref<1000x64xf32, #tpu.memory_space<vmem>>, vector<1000x64xf32>,
    %get3A_12 = arith.constant 128 : index
    %get3A_13 = arith.constant 0 : index
    %get3A_14 = vector.load %arg2[%get3A_12, %get3A_13] : memref<256x64xf32, #tpu.memory_space<vmem>>, vector<128x64xf32>
    %dot_general3A_15 = arith.constant dense<0.000000e+00> : vector<1000x64xf32>
    %dot_general3A_16 = tpu.matmul %get3A_1, %get3A_14, %dot_general3A_15 {dimension_numbers = #tpu.dot_dimension_numbers<[1], [0], [0], [1], [0, 0, 1, 1], [], []>, transpose_lhs_hint = false} : vector<1000x128xf32>, vector<128x64xf32>, vector<1000x64xf32> -> vector<1000x64xf32>
    %swap3A_17 = arith.constant 0 : index
    %swap3A_18 = arith.constant 0 : index
    %swap3A_19 = vector.load %arg5[%swap3A_17, %swap3A_18] : memref<1000x64xf32, #tpu.memory_space<vmem>>, vector<1000x64xf32>
    tpu.vector_store %arg5[%swap3A_17, %swap3A_18], %dot_general3A_16 {strides = array<i32>} : memref<1000x64xf32, #tpu.memory_space<vmem>>, vector<1000x64xf32>,
    return
  }
  func.func @transform_0(%arg0: i32) -> (i32, i32) {
    %c0_i32 = arith.constant 0 : i32
    %c0_i32_0 = arith.constant 0 : i32
    return %arg0, %c0_i32 : i32, i32
  }
  func.func @transform_1(%arg0: i32) -> (i32, i32) {
    %c0_i32 = arith.constant 0 : i32
    %c0_i32_0 = arith.constant 0 : i32
    %c0_i32_1 = arith.constant 0 : i32
    return %c0_i32, %c0_i32_0 : i32, i32
  }
  func.func @transform_2(%arg0: i32) -> (i32, i32) {
    %c0_i32 = arith.constant 0 : i32
    %c0_i32_0 = arith.constant 0 : i32
    %c0_i32_1 = arith.constant 0 : i32
    return %c0_i32, %c0_i32_0 : i32, i32
  }
  func.func @transform_3(%arg0: i32) -> (i32, i32) {
    %c0_i32 = arith.constant 0 : i32
    %c0_i32_0 = arith.constant 0 : i32
    return %arg0, %c0_i32 : i32, i32
  }
  func.func @transform_4(%arg0: i32) -> (i32, i32) {
    %c0_i32 = arith.constant 0 : i32
    %c0_i32_0 = arith.constant 0 : i32
    return %arg0, %c0_i32 : i32, i32
  }
}

module attributes {stable_mosaic.version = 14 : i64} {
  func.func @_thresh_body(%arg0: memref<1x1xi32, #tpu.memory_space<smem>>, %arg1: memref<2500x128xf32, #tpu.memory_space<vmem>>, %arg2: memref<2500x128xi32, #tpu.memory_space<vmem>>, %arg3: memref<1x1xf32, #tpu.memory_space<smem>>) attributes {dimension_semantics = [], scalar_prefetch = 0 : i64, scratch_operands = 0 : i64, tpu.core_type = #tpu.core_type<tc>} {
    %get3A = arith.constant 0 : index
    %get3A_0 = arith.constant 0 : index
    %get3A_1 = vector.load %arg1[%get3A, %get3A_0] : memref<2500x128xf32, #tpu.memory_space<vmem>>, vector<2500x128xf32>
    %bitcast_convert_type3A = tpu.bitcast %get3A_1 : vector<2500x128xf32> -> vector<2500x128xi32>
    %get3A_2 = arith.constant 0 : index
    %get3A_3 = arith.constant 0 : index
    %get3A_4 = memref.load %arg0[%get3A_2, %get3A_3] : memref<1x1xi32, #tpu.memory_space<smem>>
    %scan3A = arith.constant 0 : i32
    %scan3A_5 = arith.constant 1065353216 : i32
    %scan3A_6 = arith.constant 0 : i32
    %scan3A_7 = arith.constant 31 : i32
    %scan3A_8 = arith.addi %scan3A_6, %scan3A_7 : i32
    %scan3A_9 = arith.constant 1 : i32
    %scan3A_10:2 = scf.for %scan3A_21 = %scan3A_6 to %scan3A_8 step %scan3A_9 iter_args(%scan3A_22 = %scan3A, %scan3A_23 = %scan3A_5) -> (i32, i32)  : i32 {
      %add3A = arith.addi %scan3A_22, %scan3A_23 : i32
      %div3A = arith.constant 2 : i32
      %div3A_24 = arith.divsi %add3A, %div3A : i32
      %gt3A_25 = vector.broadcast %div3A_24 : i32 to vector<2500x128xi32>
      %gt3A_26 = arith.cmpi sgt, %bitcast_convert_type3A, %gt3A_25 : vector<2500x128xi32>
      %convert_element_type3A = arith.extui %gt3A_26 : vector<2500x128xi1> to vector<2500x128xi32>
      %reduce_sum3A = vector.shape_cast %convert_element_type3A : vector<2500x128xi32> to vector<1x2500x128xi32>
      %reduce_sum3A_27 = arith.constant dense<0> : vector<1xi32>
      %reduce_sum3A_28 = vector.multi_reduction <add>, %reduce_sum3A, %reduce_sum3A_27 [1, 2] : vector<1x2500x128xi32> to vector<1xi32>
      %reduce_sum3A_29 = vector.shape_cast %reduce_sum3A_28 : vector<1xi32> to vector<1x1x1xi32>
      %reduce_sum3A_30 = vector.extract %reduce_sum3A_29[0, 0, 0] : i32 from vector<1x1x1xi32>
      %le3A = arith.cmpi sle, %reduce_sum3A_30, %get3A_4 : i32
      %add3A_31 = arith.constant 1 : i32
      %add3A_32 = arith.addi %div3A_24, %add3A_31 : i32
      %select_n3A = arith.select %le3A, %scan3A_22, %add3A_32 : i32
      %select_n3A_33 = arith.select %le3A, %div3A_24, %scan3A_23 : i32
      scf.yield %select_n3A, %select_n3A_33 : i32, i32
    }
    %bitcast_convert_type3A_11 = arith.bitcast %scan3A_10#1 : i32 to f32
    %swap3A = arith.constant 0 : index
    %swap3A_12 = arith.constant 0 : index
    %swap3A_13 = memref.load %arg3[%swap3A, %swap3A_12] : memref<1x1xf32, #tpu.memory_space<smem>>
    memref.store %bitcast_convert_type3A_11, %arg3[%swap3A, %swap3A_12] : memref<1x1xf32, #tpu.memory_space<smem>>
    %gt3A = vector.broadcast %bitcast_convert_type3A_11 : f32 to vector<2500x128xf32>
    %gt3A_14 = arith.cmpf ogt, %get3A_1, %gt3A : vector<2500x128xf32>
    %swap3A_15 = arith.constant 0 : index
    %swap3A_16 = arith.constant 0 : index
    %swap3A_17 = vector.load %arg2[%swap3A_15, %swap3A_16] : memref<2500x128xi32, #tpu.memory_space<vmem>>, vector<2500x128xi32>
    %swap3A_18 = arith.extui %gt3A_14 : vector<2500x128xi1> to vector<2500x128xi32>
    %swap3A_19 = arith.constant dense<0> : vector<2500x128xi32>
    %swap3A_20 = arith.cmpi ne, %swap3A_17, %swap3A_19 : vector<2500x128xi32>
    tpu.vector_store %arg2[%swap3A_15, %swap3A_16], %swap3A_18 {strides = array<i32>} : memref<2500x128xi32, #tpu.memory_space<vmem>>, vector<2500x128xi32>,
    return
  }
}

module attributes {stable_mosaic.version = 14 : i64} {
  func.func @_band_body(%arg0: i32, %arg1: memref<2048x256xf32, #tpu.memory_space<vmem>>, %arg2: memref<256x64xf32, #tpu.memory_space<vmem>>, %arg3: memref<1x64xf32, #tpu.memory_space<vmem>>, %arg4: memref<64x1xf32, #tpu.memory_space<vmem>>, %arg5: memref<1x1xf32, #tpu.memory_space<vmem>>, %arg6: memref<2048x1xf32, #tpu.memory_space<vmem>>) attributes {dimension_semantics = [#tpu.dimension_semantics<arbitrary>], iteration_bounds = array<i64: 8>, scalar_prefetch = 0 : i64, scratch_operands = 0 : i64, tpu.core_type = #tpu.core_type<tc>, window_params = [{transform_indices = @transform_0, window_bounds = array<i64: 2048, 256>}, {pipeline_mode = #tpu.pipeline_mode<synchronous>, transform_indices = @transform_1, window_bounds = array<i64: 256, 64>}, {pipeline_mode = #tpu.pipeline_mode<synchronous>, transform_indices = @transform_2, window_bounds = array<i64: 1, 64>}, {pipeline_mode = #tpu.pipeline_mode<synchronous>, transform_indices = @transform_3, window_bounds = array<i64: 64, 1>}, {pipeline_mode = #tpu.pipeline_mode<synchronous>, transform_indices = @transform_4, window_bounds = array<i64: 1, 1>}, {transform_indices = @transform_5, window_bounds = array<i64: 2048, 1>}]} {
    %get3A = arith.constant 0 : index
    %get3A_0 = arith.constant 0 : index
    %get3A_1 = vector.load %arg1[%get3A, %get3A_0] : memref<2048x256xf32, #tpu.memory_space<vmem>>, vector<2048x256xf32>
    %get3A_2 = arith.constant 0 : index
    %get3A_3 = arith.constant 0 : index
    %get3A_4 = vector.load %arg2[%get3A_2, %get3A_3] : memref<256x64xf32, #tpu.memory_space<vmem>>, vector<256x64xf32>
    %dot_general3A = arith.constant dense<0.000000e+00> : vector<2048x64xf32>
    %dot_general3A_5 = tpu.matmul %get3A_1, %get3A_4, %dot_general3A {dimension_numbers = #tpu.dot_dimension_numbers<[1], [0], [0], [1], [0, 0, 1, 1], [], []>, transpose_lhs_hint = false} : vector<2048x256xf32>, vector<256x64xf32>, vector<2048x64xf32> -> vector<2048x64xf32>
    %get3A_6 = arith.constant 0 : index
    %get3A_7 = arith.constant 0 : index
    %get3A_8 = vector.load %arg3[%get3A_6, %get3A_7] : memref<1x64xf32, #tpu.memory_space<vmem>>, vector<1x64xf32>
    %add3A = vector.broadcast %get3A_8 : vector<1x64xf32> to vector<2048x64xf32>
    %add3A_9 = arith.addf %dot_general3A_5, %add3A : vector<2048x64xf32>
    %max3A = arith.constant 0.000000e+00 : f32
    %max3A_10 = vector.broadcast %max3A : f32 to vector<2048x64xf32>
    %max3A_11 = arith.maximumf %add3A_9, %max3A_10 : vector<2048x64xf32>
    %get3A_12 = arith.constant 0 : index
    %get3A_13 = arith.constant 0 : index
    %get3A_14 = vector.load %arg4[%get3A_12, %get3A_13] : memref<64x1xf32, #tpu.memory_space<vmem>>, vector<64x1xf32>
    %dot_general3A_15 = arith.constant dense<0.000000e+00> : vector<2048x1xf32>
    %dot_general3A_16 = tpu.matmul %max3A_11, %get3A_14, %dot_general3A_15 {dimension_numbers = #tpu.dot_dimension_numbers<[1], [0], [0], [1], [0, 0, 1, 1], [], []>, transpose_lhs_hint = false} : vector<2048x64xf32>, vector<64x1xf32>, vector<2048x1xf32> -> vector<2048x1xf32>
    %get3A_17 = arith.constant 0 : index
    %get3A_18 = arith.constant 0 : index
    %get3A_19 = vector.load %arg5[%get3A_17, %get3A_18] : memref<1x1xf32, #tpu.memory_space<vmem>>, vector<1x1xf32>
    %add3A_20 = vector.broadcast %get3A_19 : vector<1x1xf32> to vector<2048x1xf32>
    %add3A_21 = arith.addf %dot_general3A_16, %add3A_20 : vector<2048x1xf32>
    %logistic3A = arith.negf %add3A_21 : vector<2048x1xf32>
    %logistic3A_22 = math.exp %logistic3A : vector<2048x1xf32>
    %logistic3A_23 = arith.constant 1.000000e+00 : f32
    %logistic3A_24 = vector.broadcast %logistic3A_23 : f32 to vector<2048x1xf32>
    %logistic3A_25 = arith.addf %logistic3A_24, %logistic3A_22 : vector<2048x1xf32>
    %logistic3A_26 = arith.divf %logistic3A_24, %logistic3A_25 : vector<2048x1xf32>
    %swap3A = arith.constant 0 : index
    %swap3A_27 = arith.constant 0 : index
    %swap3A_28 = vector.load %arg6[%swap3A, %swap3A_27] : memref<2048x1xf32, #tpu.memory_space<vmem>>, vector<2048x1xf32>
    tpu.vector_store %arg6[%swap3A, %swap3A_27], %logistic3A_26 {strides = array<i32>} : memref<2048x1xf32, #tpu.memory_space<vmem>>, vector<2048x1xf32>,
    return
  }
  func.func @transform_0(%arg0: i32) -> (i32, i32) {
    %c0_i32 = arith.constant 0 : i32
    %c0_i32_0 = arith.constant 0 : i32
    return %arg0, %c0_i32 : i32, i32
  }
  func.func @transform_1(%arg0: i32) -> (i32, i32) {
    %c0_i32 = arith.constant 0 : i32
    %c0_i32_0 = arith.constant 0 : i32
    %c0_i32_1 = arith.constant 0 : i32
    return %c0_i32, %c0_i32_0 : i32, i32
  }
  func.func @transform_2(%arg0: i32) -> (i32, i32) {
    %c0_i32 = arith.constant 0 : i32
    %c0_i32_0 = arith.constant 0 : i32
    %c0_i32_1 = arith.constant 0 : i32
    return %c0_i32, %c0_i32_0 : i32, i32
  }
  func.func @transform_3(%arg0: i32) -> (i32, i32) {
    %c0_i32 = arith.constant 0 : i32
    %c0_i32_0 = arith.constant 0 : i32
    %c0_i32_1 = arith.constant 0 : i32
    return %c0_i32, %c0_i32_0 : i32, i32
  }
  func.func @transform_4(%arg0: i32) -> (i32, i32) {
    %c0_i32 = arith.constant 0 : i32
    %c0_i32_0 = arith.constant 0 : i32
    %c0_i32_1 = arith.constant 0 : i32
    return %c0_i32, %c0_i32_0 : i32, i32
  }
  func.func @transform_5(%arg0: i32) -> (i32, i32) {
    %c0_i32 = arith.constant 0 : i32
    %c0_i32_0 = arith.constant 0 : i32
    return %arg0, %c0_i32 : i32, i32
  }
}

module attributes {stable_mosaic.version = 14 : i64} {
  func.func @_thresh_body(%arg0: memref<1x1xi32, #tpu.memory_space<smem>>, %arg1: memref<2500x128xf32, #tpu.memory_space<vmem>>, %arg2: memref<2500x128xi32, #tpu.memory_space<vmem>>, %arg3: memref<1x1xf32, #tpu.memory_space<smem>>) attributes {dimension_semantics = [], scalar_prefetch = 0 : i64, scratch_operands = 0 : i64, tpu.core_type = #tpu.core_type<tc>} {
    %get3A = arith.constant 0 : index
    %get3A_0 = arith.constant 0 : index
    %get3A_1 = vector.load %arg1[%get3A, %get3A_0] : memref<2500x128xf32, #tpu.memory_space<vmem>>, vector<2500x128xf32>
    %bitcast_convert_type3A = tpu.bitcast %get3A_1 : vector<2500x128xf32> -> vector<2500x128xi32>
    %get3A_2 = arith.constant 0 : index
    %get3A_3 = arith.constant 0 : index
    %get3A_4 = memref.load %arg0[%get3A_2, %get3A_3] : memref<1x1xi32, #tpu.memory_space<smem>>
    %scan3A = arith.constant 0 : i32
    %scan3A_5 = arith.constant 1065353216 : i32
    %scan3A_6 = arith.constant 0 : i32
    %scan3A_7 = arith.constant 31 : i32
    %scan3A_8 = arith.addi %scan3A_6, %scan3A_7 : i32
    %scan3A_9 = arith.constant 1 : i32
    %scan3A_10:2 = scf.for %scan3A_21 = %scan3A_6 to %scan3A_8 step %scan3A_9 iter_args(%scan3A_22 = %scan3A, %scan3A_23 = %scan3A_5) -> (i32, i32)  : i32 {
      %add3A = arith.addi %scan3A_22, %scan3A_23 : i32
      %div3A = arith.constant 2 : i32
      %div3A_24 = arith.divsi %add3A, %div3A : i32
      %gt3A_25 = vector.broadcast %div3A_24 : i32 to vector<2500x128xi32>
      %gt3A_26 = arith.cmpi sgt, %bitcast_convert_type3A, %gt3A_25 : vector<2500x128xi32>
      %convert_element_type3A = arith.extui %gt3A_26 : vector<2500x128xi1> to vector<2500x128xi32>
      %reduce_sum3A = vector.shape_cast %convert_element_type3A : vector<2500x128xi32> to vector<1x2500x128xi32>
      %reduce_sum3A_27 = arith.constant dense<0> : vector<1xi32>
      %reduce_sum3A_28 = vector.multi_reduction <add>, %reduce_sum3A, %reduce_sum3A_27 [1, 2] : vector<1x2500x128xi32> to vector<1xi32>
      %reduce_sum3A_29 = vector.shape_cast %reduce_sum3A_28 : vector<1xi32> to vector<1x1x1xi32>
      %reduce_sum3A_30 = vector.extract %reduce_sum3A_29[0, 0, 0] : i32 from vector<1x1x1xi32>
      %le3A = arith.cmpi sle, %reduce_sum3A_30, %get3A_4 : i32
      %add3A_31 = arith.constant 1 : i32
      %add3A_32 = arith.addi %div3A_24, %add3A_31 : i32
      %select_n3A = arith.select %le3A, %scan3A_22, %add3A_32 : i32
      %select_n3A_33 = arith.select %le3A, %div3A_24, %scan3A_23 : i32
      scf.yield %select_n3A, %select_n3A_33 : i32, i32
    }
    %bitcast_convert_type3A_11 = arith.bitcast %scan3A_10#1 : i32 to f32
    %swap3A = arith.constant 0 : index
    %swap3A_12 = arith.constant 0 : index
    %swap3A_13 = memref.load %arg3[%swap3A, %swap3A_12] : memref<1x1xf32, #tpu.memory_space<smem>>
    memref.store %bitcast_convert_type3A_11, %arg3[%swap3A, %swap3A_12] : memref<1x1xf32, #tpu.memory_space<smem>>
    %gt3A = vector.broadcast %bitcast_convert_type3A_11 : f32 to vector<2500x128xf32>
    %gt3A_14 = arith.cmpf ogt, %get3A_1, %gt3A : vector<2500x128xf32>
    %swap3A_15 = arith.constant 0 : index
    %swap3A_16 = arith.constant 0 : index
    %swap3A_17 = vector.load %arg2[%swap3A_15, %swap3A_16] : memref<2500x128xi32, #tpu.memory_space<vmem>>, vector<2500x128xi32>
    %swap3A_18 = arith.extui %gt3A_14 : vector<2500x128xi1> to vector<2500x128xi32>
    %swap3A_19 = arith.constant dense<0> : vector<2500x128xi32>
    %swap3A_20 = arith.cmpi ne, %swap3A_17, %swap3A_19 : vector<2500x128xi32>
    tpu.vector_store %arg2[%swap3A_15, %swap3A_16], %swap3A_18 {strides = array<i32>} : memref<2500x128xi32, #tpu.memory_space<vmem>>, vector<2500x128xi32>,
    return
  }
}

</mosaic_0001>

<sc_bundles>
// kernel: gather_offload_async_start.1
scs
__scs_entry_jumppad:
0x0: {  	(pc) =	sbr.rel $0x88, $3  }
0x1: {  	(tag) =	ssettag $0x0;
	lr =	simm.s32 $0x1  }
0x2: {  	[smem:$0x3F9A] =	sst lr;
	_ =	strace $0xD0000000  }
0x3: {  	_ = 	snop  }
0x4: {  	_ = 	snop  }
0x5: {  	_ = 	snop  }
0x6: {  	_ = 	snop  }
0x7: {  	_ = 	snop  }
__scs_overlays_trampoline_lowered:
0x8: {  	[smem:$0x3FA9] =	sst s0  }
0x9: {  	[smem:$0x3FAA] =	sst s1  }
0xa: {  	[smem:$0x3FAB] =	sst s2  }
0xb: {  	[smem:$0x3FAC] =	sst s3  }
0xc: {  	[smem:$0x3FAD] =	sst s4  }
0xd: {  	[smem:$0x3FAE] =	sst s5  }
0xe: {  	[smem:$0x3FAF] =	sst s6  }
0xf: {  	[smem:$0x3FB0] =	sst s7  }
0x10: {  	[smem:$0x3FB1] =	sst s8  }
0x11: {  	[smem:$0x3FB2] =	sst s9;
	s0 =	simm.s32 @!p0 $0x0  }
0x12: {  	s1 =	sld [smem:$0x3F98];
	s0 =	simm.s32 @p0 $0x1  }
0x13: {  	[smem:$0x3FB3] =	sst s0;
	s0 =	simm.s32 @!p1 $0x0  }
0x14: {  	s2 =	sld [smem:$0x3F97];
	s0 =	simm.s32 @p1 $0x1  }
0x15: {  	[smem:$0x3FB4] =	sst s0;
	s0 =	simm.s32 @!p2 $0x0  }
0x16: {  	s3 =	sld [smem:$0x3FDB];
	s0 =	simm.s32 @p2 $0x1  }
0x17: {  	s4 =	simm.s32 $0x1BF5;
	[smem:$0x3FB6] =	sst s0  }
0x18: {  	s0 =	sld [smem:$0x3F99];
	_ =	swait.ge [sflag:s4], $0x0  }
0x19: {  	s7 =	sld [smem:$0x3F9A]  }
0x1a: {  	s8 =	sadd.s32 $0xFFFFE003, lr  }
0x1b: {  	s9 =	sadd.s32 $0xFFFFFEF7, lr;
	s5 =	simm.s32 $0xFFFFFFFF;
	p2 =	slt.u32 s8, $0xFFFFF086  }
0x1c: {  	p1 =	slt.u32 s9, $0xF7A;
	s5 =	simm.s32 @!p2 $0x0  }
0x1d: {  	s5 =	simm.s32 @p1 $0x1;
	p0 =	seq.s32 s7, s2  }
0x1e: {  	s7 =	smul.u32 @!p0 $0xF7A, s2;
	p2 =	seq.s32 @!p0 s5, $0x0  }
0x1f: {  	s9 =	smul.u32 $0xF7A, s1;
	s8 =	simm.s32 @!p0 $0x1BF5;
	p2 =	por !p2, p0  }
0x20: {  	[sflag:s8] =	ssyncset.s32 @!p0 $0xFFFFF086;
	s6 =	sadd.s32 @!p0 s3, s7;
	s7 =	simm.s32 @!p0 $0x108  }
0x21: {  	s3 =	sadd.s32 s3, s9;
	s6 =	sadd.s32 @!p0 $0x88, s6;
	s7 =	simm.s32 @p2 $0x1082  }
0x22: {  	[simem:s7], [sflag:s8] =	dma.local @!p0 [hbm:s6], $0xF7A  }
0x23: {  	s9 =	sor.u32 $0xD0000000, s2;
	s6 =	simm.s32 $0x108;
	_ =	swait.ge @!p0 [sflag:s8], $0x0  }
0x24: {  	s3 =	sadd.s32 $0x88, s3;
	s6 =	simm.s32 @!p1 $0x1082;
	[sflag:s4] =	ssyncset.s32 $0xFFFFF086  }
0x25: {  	[simem:s6], [sflag:s4] =	dma.local [hbm:s3], $0xF7A  }
0x26: {  	[smem:$0x3F9A] =	sst s1;
	(tag) =	ssettag s2;
	_ =	strace s9  }
0x27: {  	s1 =	sld [smem:$0x3FAA]  }
0x28: {  	s2 =	sld [smem:$0x3FAB]  }
0x29: {  	s4 =	sld [smem:$0x3FAD]  }
0x2a: {  	p0 =	seq.s32 s5, $0x0;
	s5 =	sld [smem:$0x3FAE]  }
0x2b: {  	s6 =	sld [smem:$0x3FAF]  }
0x2c: {  	s7 =	sld [smem:$0x3FB0]  }
0x2d: {  	s3 =	simm.s32 $0x108;
	s8 =	sld [smem:$0x3FB1]  }
0x2e: {  	s3 =	simm.s32 @!p0 $0x1082;
	s9 =	sld [smem:$0x3FB2]  }
0x2f: {  	lr =	sadd.s32 s0, s3;
	s0 =	sld [smem:$0x3FA9]  }
0x30: {  	s3 =	sld [smem:$0x3FAC]  }
0x31: {  	[smem:$0x3FB5] =	sst s10  }
0x32: {  	s10 =	sld [smem:$0x3FB3];
	_ =	sdelay $0x3  }
0x33: {  	p0 =	seq.s32 s10, $0x1;
	s10 =	sld [smem:$0x3FB5];
	_ =	sdelay $0x3  }
0x34: {  	[smem:$0x3FB5] =	sst s10  }
0x35: {  	s10 =	sld [smem:$0x3FB4];
	_ =	sdelay $0x3  }
0x36: {  	p1 =	seq.s32 s10, $0x1;
	s10 =	sld [smem:$0x3FB5];
	_ =	sdelay $0x3  }
0x37: {  	[smem:$0x3FB5] =	sst s10  }
0x38: {  	s10 =	sld [smem:$0x3FB6]  }
0x39: {  	_ = 	snop;
	(pc) =	sbr.ind lr, $3  }
0x3a: {  	_ = 	snop  }
0x3b: {  	_ = 	snop  }
0x3c: {  	p2 =	seq.s32 s10, $0x1;
	s10 =	sld [smem:$0x3FB5]  }
0x3d: {  	_ =	shalt  }
0x3e: {  	_ =	shalt  }
0x3f: {  	_ =	shalt  }
0x40: {  	_ =	shalt  }
0x41: {  	_ =	shalt  }
0x42: {  	_ =	shalt  }
0x43: {  	_ =	shalt  }
0x44: {  	_ =	shalt  }
0x45: {  	_ =	shalt  }
0x46: {  	_ =	shalt  }
0x47: {  	_ =	shalt  }
0x48: {  	_ =	shalt  }
0x49: {  	_ =	shalt  }
0x4a: {  	_ =	shalt  }
0x4b: {  	_ =	shalt  }
0x4c: {  	_ =	shalt  }
0x4d: {  	_ =	shalt  }
0x4e: {  	_ =	shalt  }
0x4f: {  	_ =	shalt  }
0x50: {  	_ =	shalt  }
0x51: {  	_ =	shalt  }
0x52: {  	_ =	shalt  }
0x53: {  	_ =	shalt  }
0x54: {  	_ =	shalt  }
0x55: {  	_ =	shalt  }
0x56: {  	_ =	shalt  }
0x57: {  	_ =	shalt  }
0x58: {  	_ =	shalt  }
0x59: {  	_ =	shalt  }
0x5a: {  	_ =	shalt  }
0x5b: {  	_ =	shalt  }
0x5c: {  	_ =	shalt  }
0x5d: {  	_ =	shalt  }
0x5e: {  	_ =	shalt  }
0x5f: {  	_ =	shalt  }
0x60: {  	_ =	shalt  }
0x61: {  	_ =	shalt  }
0x62: {  	_ =	shalt  }
0x63: {  	_ =	shalt  }
0x64: {  	_ =	shalt  }
0x65: {  	_ =	shalt  }
0x66: {  	_ =	shalt  }
0x67: {  	_ =	shalt  }
0x68: {  	_ =	shalt  }
0x69: {  	_ =	shalt  }
0x6a: {  	_ =	shalt  }
0x6b: {  	_ =	shalt  }
0x6c: {  	_ =	shalt  }
0x6d: {  	_ =	shalt  }
0x6e: {  	_ =	shalt  }
0x6f: {  	_ =	shalt  }
0x70: {  	_ =	shalt  }
0x71: {  	_ =	shalt  }
0x72: {  	_ =	shalt  }
0x73: {  	_ =	shalt  }
0x74: {  	_ =	shalt  }
0x75: {  	_ =	shalt  }
0x76: {  	_ =	shalt  }
0x77: {  	_ =	shalt  }
0x78: {  	_ =	shalt  }
0x79: {  	_ =	shalt  }
0x7a: {  	_ =	shalt  }
0x7b: {  	_ =	shalt  }
0x7c: {  	_ =	shalt  }
0x7d: {  	_ =	shalt  }
0x7e: {  	_ =	shalt  }
0x7f: {  	_ =	shalt  }
0x80: {  	_ =	shalt  }
0x81: {  	_ =	shalt  }
0x82: {  	_ =	shalt  }
0x83: {  	_ =	shalt  }
0x84: {  	_ =	shalt  }
0x85: {  	_ =	shalt  }
0x86: {  	_ =	shalt  }
0x87: {  	_ =	shalt  }
.Lfunc_end0:
.L_simem_size_0:
called_computation.2_lowered:
.L_overlay_start_0:
0x88: {  	s2 =	sld [smem:$0x3FD9]  }
0x89: {  	s3 =	sld [smem:$0x3FFE];
	_ =	sdelay $0x1  }
0x8a: {  	s1 =	srdreg.scid  }
0x8b: {  	s0 =	sand.u32 $0x1, s1  }
0x8c: {  	s14 =	sshll.u32 s0, $0xA;
	s2 =	sadd.s32 s3, s2  }
0x8d: {  	s2 =	sadd.s32 s2, s14  }
0x8e: {  	[smem:$0x3FC1] =	sst s2  }
0x8f: {  	_ = 	snop  }
0x90: {  	s2 =	sld [smem:$0x3FD0];
	_ =	sdelay $0x2  }
0x91: {  	s15 =	simm.s32 $0xB;
	s4 =	simm.s32 $0x10  }
0x92: {  	[smem:s4], [sflag:s15] =	dma.local [hbm:s2], $0x1  }
0x93: {  	_ =	swait.eq [sflag:s15], $0x1  }
0x94: {  	[sflag:s15] =	ssyncset.done $0x0  }
0x95: {  	[sflag:s15] =	ssyncadd.s32 $0xFFFFFFFF  }
0x96: {  	s16 =	sld [smem:$0x10];
	(tm) =	ssettm $0x1  }
0x97: {  	s17 =	sld [smem:$0x3FFB];
	_ =	sdelay $0x3  }
0x98: {  	_ =	strace s17  }
0x99: {  	s3 =	sld [smem:$0x3FFC];
	_ =	sdelay $0x3  }
0x9a: {  	_ =	strace s3  }
0x9b: {  	s3 =	sld [smem:$0x3FFD];
	_ =	sdelay $0x3  }
0x9c: {  	_ =	strace s3  }
0x9d: {  	_ =	strace $0x8FFFFFFF  }
0x9e: {  	s18 =	sld [smem:$0x3FDB];
	_ =	sdelay $0x1  }
0x9f: {  	s19 =	simm.s32 $_scs_section_size  }
0xa0: {  	s5 =	simm.s32 $_size__tile_overlayer_lowered;
	s6 =	simm.s32 $_tile_overlayer_lowered  }
0xa1: {  	s22 =	simm.s32 $0x1BFF;
	s21 =	sshll.u32 s6, $0x1;
	s3 =	sadd.s32 s19, s18  }
0xa2: {  	s7 =	simm.s32 $0x0;
	s20 =	sshll.u32 s5, $0x1;
	s5 =	sadd.s32 s21, s3  }
0xa3: {  	[timem:s7], [sflag:s22] =	dma.local [hbm:s5], s20  }
0xa4: {  	_ =	swait.ge [sflag:s22], s20  }
0xa5: {  	s4 =	ssub.s32 $0x0, s20;
	[sflag:s22] =	ssyncset.done $0x0  }
0xa6: {  	[sflag:s22] =	ssyncadd.s32 s4;
	_ =	sdelay $0x1  }
0xa7: {  	s23 =	simm.s32 $0x1B8B  }
0xa8: {  	_ =	swait.ge [sflag:s23], $0x1  }
0xa9: {  	[sflag:s23] =	ssyncset.done $0x0  }
0xaa: {  	s25 =	simm.s32 $0x1B8E;
	s24 =	sld [smem:$0x3FFE];
	[sflag:s23] =	ssyncadd.s32 $0xFFFFFFFF  }
0xab: {  	s26 =	simm.s32 $execute0_lowered;
	[smem:$0x3FD2] =	sst s25  }
0xac: {  	s5 =	sshll.u32 s26, $0x1;
	_ =	strace $0x8000004C;
	[dreg:$0x1] =	wrdreg $0xFFFFFFFF  }
0xad: {  	s28 =	simm.s32 $_size_execute0_lowered;
	s3 =	sadd.s32 s3, s5;
	[dreg:$0x0] =	wrdreg $0x0  }
0xae: {  	s5 =	sshll.u32 s28, $0x1;
	[dreg:$0x2] =	wrdreg s3  }
0xaf: {  	[dreg:$0x3] =	wrdreg s5  }
0xb0: {  	[dreg:$0x4] =	wrdreg $0xC0  }
0xb1: {  	_ =	task [dreg:s7], $0x5FFFF  }
0xb2: {  	[dreg:$0x1] =	wrdreg $0xFFFFFFFF  }
0xb3: {  	[dreg:$0x0] =	wrdreg $0x60  }
0xb4: {  	[dreg:$0x2] =	wrdreg s24  }
0xb5: {  	[dreg:$0x3] =	wrdreg s16  }
0xb6: {  	[dreg:$0x4] =	wrdreg $0xA  }
0xb7: {  	_ =	task.clear_ibuf [dreg:s7], $0x5FFFF;
	_ =	strace $0x9000004C  }
0xb8: {  	s29 =	simm.s32 $0xA;
	_ =	strace $0x8000004E  }
0xb9: {  	_ =	swait.ge [sflag:s29], $0x1  }
0xba: {  	[sflag:s29] =	ssyncadd.s32 $0xFFFFFFFF  }
0xbb: {  	_ =	strace $0x9000004E  }
0xbc: {  	_ =	sfence  }
0xbd: {  	s30 =	sld [smem:$0x0];
	_ =	sdelay $0x2  }
0xbe: {  	s31 =	sshll.u32 s1, $0xD;
	s1 =	sshrl.u32 s1, $0x2  }
0xbf: {  	s3 =	sand.u32 $0x4000, s31;
	s1 =	sadd.s32 s1, s30  }
0xc0: {  	s0 =	sor.u32 s3, s0;
	s1 =	sshll.u32 s1, $0x11  }
0xc1: {  	s0 =	sor.u32 s1, s0  }
0xc2: {  	s0 =	sadd.s32 $0x8F2B, s0  }
0xc3: {  	[sflag:s0] =	ssyncadd.remote.s32 $0x1  }
0xc4: {  	_ =	sfence.sel $0xFFFF  }
0xc5: {  	[dreg:$0x0] =	wrdreg $0xFFFFFFFF;
	(pc) =	sbr.abs _section_cstart, $3  }
0xc6: {  	[dreg:$0x1] =	wrdreg $0xFFFFFFFF  }
0xc7: {  	_ =	task.clear_ibuf [dreg:s7], $0x2FFFF;
	_ =	strace $0x9FFFFFFF  }
0xc8: {  	(tm) =	ssettm $0x7FFFFFFF  }
0xc9: {  	_ =	shalt  }
tec
execute0_lowered:
.L_overlay_start_1:
0x0: {  	(tag) =	ssettag $0x1  }
0x1: {  	s1 =	srdreg.scid;
	s2 =	rddreg [dreg:$0x0]  }
0x2: {  	s0 =	stileid.u32;
	s3 =	rddreg [dreg:$0x1]  }
0x3: {  	s6 =	simm.s32 $0x1;
	s9 =	simm.s32 $0x1;
	s1 =	sshll.u32 s1, $0x8  }
0x4: {  	s10 =	simm.s32 $0x3;
	s4 =	sshll.u32 s0, $0x9;
	s5 =	sand.u32 $0x100, s1  }
0x5: {  	s13 =	simm.s32 $0x0;
	s12 =	simm.s32 $0x0;
	s4 =	sor.u32 s4, s5  }
0x6: {  	s1 =	rddreg [dreg:$0x2];
	_ =	strace $0x8000004D;
	s8 =	ssub.s32 $0x4000, s4  }
.Ltmp0:
0x7: {  	s5 =	sadd.s32 $0x14000, s2;
	s7 =	sand.u32 $0x1F00, s8;
	(pc) =	sbr.rel .LBB2_1-.Ltmp0, $4  }
0x8: {  	[sflag:s6] =	ssyncpa.u1 $0x0;
	s11 =	smov.u32 s4;
	p0 =	sne.s32 s7, $0x0  }
0x9: {  	s8 =	sshrl.u32 s8, $0xD;
	s7 =	simm.s32 $0x2;
	s9 =	simm.s32 @!p0 $0x0  }
0xa: {  	[sflag:s7] =	ssyncpa.u1 $0x0;
	p0 =	por $0x0, $0x0;
	s8 =	sadd.s32 s9, s8  }
0xb: {  	vm0 =	vmmov $0xffff;
	[sflag:s10] =	ssyncpa.u1 $0x0;
	s10 =	simm.s32 $0x0;
	s9 =	sadd.s32 $0x1, s8  }
.LBB2_4:
0xc: {  	v2 =	vnsel vm1, $0x0, v2  }
0xd: {  	vm1 =	vgt.s32 v0, $0x0;
	v2 =	vmin.u32 v2, $0x4E1FF  }
0xe: {  	v0 =	vnsel vm1, $0x0, v0  }
0xf: {  	v0 =	vmin.u32 v0, $0x4E1FF  }
0x10: {  	[tilespmem:s15], [sflag:$0x1] =	stream.indirect_vreg.gather [hbm4b:s2+s10], $0x1, v1, vm0, $0x4038;
	[tilespmem:$0x400] =	vst v63  }
0x11: {  	(ifvalue) =	ssetifvalue $0x7FFFFFFF  }
0x12: {  	[tilespmem:s16], [sflag:$0x1] =	stream.indirect_vreg.gather [hbm4b:s2+s10], $0x1, v2, vm0, $0x4038;
	[tilespmem:$0x400] =	vst v63  }
0x13: {  	s29 =	sadd.s32 $0x10, s16;
	(ifvalue) =	ssetifvalue $0x7FFFFFFF  }
0x14: {  	[tilespmem:s29], [sflag:$0x1] =	stream.indirect_vreg.gather [hbm4b:s2+s10], $0x1, v0, vm0, $0x4038;
	[tilespmem:$0x400] =	vst v63  }
0x15: {  	_ =	swait.ge [sflag:s6], $0x100  }
0x16: {  	s30 =	sshrl.u32 s13, $0x3;
	[sflag:s6] =	ssyncset.done $0x0  }
0x17: {  	s31 =	sand.u32 $0x7, s13;
	s15 =	sadd.s32 s5, s30;
	[sflag:s6] =	ssyncadd.s32 $0xFFFFFF00  }
0x18: {  	[hbm4b:s15+s31] =	stream.linear.scatter [tilespmem:s14], [sflag:$0x3], $0x100, $0x38;
	[tilespmem:$0x400] =	vst v63  }
.LBB2_5:
0x19: {  	s15 =	sadd.s32 $0x2000, s11  }
0x1a: {  	p2 =	sgt.s32 s15, $0x3FFF  }
0x1b: {  	s15 =	smov.u32 @p2 s4;
	p2 =	sne.s32 s12, s9  }
.Ltmp1:
0x1c: {  	p1 =	slt.u32 s12, $0x2;
	(pc) =	sbr.rel @!p2 .LBB2_6-.Ltmp1, $4  }
0x1d: {  	s14 =	simm.s32 @!p1 $0x3  }
0x1e: {  	s16 =	sadd.s32 $0x1, s12;
	_ =	swait.ge @!p1 [sflag:s14], $0x100  }
0x1f: {  	s13 =	smov.u32 s11;
	p0 =	por !p0, !p0;
	[sflag:s14] =	ssyncset.done @!p1 $0x0  }
0x20: {  	s12 =	smov.u32 s16;
	s11 =	smov.u32 s15;
	[sflag:s14] =	ssyncadd.s32 @!p1 $0xFFFFFF00  }
.LBB2_1:
0x21: {  	p1 =	sge.u32 s12, s8  }
0x22: {  	s14 =	sxor.u32 @!p1 $0xFFFFFFFF, s12  }
0x23: {  	s31 =	sadd.s32 $0xFFFFFFFF, s12;
	s15 =	sshrl.u32 @!p1 s11, $0x3;
	s14 =	sshll.u32 @!p1 s14, $0x8  }
0x24: {  	s16 =	sand.u32 @!p1 $0x7, s11;
	s15 =	sadd.s32 @!p1 s3, s15;
	s14 =	sand.u32 @!p1 $0x100, s14  }
0x25: {  	[tilespmem:s14], [sflag:$0x2] =	stream.linear.gather @!p1 [hbm4b:s15+s16], $0x100, $0x38;
	[tilespmem:$0x400] =	vst v63  }
0x26: {  	p1 =	sge.u32 s31, s8  }
.Ltmp2:
0x27: {  	_ = 	snop;
	(pc) =	sbr.rel @p1 .LBB2_5-.Ltmp2, $1  }
0x28: {  	_ =	sdelay $0x3  }
0x29: {  	s14 =	simm.s32 $0x1  }
0x2a: {  	_ =	swait.ge [sflag:s7], $0x100;
	s14 =	simm.s32 @!p0 $0x0  }
0x2b: {  	[sflag:s7] =	ssyncset.done $0x0;
	s14 =	sshll.u32 s14, $0x8  }
0x2c: {  	[sflag:s7] =	ssyncadd.s32 $0xFFFFFF00;
	(ifvalue) =	ssetifvalue $0x7FFFFFFF;
	v0 =	vld.msk [tilespmem:s14+$0x0 ss:$0x1], $0xffff;
	_ =	sdelay $0x4  }
0x2d: {  	s15 =	sadd.s32 $0x10, s14;
	vm1 =	vgt.s32 v0, $0x0  }
0x2e: {  	v2 =	vld.msk [tilespmem:s15+$0x0 ss:$0x1], $0xffff;
	v1 =	vnsel vm1, $0x0, v0  }
0x2f: {  	v1 =	vmin.u32 v1, $0x4E1FF;
	_ =	sdelay $0x1  }
0x30: {  	s16 =	sshll.u32 s12, $0x8;
	s18 =	simm.s32 $0x20  }
0x31: {  	s16 =	sand.u32 $0x100, s16;
	s17 =	sadd.s32 $0x10, s15;
	s15 =	sor.u32 $0x200, s14  }
0x32: {  	s14 =	sor.u32 $0x200, s16;
	s16 =	sadd.s32 $0x10, s15;
	v0 =	vld.msk [tilespmem:s17+$0x0 ss:$0x1], $0xffff;
	vm1 =	vgt.s32 v2, $0x0;
	(ifvalue) =	ssetifvalue $0x7FFFFFFF  }
.LBB2_3:
0x33: {  	[tilespmem:s15], [sflag:$0x1] =	stream.indirect_vreg.gather [hbm4b:s2+s10], $0x1, v1, vm0, $0x4038;
	[tilespmem:$0x400] =	vst v63  }
0x34: {  	s18 =	sadd.s32 $0x10, s18  }
0x35: {  	v2 =	vnsel vm1, $0x0, v2;
	p1 =	slt.u32 s18, $0xF0  }
.Ltmp3:
0x36: {  	s15 =	smov.u32 s16;
	v1 =	vmin.u32 v2, $0x4E1FF;
	(pc) =	sbr.rel @p1 .LBB2_3-.Ltmp3, $3  }
0x37: {  	_ =	sdelay $0x1  }
0x38: {  	s17 =	sadd.s32 $0x10, s17  }
0x39: {  	vm1 =	vgt.s32 v0, $0x0;
	s16 =	sadd.s32 $0x10, s16;
	v2 =	vmov v0;
	(ifvalue) =	ssetifvalue $0x7FFFFFFF;
	v0 =	vld.msk [tilespmem:s17+$0x0 ss:$0x1], $0xffff  }
.Ltmp4:
0x3a: {  	_ = 	snop;
	(pc) =	sbr.rel .LBB2_4-.Ltmp4, $1  }
0x3b: {  	_ =	sdelay $0x3  }
.LBB2_6:
0x3c: {  	_ =	sfence.sel $0x180000  }
0x3d: {  	s2 =	simm.s32 $0x2;
	[bflag:$0x0] =	sbarrier.arrive $0xFFFF  }
0x3e: {  	s30 =	simm.s32 $0x3;
	[sflag:s2] =	ssyncpa.u1 $0x1  }
0x3f: {  	s31 =	simm.s32 $0x1;
	[sflag:s30] =	ssyncpa.u1 $0x1  }
0x40: {  	[sflag:s31] =	ssyncpa.u1 $0x1  }
0x41: {  	p0 =	sne.s32 s0, $0x0;
	_ =	strace $0x9000004D  }
0x42: {  	s0 =	sadd.s32 @!p0 $0x100000, s1;
	[bflag:$0x2] =	sbarrier.arrive $0xFFFF  }
0x43: {  	[sflag:s0] =	ssyncadd.tile.s32 @!p0 $0x1;
	_ =	shalt  }
.Lfunc_end2:
_tile_overlayer_lowered:
.L_overlay_start_2:
0x44: {  	(tag) =	ssettag $0x2  }
0x45: {  	s0 =	rddreg [dreg:$0x0];
	s2 =	stileid.u32  }
0x46: {  	s1 =	rddreg [dreg:$0x1];
	p0 =	sne.s32 s2, $0x0  }
0x47: {  	s3 =	rddreg [dreg:$0x2];
	[bflag:$0x3] =	sbarrier.arrive $0xFFFF;
	s2 =	simm.s32 @!p0 $0x1C01  }
0x48: {  	[timem:s3], [sflag:s2] =	dma.local @!p0 [hbm:s0], s1  }
0x49: {  	s0 =	simm.s32 @!p0 $0x1  }
0x4a: {  	_ =	swait.ge @!p0 [sflag:s0], s1  }
0x4b: {  	s1 =	ssub.s32 @!p0 $0x0, s1;
	[sflag:s0] =	ssyncset.done @!p0 $0x0  }
0x4c: {  	[sflag:s0] =	ssyncadd.s32 @!p0 s1  }
0x4d: {  	[bflag:$0x3] =	sbarrier.arrive $0xFFFF  }
0x4e: {  	_ =	shalt  }

// kernel: gather_offload_async_start
scs
__scs_entry_jumppad:
0x0: {  	(pc) =	sbr.rel $0x88, $3  }
0x1: {  	(tag) =	ssettag $0x0;
	lr =	simm.s32 $0x1  }
0x2: {  	[smem:$0x3F9A] =	sst lr;
	_ =	strace $0xD0000000  }
0x3: {  	_ = 	snop  }
0x4: {  	_ = 	snop  }
0x5: {  	_ = 	snop  }
0x6: {  	_ = 	snop  }
0x7: {  	_ = 	snop  }
__scs_overlays_trampoline_lowered:
0x8: {  	[smem:$0x3FA9] =	sst s0  }
0x9: {  	[smem:$0x3FAA] =	sst s1  }
0xa: {  	[smem:$0x3FAB] =	sst s2  }
0xb: {  	[smem:$0x3FAC] =	sst s3  }
0xc: {  	[smem:$0x3FAD] =	sst s4  }
0xd: {  	[smem:$0x3FAE] =	sst s5  }
0xe: {  	[smem:$0x3FAF] =	sst s6  }
0xf: {  	[smem:$0x3FB0] =	sst s7  }
0x10: {  	[smem:$0x3FB1] =	sst s8  }
0x11: {  	[smem:$0x3FB2] =	sst s9;
	s0 =	simm.s32 @!p0 $0x0  }
0x12: {  	s1 =	sld [smem:$0x3F98];
	s0 =	simm.s32 @p0 $0x1  }
0x13: {  	[smem:$0x3FB3] =	sst s0;
	s0 =	simm.s32 @!p1 $0x0  }
0x14: {  	s2 =	sld [smem:$0x3F97];
	s0 =	simm.s32 @p1 $0x1  }
0x15: {  	[smem:$0x3FB4] =	sst s0;
	s0 =	simm.s32 @!p2 $0x0  }
0x16: {  	s3 =	sld [smem:$0x3FDB];
	s0 =	simm.s32 @p2 $0x1  }
0x17: {  	s4 =	simm.s32 $0x1BF5;
	[smem:$0x3FB6] =	sst s0  }
0x18: {  	s0 =	sld [smem:$0x3F99];
	_ =	swait.ge [sflag:s4], $0x0  }
0x19: {  	s7 =	sld [smem:$0x3F9A]  }
0x1a: {  	s8 =	sadd.s32 $0xFFFFE003, lr  }
0x1b: {  	s9 =	sadd.s32 $0xFFFFFEF7, lr;
	s5 =	simm.s32 $0xFFFFFFFF;
	p2 =	slt.u32 s8, $0xFFFFF086  }
0x1c: {  	p1 =	slt.u32 s9, $0xF7A;
	s5 =	simm.s32 @!p2 $0x0  }
0x1d: {  	s5 =	simm.s32 @p1 $0x1;
	p0 =	seq.s32 s7, s2  }
0x1e: {  	s7 =	smul.u32 @!p0 $0xF7A, s2;
	p2 =	seq.s32 @!p0 s5, $0x0  }
0x1f: {  	s9 =	smul.u32 $0xF7A, s1;
	s8 =	simm.s32 @!p0 $0x1BF5;
	p2 =	por !p2, p0  }
0x20: {  	[sflag:s8] =	ssyncset.s32 @!p0 $0xFFFFF086;
	s6 =	sadd.s32 @!p0 s3, s7;
	s7 =	simm.s32 @!p0 $0x108  }
0x21: {  	s3 =	sadd.s32 s3, s9;
	s6 =	sadd.s32 @!p0 $0x88, s6;
	s7 =	simm.s32 @p2 $0x1082  }
0x22: {  	[simem:s7], [sflag:s8] =	dma.local @!p0 [hbm:s6], $0xF7A  }
0x23: {  	s9 =	sor.u32 $0xD0000000, s2;
	s6 =	simm.s32 $0x108;
	_ =	swait.ge @!p0 [sflag:s8], $0x0  }
0x24: {  	s3 =	sadd.s32 $0x88, s3;
	s6 =	simm.s32 @!p1 $0x1082;
	[sflag:s4] =	ssyncset.s32 $0xFFFFF086  }
0x25: {  	[simem:s6], [sflag:s4] =	dma.local [hbm:s3], $0xF7A  }
0x26: {  	[smem:$0x3F9A] =	sst s1;
	(tag) =	ssettag s2;
	_ =	strace s9  }
0x27: {  	s1 =	sld [smem:$0x3FAA]  }
0x28: {  	s2 =	sld [smem:$0x3FAB]  }
0x29: {  	s4 =	sld [smem:$0x3FAD]  }
0x2a: {  	p0 =	seq.s32 s5, $0x0;
	s5 =	sld [smem:$0x3FAE]  }
0x2b: {  	s6 =	sld [smem:$0x3FAF]  }
0x2c: {  	s7 =	sld [smem:$0x3FB0]  }
0x2d: {  	s3 =	simm.s32 $0x108;
	s8 =	sld [smem:$0x3FB1]  }
0x2e: {  	s3 =	simm.s32 @!p0 $0x1082;
	s9 =	sld [smem:$0x3FB2]  }
0x2f: {  	lr =	sadd.s32 s0, s3;
	s0 =	sld [smem:$0x3FA9]  }
0x30: {  	s3 =	sld [smem:$0x3FAC]  }
0x31: {  	[smem:$0x3FB5] =	sst s10  }
0x32: {  	s10 =	sld [smem:$0x3FB3];
	_ =	sdelay $0x3  }
0x33: {  	p0 =	seq.s32 s10, $0x1;
	s10 =	sld [smem:$0x3FB5];
	_ =	sdelay $0x3  }
0x34: {  	[smem:$0x3FB5] =	sst s10  }
0x35: {  	s10 =	sld [smem:$0x3FB4];
	_ =	sdelay $0x3  }
0x36: {  	p1 =	seq.s32 s10, $0x1;
	s10 =	sld [smem:$0x3FB5];
	_ =	sdelay $0x3  }
0x37: {  	[smem:$0x3FB5] =	sst s10  }
0x38: {  	s10 =	sld [smem:$0x3FB6]  }
0x39: {  	_ = 	snop;
	(pc) =	sbr.ind lr, $3  }
0x3a: {  	_ = 	snop  }
0x3b: {  	_ = 	snop  }
0x3c: {  	p2 =	seq.s32 s10, $0x1;
	s10 =	sld [smem:$0x3FB5]  }
0x3d: {  	_ =	shalt  }
0x3e: {  	_ =	shalt  }
0x3f: {  	_ =	shalt  }
0x40: {  	_ =	shalt  }
0x41: {  	_ =	shalt  }
0x42: {  	_ =	shalt  }
0x43: {  	_ =	shalt  }
0x44: {  	_ =	shalt  }
0x45: {  	_ =	shalt  }
0x46: {  	_ =	shalt  }
0x47: {  	_ =	shalt  }
0x48: {  	_ =	shalt  }
0x49: {  	_ =	shalt  }
0x4a: {  	_ =	shalt  }
0x4b: {  	_ =	shalt  }
0x4c: {  	_ =	shalt  }
0x4d: {  	_ =	shalt  }
0x4e: {  	_ =	shalt  }
0x4f: {  	_ =	shalt  }
0x50: {  	_ =	shalt  }
0x51: {  	_ =	shalt  }
0x52: {  	_ =	shalt  }
0x53: {  	_ =	shalt  }
0x54: {  	_ =	shalt  }
0x55: {  	_ =	shalt  }
0x56: {  	_ =	shalt  }
0x57: {  	_ =	shalt  }
0x58: {  	_ =	shalt  }
0x59: {  	_ =	shalt  }
0x5a: {  	_ =	shalt  }
0x5b: {  	_ =	shalt  }
0x5c: {  	_ =	shalt  }
0x5d: {  	_ =	shalt  }
0x5e: {  	_ =	shalt  }
0x5f: {  	_ =	shalt  }
0x60: {  	_ =	shalt  }
0x61: {  	_ =	shalt  }
0x62: {  	_ =	shalt  }
0x63: {  	_ =	shalt  }
0x64: {  	_ =	shalt  }
0x65: {  	_ =	shalt  }
0x66: {  	_ =	shalt  }
0x67: {  	_ =	shalt  }
0x68: {  	_ =	shalt  }
0x69: {  	_ =	shalt  }
0x6a: {  	_ =	shalt  }
0x6b: {  	_ =	shalt  }
0x6c: {  	_ =	shalt  }
0x6d: {  	_ =	shalt  }
0x6e: {  	_ =	shalt  }
0x6f: {  	_ =	shalt  }
0x70: {  	_ =	shalt  }
0x71: {  	_ =	shalt  }
0x72: {  	_ =	shalt  }
0x73: {  	_ =	shalt  }
0x74: {  	_ =	shalt  }
0x75: {  	_ =	shalt  }
0x76: {  	_ =	shalt  }
0x77: {  	_ =	shalt  }
0x78: {  	_ =	shalt  }
0x79: {  	_ =	shalt  }
0x7a: {  	_ =	shalt  }
0x7b: {  	_ =	shalt  }
0x7c: {  	_ =	shalt  }
0x7d: {  	_ =	shalt  }
0x7e: {  	_ =	shalt  }
0x7f: {  	_ =	shalt  }
0x80: {  	_ =	shalt  }
0x81: {  	_ =	shalt  }
0x82: {  	_ =	shalt  }
0x83: {  	_ =	shalt  }
0x84: {  	_ =	shalt  }
0x85: {  	_ =	shalt  }
0x86: {  	_ =	shalt  }
0x87: {  	_ =	shalt  }
.Lfunc_end0:
.L_simem_size_0:
called_computation.1_lowered:
.L_overlay_start_0:
0x88: {  	s2 =	sld [smem:$0x3FD9]  }
0x89: {  	s3 =	sld [smem:$0x3FFE];
	_ =	sdelay $0x1  }
0x8a: {  	s1 =	srdreg.scid  }
0x8b: {  	s0 =	sand.u32 $0x1, s1  }
0x8c: {  	s15 =	sshll.u32 s0, $0xA;
	s2 =	sadd.s32 s3, s2  }
0x8d: {  	s2 =	sadd.s32 s2, s15  }
0x8e: {  	[smem:$0x3FC1] =	sst s2  }
0x8f: {  	_ = 	snop  }
0x90: {  	s2 =	sld [smem:$0x3FD0];
	_ =	sdelay $0x2  }
0x91: {  	s16 =	simm.s32 $0xB;
	s4 =	simm.s32 $0x10  }
0x92: {  	[smem:s4], [sflag:s16] =	dma.local [hbm:s2], $0x1  }
0x93: {  	_ =	swait.eq [sflag:s16], $0x1  }
0x94: {  	[sflag:s16] =	ssyncset.done $0x0  }
0x95: {  	[sflag:s16] =	ssyncadd.s32 $0xFFFFFFFF  }
0x96: {  	s17 =	sld [smem:$0x10];
	(tm) =	ssettm $0x1  }
0x97: {  	s18 =	sld [smem:$0x3FFB];
	_ =	sdelay $0x3  }
0x98: {  	_ =	strace s18  }
0x99: {  	s2 =	sld [smem:$0x3FFC];
	_ =	sdelay $0x3  }
0x9a: {  	_ =	strace s2  }
0x9b: {  	s2 =	sld [smem:$0x3FFD];
	_ =	sdelay $0x3  }
0x9c: {  	_ =	strace s2  }
0x9d: {  	_ =	strace $0x8FFFFFFF  }
0x9e: {  	s19 =	sld [smem:$0x3FDB];
	_ =	sdelay $0x1  }
0x9f: {  	s20 =	simm.s32 $_scs_section_size  }
0xa0: {  	s5 =	simm.s32 $_size__tile_overlayer_lowered;
	s6 =	simm.s32 $_tile_overlayer_lowered  }
0xa1: {  	s7 =	simm.s32 $0x1BFF;
	s21 =	sshll.u32 s6, $0x1;
	s4 =	sadd.s32 s20, s19  }
0xa2: {  	s22 =	simm.s32 $0x0;
	s5 =	sshll.u32 s5, $0x1;
	s6 =	sadd.s32 s21, s4  }
0xa3: {  	[timem:s22], [sflag:s7] =	dma.local [hbm:s6], s5  }
0xa4: {  	_ =	swait.ge [sflag:s7], s5  }
0xa5: {  	s5 =	ssub.s32 $0x0, s5;
	[sflag:s7] =	ssyncset.done $0x0  }
0xa6: {  	[sflag:s7] =	ssyncadd.s32 s5;
	_ =	sdelay $0x1  }
0xa7: {  	s23 =	simm.s32 $0x1B8B  }
0xa8: {  	_ =	swait.ge [sflag:s23], $0x1  }
0xa9: {  	[sflag:s23] =	ssyncset.done $0x0  }
0xaa: {  	[sflag:s23] =	ssyncadd.s32 $0xFFFFFFFF  }
0xab: {  	s5 =	sld [smem:$0x0]  }
0xac: {  	s6 =	sand.u32 $0xFFFFFFFE, s1  }
0xad: {  	p0 =	sne.s32 s1, s6  }
0xae: {  	s6 =	sshll.u32 @p0 s6, $0xE  }
0xaf: {  	s6 =	sadd.s32 @p0 $0x11B8D, s6;
	s7 =	sshll.u32 @p0 s5, $0x11  }
0xb0: {  	s6 =	sor.u32 @p0 s7, s6  }
0xb1: {  	[sflag:s6] =	ssyncadd.remote.s32 @p0 $0x1;
	_ =	sdelay $0x1  }
0xb2: {  	s6 =	simm.s32 @p0 $0x1B8D  }
0xb3: {  	_ =	swait.eq @p0 [sflag:s6], $0x1  }
0xb4: {  	[sflag:s6] =	ssyncadd.s32 @p0 $0xFFFFFFFF  }
0xb5: {  	s7 =	sshll.u32 @!p0 s1, $0xE  }
0xb6: {  	s7 =	sor.u32 @!p0 $0x4000, s7;
	s6 =	simm.s32 @!p0 $0x1B8D  }
0xb7: {  	s5 =	sshll.u32 @!p0 s5, $0x11;
	s7 =	sadd.s32 @!p0 $0x11B8D, s7;
	_ =	swait.eq @!p0 [sflag:s6], $0x1  }
0xb8: {  	s5 =	sor.u32 @!p0 s5, s7;
	[sflag:s6] =	ssyncadd.s32 @!p0 $0xFFFFFFFF  }
0xb9: {  	s25 =	simm.s32 $0x1B8E;
	s24 =	sld [smem:$0x3FFE];
	[sflag:s5] =	ssyncadd.remote.s32 @!p0 $0x1  }
0xba: {  	s26 =	simm.s32 $execute0_lowered;
	[smem:$0x3FD2] =	sst s25  }
0xbb: {  	s6 =	sshll.u32 s26, $0x1;
	_ =	strace $0x8000004F;
	[dreg:$0x1] =	wrdreg $0xFFFFFFFF  }
0xbc: {  	s28 =	simm.s32 $_size_execute0_lowered;
	s4 =	sadd.s32 s4, s6;
	[dreg:$0x0] =	wrdreg $0x0  }
0xbd: {  	s6 =	sshll.u32 s28, $0x1;
	[dreg:$0x2] =	wrdreg s4  }
0xbe: {  	[dreg:$0x3] =	wrdreg s6  }
0xbf: {  	[dreg:$0x4] =	wrdreg $0xC0  }
0xc0: {  	_ =	task [dreg:s22], $0x5FFFF  }
0xc1: {  	[dreg:$0x1] =	wrdreg $0xFFFFFFFF  }
0xc2: {  	[dreg:$0x0] =	wrdreg $0x60  }
0xc3: {  	[dreg:$0x2] =	wrdreg s24  }
0xc4: {  	[dreg:$0x3] =	wrdreg s17  }
0xc5: {  	[dreg:$0x4] =	wrdreg $0x9  }
0xc6: {  	_ =	task.clear_ibuf [dreg:s22], $0x5FFFF;
	_ =	strace $0x9000004F  }
0xc7: {  	s29 =	simm.s32 $0x9;
	_ =	strace $0x80000051  }
0xc8: {  	_ =	swait.ge [sflag:s29], $0x1  }
0xc9: {  	[sflag:s29] =	ssyncadd.s32 $0xFFFFFFFF  }
0xca: {  	_ =	strace $0x90000051  }
0xcb: {  	_ =	sfence  }
0xcc: {  	s30 =	sld [smem:$0x0];
	_ =	sdelay $0x2  }
0xcd: {  	s31 =	sshll.u32 s1, $0xD;
	s1 =	sshrl.u32 s1, $0x2  }
0xce: {  	s4 =	sand.u32 $0x4000, s31;
	s1 =	sadd.s32 s1, s30  }
0xcf: {  	s0 =	sor.u32 s4, s0;
	s1 =	sshll.u32 s1, $0x11  }
0xd0: {  	s0 =	sor.u32 s1, s0  }
0xd1: {  	s0 =	sadd.s32 $0x8F2B, s0  }
0xd2: {  	[sflag:s0] =	ssyncadd.remote.s32 $0x1  }
0xd3: {  	_ =	sfence.sel $0xFFFF  }
0xd4: {  	[dreg:$0x0] =	wrdreg $0xFFFFFFFF;
	(pc) =	sbr.abs _section_cstart, $3  }
0xd5: {  	[dreg:$0x1] =	wrdreg $0xFFFFFFFF  }
0xd6: {  	_ =	task.clear_ibuf [dreg:s22], $0x2FFFF;
	_ =	strace $0x9FFFFFFF  }
0xd7: {  	(tm) =	ssettm $0x7FFFFFFF  }
tec
execute0_lowered:
.L_overlay_start_1:
0x0: {  	(tag) =	ssettag $0x1  }
0x1: {  	s1 =	srdreg.scid;
	s5 =	rddreg [dreg:$0x0]  }
0x2: {  	s0 =	stileid.u32;
	s2 =	rddreg [dreg:$0x1];
	s6 =	simm.s32 $0x1  }
0x3: {  	s9 =	simm.s32 $0x1;
	s10 =	simm.s32 $0x3;
	s1 =	sshll.u32 s1, $0x8  }
0x4: {  	s13 =	simm.s32 $0x0;
	s3 =	sshll.u32 s0, $0x9;
	s4 =	sand.u32 $0x100, s1  }
0x5: {  	s12 =	simm.s32 $0x0;
	s1 =	rddreg [dreg:$0x2];
	s3 =	sor.u32 s3, s4  }
0x6: {  	_ =	strace $0x80000050;
	s4 =	sadd.s32 $0x9E00, s5;
	s8 =	ssub.s32 $0x4000, s3  }
.Ltmp0:
0x7: {  	s5 =	sadd.s32 $0x14800, s5;
	s7 =	sand.u32 $0x1F00, s8;
	(pc) =	sbr.rel .LBB2_1-.Ltmp0, $4  }
0x8: {  	[sflag:s6] =	ssyncpa.u1 $0x0;
	s11 =	smov.u32 s3;
	p0 =	sne.s32 s7, $0x0  }
0x9: {  	s8 =	sshrl.u32 s8, $0xD;
	s7 =	simm.s32 $0x2;
	s9 =	simm.s32 @!p0 $0x0  }
0xa: {  	[sflag:s7] =	ssyncpa.u1 $0x0;
	p0 =	por $0x0, $0x0;
	s8 =	sadd.s32 s9, s8  }
0xb: {  	vm0 =	vmmov $0xffff;
	[sflag:s10] =	ssyncpa.u1 $0x0;
	s10 =	simm.s32 $0x0;
	s9 =	sadd.s32 $0x1, s8  }
.LBB2_4:
0xc: {  	v2 =	vnsel vm1, $0x0, v2  }
0xd: {  	vm1 =	vgt.s32 v0, $0x0;
	v2 =	vmin.u32 v2, $0x4E1FF  }
0xe: {  	v0 =	vnsel vm1, $0x0, v0  }
0xf: {  	v0 =	vmin.u32 v0, $0x4E1FF  }
0x10: {  	[tilespmem:s15], [sflag:$0x1] =	stream.indirect_vreg.gather [hbm4b:s4+s10], $0x1, v1, vm0, $0x4038;
	[tilespmem:$0x400] =	vst v63  }
0x11: {  	(ifvalue) =	ssetifvalue $0x7FFFFFFF  }
0x12: {  	[tilespmem:s16], [sflag:$0x1] =	stream.indirect_vreg.gather [hbm4b:s4+s10], $0x1, v2, vm0, $0x4038;
	[tilespmem:$0x400] =	vst v63  }
0x13: {  	s29 =	sadd.s32 $0x10, s16;
	(ifvalue) =	ssetifvalue $0x7FFFFFFF  }
0x14: {  	[tilespmem:s29], [sflag:$0x1] =	stream.indirect_vreg.gather [hbm4b:s4+s10], $0x1, v0, vm0, $0x4038;
	[tilespmem:$0x400] =	vst v63  }
0x15: {  	_ =	swait.ge [sflag:s6], $0x100  }
0x16: {  	s30 =	sshrl.u32 s13, $0x3;
	[sflag:s6] =	ssyncset.done $0x0  }
0x17: {  	s31 =	sand.u32 $0x7, s13;
	s15 =	sadd.s32 s5, s30;
	[sflag:s6] =	ssyncadd.s32 $0xFFFFFF00  }
0x18: {  	[hbm4b:s15+s31] =	stream.linear.scatter [tilespmem:s14], [sflag:$0x3], $0x100, $0x38;
	[tilespmem:$0x400] =	vst v63  }
.LBB2_5:
0x19: {  	s15 =	sadd.s32 $0x2000, s11  }
0x1a: {  	p2 =	sgt.s32 s15, $0x3FFF  }
0x1b: {  	s15 =	smov.u32 @p2 s3;
	p2 =	sne.s32 s12, s9  }
.Ltmp1:
0x1c: {  	p1 =	slt.u32 s12, $0x2;
	(pc) =	sbr.rel @!p2 .LBB2_6-.Ltmp1, $4  }
0x1d: {  	s14 =	simm.s32 @!p1 $0x3  }
0x1e: {  	s16 =	sadd.s32 $0x1, s12;
	_ =	swait.ge @!p1 [sflag:s14], $0x100  }
0x1f: {  	s13 =	smov.u32 s11;
	p0 =	por !p0, !p0;
	[sflag:s14] =	ssyncset.done @!p1 $0x0  }
0x20: {  	s12 =	smov.u32 s16;
	s11 =	smov.u32 s15;
	[sflag:s14] =	ssyncadd.s32 @!p1 $0xFFFFFF00  }
.LBB2_1:
0x21: {  	p1 =	sge.u32 s12, s8  }
0x22: {  	s14 =	sxor.u32 @!p1 $0xFFFFFFFF, s12  }
0x23: {  	s31 =	sadd.s32 $0xFFFFFFFF, s12;
	s15 =	sshrl.u32 @!p1 s11, $0x3;
	s14 =	sshll.u32 @!p1 s14, $0x8  }
0x24: {  	s16 =	sand.u32 @!p1 $0x7, s11;
	s15 =	sadd.s32 @!p1 s2, s15;
	s14 =	sand.u32 @!p1 $0x100, s14  }
0x25: {  	[tilespmem:s14], [sflag:$0x2] =	stream.linear.gather @!p1 [hbm4b:s15+s16], $0x100, $0x38;
	[tilespmem:$0x400] =	vst v63  }
0x26: {  	p1 =	sge.u32 s31, s8  }
.Ltmp2:
0x27: {  	_ = 	snop;
	(pc) =	sbr.rel @p1 .LBB2_5-.Ltmp2, $1  }
0x28: {  	_ =	sdelay $0x3  }
0x29: {  	s14 =	simm.s32 $0x1  }
0x2a: {  	_ =	swait.ge [sflag:s7], $0x100;
	s14 =	simm.s32 @!p0 $0x0  }
0x2b: {  	[sflag:s7] =	ssyncset.done $0x0;
	s14 =	sshll.u32 s14, $0x8  }
0x2c: {  	[sflag:s7] =	ssyncadd.s32 $0xFFFFFF00;
	(ifvalue) =	ssetifvalue $0x7FFFFFFF;
	v0 =	vld.msk [tilespmem:s14+$0x0 ss:$0x1], $0xffff;
	_ =	sdelay $0x4  }
0x2d: {  	s15 =	sadd.s32 $0x10, s14;
	vm1 =	vgt.s32 v0, $0x0  }
0x2e: {  	v2 =	vld.msk [tilespmem:s15+$0x0 ss:$0x1], $0xffff;
	v1 =	vnsel vm1, $0x0, v0  }
0x2f: {  	v1 =	vmin.u32 v1, $0x4E1FF;
	_ =	sdelay $0x1  }
0x30: {  	s16 =	sshll.u32 s12, $0x8;
	s18 =	simm.s32 $0x20  }
0x31: {  	s16 =	sand.u32 $0x100, s16;
	s17 =	sadd.s32 $0x10, s15;
	s15 =	sor.u32 $0x200, s14  }
0x32: {  	s14 =	sor.u32 $0x200, s16;
	s16 =	sadd.s32 $0x10, s15;
	v0 =	vld.msk [tilespmem:s17+$0x0 ss:$0x1], $0xffff;
	vm1 =	vgt.s32 v2, $0x0;
	(ifvalue) =	ssetifvalue $0x7FFFFFFF  }
.LBB2_3:
0x33: {  	[tilespmem:s15], [sflag:$0x1] =	stream.indirect_vreg.gather [hbm4b:s4+s10], $0x1, v1, vm0, $0x4038;
	[tilespmem:$0x400] =	vst v63  }
0x34: {  	s18 =	sadd.s32 $0x10, s18  }
0x35: {  	v2 =	vnsel vm1, $0x0, v2;
	p1 =	slt.u32 s18, $0xF0  }
.Ltmp3:
0x36: {  	s15 =	smov.u32 s16;
	v1 =	vmin.u32 v2, $0x4E1FF;
	(pc) =	sbr.rel @p1 .LBB2_3-.Ltmp3, $3  }
0x37: {  	_ =	sdelay $0x1  }
0x38: {  	s17 =	sadd.s32 $0x10, s17  }
0x39: {  	vm1 =	vgt.s32 v0, $0x0;
	s16 =	sadd.s32 $0x10, s16;
	v2 =	vmov v0;
	(ifvalue) =	ssetifvalue $0x7FFFFFFF;
	v0 =	vld.msk [tilespmem:s17+$0x0 ss:$0x1], $0xffff  }
.Ltmp4:
0x3a: {  	_ = 	snop;
	(pc) =	sbr.rel .LBB2_4-.Ltmp4, $1  }
0x3b: {  	_ =	sdelay $0x3  }
.LBB2_6:
0x3c: {  	_ =	sfence.sel $0x180000  }
0x3d: {  	s2 =	simm.s32 $0x2;
	[bflag:$0x0] =	sbarrier.arrive $0xFFFF  }
0x3e: {  	s30 =	simm.s32 $0x3;
	[sflag:s2] =	ssyncpa.u1 $0x1  }
0x3f: {  	s31 =	simm.s32 $0x1;
	[sflag:s30] =	ssyncpa.u1 $0x1  }
0x40: {  	[sflag:s31] =	ssyncpa.u1 $0x1  }
0x41: {  	p0 =	sne.s32 s0, $0x0;
	_ =	strace $0x90000050  }
0x42: {  	s0 =	sadd.s32 @!p0 $0x100000, s1;
	[bflag:$0x2] =	sbarrier.arrive $0xFFFF  }
0x43: {  	[sflag:s0] =	ssyncadd.tile.s32 @!p0 $0x1;
	_ =	shalt  }
.Lfunc_end2:
_tile_overlayer_lowered:
.L_overlay_start_2:
0x44: {  	(tag) =	ssettag $0x2  }
0x45: {  	s0 =	rddreg [dreg:$0x0];
	s2 =	stileid.u32  }
0x46: {  	s1 =	rddreg [dreg:$0x1];
	p0 =	sne.s32 s2, $0x0  }
0x47: {  	s3 =	rddreg [dreg:$0x2];
	[bflag:$0x3] =	sbarrier.arrive $0xFFFF;
	s2 =	simm.s32 @!p0 $0x1C01  }
0x48: {  	[timem:s3], [sflag:s2] =	dma.local @!p0 [hbm:s0], s1  }
0x49: {  	s0 =	simm.s32 @!p0 $0x1  }
0x4a: {  	_ =	swait.ge @!p0 [sflag:s0], s1  }
0x4b: {  	s1 =	ssub.s32 @!p0 $0x0, s1;
	[sflag:s0] =	ssyncset.done @!p0 $0x0  }
0x4c: {  	[sflag:s0] =	ssyncadd.s32 @!p0 s1  }
0x4d: {  	[bflag:$0x3] =	sbarrier.arrive $0xFFFF  }
0x4e: {  	_ =	shalt  }

// kernel: kernel.12.cloned.1.call-start
scs
__scs_entry_jumppad:
0x0: {  	(pc) =	sbr.rel $0x88, $3  }
0x1: {  	(tag) =	ssettag $0x0;
	lr =	simm.s32 $0x1  }
0x2: {  	[smem:$0x3F9A] =	sst lr;
	_ =	strace $0xD0000000  }
0x3: {  	_ = 	snop  }
0x4: {  	_ = 	snop  }
0x5: {  	_ = 	snop  }
0x6: {  	_ = 	snop  }
0x7: {  	_ = 	snop  }
__scs_overlays_trampoline_lowered:
0x8: {  	[smem:$0x3FA9] =	sst s0  }
0x9: {  	[smem:$0x3FAA] =	sst s1  }
0xa: {  	[smem:$0x3FAB] =	sst s2  }
0xb: {  	[smem:$0x3FAC] =	sst s3  }
0xc: {  	[smem:$0x3FAD] =	sst s4  }
0xd: {  	[smem:$0x3FAE] =	sst s5  }
0xe: {  	[smem:$0x3FAF] =	sst s6  }
0xf: {  	[smem:$0x3FB0] =	sst s7  }
0x10: {  	[smem:$0x3FB1] =	sst s8  }
0x11: {  	[smem:$0x3FB2] =	sst s9;
	s0 =	simm.s32 @!p0 $0x0  }
0x12: {  	s1 =	sld [smem:$0x3F98];
	s0 =	simm.s32 @p0 $0x1  }
0x13: {  	[smem:$0x3FB3] =	sst s0;
	s0 =	simm.s32 @!p1 $0x0  }
0x14: {  	s2 =	sld [smem:$0x3F97];
	s0 =	simm.s32 @p1 $0x1  }
0x15: {  	[smem:$0x3FB4] =	sst s0;
	s0 =	simm.s32 @!p2 $0x0  }
0x16: {  	s3 =	sld [smem:$0x3FDB];
	s0 =	simm.s32 @p2 $0x1  }
0x17: {  	s4 =	simm.s32 $0x1BF5;
	[smem:$0x3FB6] =	sst s0  }
0x18: {  	s0 =	sld [smem:$0x3F99];
	_ =	swait.ge [sflag:s4], $0x0  }
0x19: {  	s7 =	sld [smem:$0x3F9A]  }
0x1a: {  	s8 =	sadd.s32 $0xFFFFE003, lr  }
0x1b: {  	s9 =	sadd.s32 $0xFFFFFEF7, lr;
	s5 =	simm.s32 $0xFFFFFFFF;
	p2 =	slt.u32 s8, $0xFFFFF086  }
0x1c: {  	p1 =	slt.u32 s9, $0xF7A;
	s5 =	simm.s32 @!p2 $0x0  }
0x1d: {  	s5 =	simm.s32 @p1 $0x1;
	p0 =	seq.s32 s7, s2  }
0x1e: {  	s7 =	smul.u32 @!p0 $0xF7A, s2;
	p2 =	seq.s32 @!p0 s5, $0x0  }
0x1f: {  	s9 =	smul.u32 $0xF7A, s1;
	s8 =	simm.s32 @!p0 $0x1BF5;
	p2 =	por !p2, p0  }
0x20: {  	[sflag:s8] =	ssyncset.s32 @!p0 $0xFFFFF086;
	s6 =	sadd.s32 @!p0 s3, s7;
	s7 =	simm.s32 @!p0 $0x108  }
0x21: {  	s3 =	sadd.s32 s3, s9;
	s6 =	sadd.s32 @!p0 $0x88, s6;
	s7 =	simm.s32 @p2 $0x1082  }
0x22: {  	[simem:s7], [sflag:s8] =	dma.local @!p0 [hbm:s6], $0xF7A  }
0x23: {  	s9 =	sor.u32 $0xD0000000, s2;
	s6 =	simm.s32 $0x108;
	_ =	swait.ge @!p0 [sflag:s8], $0x0  }
0x24: {  	s3 =	sadd.s32 $0x88, s3;
	s6 =	simm.s32 @!p1 $0x1082;
	[sflag:s4] =	ssyncset.s32 $0xFFFFF086  }
0x25: {  	[simem:s6], [sflag:s4] =	dma.local [hbm:s3], $0xF7A  }
0x26: {  	[smem:$0x3F9A] =	sst s1;
	(tag) =	ssettag s2;
	_ =	strace s9  }
0x27: {  	s1 =	sld [smem:$0x3FAA]  }
0x28: {  	s2 =	sld [smem:$0x3FAB]  }
0x29: {  	s4 =	sld [smem:$0x3FAD]  }
0x2a: {  	p0 =	seq.s32 s5, $0x0;
	s5 =	sld [smem:$0x3FAE]  }
0x2b: {  	s6 =	sld [smem:$0x3FAF]  }
0x2c: {  	s7 =	sld [smem:$0x3FB0]  }
0x2d: {  	s3 =	simm.s32 $0x108;
	s8 =	sld [smem:$0x3FB1]  }
0x2e: {  	s3 =	simm.s32 @!p0 $0x1082;
	s9 =	sld [smem:$0x3FB2]  }
0x2f: {  	lr =	sadd.s32 s0, s3;
	s0 =	sld [smem:$0x3FA9]  }
0x30: {  	s3 =	sld [smem:$0x3FAC]  }
0x31: {  	[smem:$0x3FB5] =	sst s10  }
0x32: {  	s10 =	sld [smem:$0x3FB3];
	_ =	sdelay $0x3  }
0x33: {  	p0 =	seq.s32 s10, $0x1;
	s10 =	sld [smem:$0x3FB5];
	_ =	sdelay $0x3  }
0x34: {  	[smem:$0x3FB5] =	sst s10  }
0x35: {  	s10 =	sld [smem:$0x3FB4];
	_ =	sdelay $0x3  }
0x36: {  	p1 =	seq.s32 s10, $0x1;
	s10 =	sld [smem:$0x3FB5];
	_ =	sdelay $0x3  }
0x37: {  	[smem:$0x3FB5] =	sst s10  }
0x38: {  	s10 =	sld [smem:$0x3FB6]  }
0x39: {  	_ = 	snop;
	(pc) =	sbr.ind lr, $3  }
0x3a: {  	_ = 	snop  }
0x3b: {  	_ = 	snop  }
0x3c: {  	p2 =	seq.s32 s10, $0x1;
	s10 =	sld [smem:$0x3FB5]  }
0x3d: {  	_ =	shalt  }
0x3e: {  	_ =	shalt  }
0x3f: {  	_ =	shalt  }
0x40: {  	_ =	shalt  }
0x41: {  	_ =	shalt  }
0x42: {  	_ =	shalt  }
0x43: {  	_ =	shalt  }
0x44: {  	_ =	shalt  }
0x45: {  	_ =	shalt  }
0x46: {  	_ =	shalt  }
0x47: {  	_ =	shalt  }
0x48: {  	_ =	shalt  }
0x49: {  	_ =	shalt  }
0x4a: {  	_ =	shalt  }
0x4b: {  	_ =	shalt  }
0x4c: {  	_ =	shalt  }
0x4d: {  	_ =	shalt  }
0x4e: {  	_ =	shalt  }
0x4f: {  	_ =	shalt  }
0x50: {  	_ =	shalt  }
0x51: {  	_ =	shalt  }
0x52: {  	_ =	shalt  }
0x53: {  	_ =	shalt  }
0x54: {  	_ =	shalt  }
0x55: {  	_ =	shalt  }
0x56: {  	_ =	shalt  }
0x57: {  	_ =	shalt  }
0x58: {  	_ =	shalt  }
0x59: {  	_ =	shalt  }
0x5a: {  	_ =	shalt  }
0x5b: {  	_ =	shalt  }
0x5c: {  	_ =	shalt  }
0x5d: {  	_ =	shalt  }
0x5e: {  	_ =	shalt  }
0x5f: {  	_ =	shalt  }
0x60: {  	_ =	shalt  }
0x61: {  	_ =	shalt  }
0x62: {  	_ =	shalt  }
0x63: {  	_ =	shalt  }
0x64: {  	_ =	shalt  }
0x65: {  	_ =	shalt  }
0x66: {  	_ =	shalt  }
0x67: {  	_ =	shalt  }
0x68: {  	_ =	shalt  }
0x69: {  	_ =	shalt  }
0x6a: {  	_ =	shalt  }
0x6b: {  	_ =	shalt  }
0x6c: {  	_ =	shalt  }
0x6d: {  	_ =	shalt  }
0x6e: {  	_ =	shalt  }
0x6f: {  	_ =	shalt  }
0x70: {  	_ =	shalt  }
0x71: {  	_ =	shalt  }
0x72: {  	_ =	shalt  }
0x73: {  	_ =	shalt  }
0x74: {  	_ =	shalt  }
0x75: {  	_ =	shalt  }
0x76: {  	_ =	shalt  }
0x77: {  	_ =	shalt  }
0x78: {  	_ =	shalt  }
0x79: {  	_ =	shalt  }
0x7a: {  	_ =	shalt  }
0x7b: {  	_ =	shalt  }
0x7c: {  	_ =	shalt  }
0x7d: {  	_ =	shalt  }
0x7e: {  	_ =	shalt  }
0x7f: {  	_ =	shalt  }
0x80: {  	_ =	shalt  }
0x81: {  	_ =	shalt  }
0x82: {  	_ =	shalt  }
0x83: {  	_ =	shalt  }
0x84: {  	_ =	shalt  }
0x85: {  	_ =	shalt  }
0x86: {  	_ =	shalt  }
0x87: {  	_ =	shalt  }
.Lfunc_end0:
.L_simem_size_0:
called_computation.4_lowered:
.L_overlay_start_0:
0x88: {  	s2 =	sld [smem:$0x3FD9]  }
0x89: {  	s3 =	sld [smem:$0x3FFE];
	_ =	sdelay $0x1  }
0x8a: {  	s1 =	srdreg.scid  }
0x8b: {  	s0 =	sand.u32 $0x1, s1  }
0x8c: {  	s14 =	sshll.u32 s0, $0xA;
	s2 =	sadd.s32 s3, s2  }
0x8d: {  	s2 =	sadd.s32 s2, s14  }
0x8e: {  	[smem:$0x3FC1] =	sst s2  }
0x8f: {  	_ = 	snop  }
0x90: {  	s2 =	sld [smem:$0x3FD0];
	_ =	sdelay $0x2  }
0x91: {  	s4 =	simm.s32 $0xB;
	s5 =	simm.s32 $0x10;
	s15 =	sld [smem:$0x3FC9]  }
0x92: {  	[smem:s5], [sflag:s4] =	dma.local [hbm:s2], $0x1  }
0x93: {  	_ =	swait.eq [sflag:s4], $0x1  }
0x94: {  	[sflag:s4] =	ssyncset.done $0x0  }
0x95: {  	[sflag:s4] =	ssyncadd.s32 $0xFFFFFFFF  }
0x96: {  	s16 =	sld [smem:$0x10];
	(tm) =	ssettm $0x1  }
0x97: {  	s17 =	sld [smem:$0x3FFB];
	_ =	sdelay $0x3  }
0x98: {  	_ =	strace s17  }
0x99: {  	s4 =	sld [smem:$0x3FFC];
	_ =	sdelay $0x3  }
0x9a: {  	_ =	strace s4  }
0x9b: {  	s4 =	sld [smem:$0x3FFD];
	_ =	sdelay $0x3  }
0x9c: {  	_ =	strace s4  }
0x9d: {  	_ =	strace $0x8FFFFFFF  }
0x9e: {  	s18 =	sld [smem:$0x3FDB];
	_ =	sdelay $0x1  }
0x9f: {  	s19 =	simm.s32 $_scs_section_size  }
0xa0: {  	s6 =	simm.s32 $_size__tile_overlayer_lowered;
	s7 =	simm.s32 $_tile_overlayer_lowered  }
0xa1: {  	s22 =	simm.s32 $0x1BFF;
	s21 =	sshll.u32 s7, $0x1;
	s4 =	sadd.s32 s19, s18  }
0xa2: {  	s8 =	simm.s32 $0x0;
	s20 =	sshll.u32 s6, $0x1;
	s6 =	sadd.s32 s21, s4  }
0xa3: {  	[timem:s8], [sflag:s22] =	dma.local [hbm:s6], s20  }
0xa4: {  	_ =	swait.ge [sflag:s22], s20  }
0xa5: {  	s5 =	ssub.s32 $0x0, s20;
	[sflag:s22] =	ssyncset.done $0x0  }
0xa6: {  	[sflag:s22] =	ssyncadd.s32 s5;
	_ =	sdelay $0x1  }
0xa7: {  	s23 =	simm.s32 $0x1B8B  }
0xa8: {  	_ =	swait.ge [sflag:s23], $0x1  }
0xa9: {  	[sflag:s23] =	ssyncset.done $0x0  }
0xaa: {  	s25 =	simm.s32 $0x1B8E;
	s24 =	sld [smem:$0x3FFE];
	[sflag:s23] =	ssyncadd.s32 $0xFFFFFFFF  }
0xab: {  	s26 =	simm.s32 $execute0_lowered;
	[smem:$0x3FD2] =	sst s25  }
0xac: {  	s6 =	sshll.u32 s26, $0x1;
	_ =	strace $0x80000052;
	[dreg:$0x1] =	wrdreg $0xFFFFFFFF  }
0xad: {  	s28 =	simm.s32 $_size_execute0_lowered;
	s4 =	sadd.s32 s4, s6;
	[dreg:$0x0] =	wrdreg $0x0  }
0xae: {  	s6 =	sshll.u32 s28, $0x1;
	[dreg:$0x2] =	wrdreg s4  }
0xaf: {  	[dreg:$0x3] =	wrdreg s6  }
0xb0: {  	[dreg:$0x4] =	wrdreg $0xC0  }
0xb1: {  	_ =	task [dreg:s8], $0x5FFFF  }
0xb2: {  	[dreg:$0x1] =	wrdreg $0xFFFFFFFF  }
0xb3: {  	[dreg:$0x0] =	wrdreg $0x60  }
0xb4: {  	[dreg:$0x2] =	wrdreg s24  }
0xb5: {  	[dreg:$0x3] =	wrdreg s16  }
0xb6: {  	[dreg:$0x4] =	wrdreg s15  }
0xb7: {  	[dreg:$0x5] =	wrdreg $0x9  }
0xb8: {  	_ =	task.clear_ibuf [dreg:s8], $0x6FFFF;
	_ =	strace $0x90000052  }
0xb9: {  	s29 =	simm.s32 $0x9;
	_ =	strace $0x80000054  }
0xba: {  	_ =	swait.ge [sflag:s29], $0x1  }
0xbb: {  	[sflag:s29] =	ssyncadd.s32 $0xFFFFFFFF  }
0xbc: {  	_ =	strace $0x90000054  }
0xbd: {  	_ =	sfence  }
0xbe: {  	s30 =	sld [smem:$0x0];
	_ =	sdelay $0x2  }
0xbf: {  	s31 =	sshll.u32 s1, $0xD;
	s1 =	sshrl.u32 s1, $0x2  }
0xc0: {  	s3 =	sand.u32 $0x4000, s31;
	s1 =	sadd.s32 s1, s30  }
0xc1: {  	s0 =	sor.u32 s3, s0;
	s1 =	sshll.u32 s1, $0x11  }
0xc2: {  	s0 =	sor.u32 s1, s0  }
0xc3: {  	s0 =	sadd.s32 $0x8F2B, s0  }
0xc4: {  	[sflag:s0] =	ssyncadd.remote.s32 $0x1  }
0xc5: {  	_ =	sfence.sel $0xFFFF  }
0xc6: {  	[dreg:$0x0] =	wrdreg $0xFFFFFFFF;
	(pc) =	sbr.abs _section_cstart, $3  }
0xc7: {  	[dreg:$0x1] =	wrdreg $0xFFFFFFFF  }
0xc8: {  	_ =	task.clear_ibuf [dreg:s8], $0x2FFFF;
	_ =	strace $0x9FFFFFFF  }
0xc9: {  	(tm) =	ssettm $0x7FFFFFFF  }
tec
execute0_lowered:
.L_overlay_start_1:
0x0: {  	(tag) =	ssettag $0x1  }
0x1: {  	s14 =	rddreg [dreg:$0x0]  }
0x2: {  	s1 =	srdreg.scid;
	s0 =	stileid.u32  }
0x3: {  	s15 =	rddreg [dreg:$0x1];
	s16 =	sand.u32 $0x1, s1;
	s29 =	sshll.u32 s0, $0x1  }
0x4: {  	s2 =	rddreg [dreg:$0x2];
	s17 =	sor.u32 s16, s29  }
0x5: {  	s3 =	simm.s32 $0x0;
	s1 =	rddreg [dreg:$0x3];
	s18 =	sshll.u32 s17, $0x6  }
0x6: {  	[smem:$0x7FF] =	sst s3;
	s4 =	sadd.s32 s18, s14  }
0x7: {  	_ =	strace $0x80000053;
	s5 =	sadd.s32 $0x15000, s4;
	s4 =	simm.s32 $0x2  }
0x8: {  	[tilespmem:s3], [sflag:$0x2] =	stream.linear.gather [hbm4b:s5+s3], $0x200, $0x38;
	[tilespmem:$0x10200] =	vst v63  }
0x9: {  	_ =	swait.ge [sflag:s4], $0x200  }
0xa: {  	[sflag:s4] =	ssyncset.done $0x0  }
0xb: {  	s6 =	simm.s32 $0x80;
	s7 =	simm.s32 $0x200;
	[sflag:s4] =	ssyncadd.s32 $0xFFFFFE00  }
0xc: {  	[tilespmem:s7], [sflag:$0x1] =	stream.indirect.gather [hbm4b:s2+s6], $0x80, s3, s6, $0xb8;
	[tilespmem:$0x10200] =	vst v63  }
0xd: {  	s8 =	simm.s32 $0x4200  }
0xe: {  	[tilespmem:s8], [sflag:$0x1] =	stream.indirect.gather [hbm4b:s2+s6], $0x80, s6, s6, $0xb8;
	[tilespmem:$0x10200] =	vst v63  }
0xf: {  	s9 =	simm.s32 $0x100;
	s10 =	simm.s32 $0x8200  }
0x10: {  	[tilespmem:s10], [sflag:$0x1] =	stream.indirect.gather [hbm4b:s2+s6], $0x80, s9, s6, $0xb8;
	[tilespmem:$0x10200] =	vst v63  }
0x11: {  	s11 =	simm.s32 $0x180;
	s12 =	simm.s32 $0xC200;
	s13 =	simm.s32 $0x1  }
0x12: {  	[tilespmem:s12], [sflag:$0x1] =	stream.indirect.gather [hbm4b:s2+s6], $0x80, s11, s6, $0xb8;
	[tilespmem:$0x10200] =	vst v63  }
0x13: {  	_ =	swait.ge [sflag:s13], $0x4000  }
0x14: {  	[sflag:s13] =	ssyncset.done $0x0  }
0x15: {  	[sflag:s13] =	ssyncadd.s32 $0xFFFFC000  }
0x16: {  	_ =	swait.ge [sflag:s13], $0x4000  }
0x17: {  	[sflag:s13] =	ssyncset.done $0x0  }
0x18: {  	[sflag:s13] =	ssyncadd.s32 $0xFFFFC000  }
0x19: {  	_ =	swait.ge [sflag:s13], $0x4000  }
0x1a: {  	[sflag:s13] =	ssyncset.done $0x0  }
0x1b: {  	[sflag:s13] =	ssyncadd.s32 $0xFFFFC000  }
0x1c: {  	s17 =	sshll.u32 s17, $0xD;
	_ =	swait.ge [sflag:s13], $0x4000  }
0x1d: {  	s17 =	sadd.s32 s17, s14;
	[sflag:s13] =	ssyncset.done $0x0  }
0x1e: {  	s14 =	sadd.s32 $0x45000, s17;
	[sflag:s13] =	ssyncadd.s32 $0xFFFFC000  }
0x1f: {  	[hbm4b:s14+s3] =	stream.linear.scatter [tilespmem:s7], [sflag:$0x2], $0x10000, $0x38;
	[tilespmem:$0x10200] =	vst v63  }
0x20: {  	_ =	swait.ge [sflag:s4], $0x10000  }
0x21: {  	[sflag:s4] =	ssyncset.done $0x0  }
0x22: {  	s15 =	sadd.s32 s15, s18;
	[sflag:s4] =	ssyncadd.s32 $0xFFFF0000  }
0x23: {  	[tilespmem:s3], [sflag:$0x2] =	stream.linear.gather [hbm4b:s15+s3], $0x200, $0x38;
	[tilespmem:$0x10200] =	vst v63  }
0x24: {  	_ =	swait.ge [sflag:s4], $0x200  }
0x25: {  	[sflag:s4] =	ssyncset.done $0x0  }
0x26: {  	[sflag:s4] =	ssyncadd.s32 $0xFFFFFE00  }
0x27: {  	[tilespmem:s7], [sflag:$0x1] =	stream.indirect.gather [hbm4b:s2+s6], $0x80, s3, s6, $0xb8;
	[tilespmem:$0x10200] =	vst v63  }
0x28: {  	_ = 	snop  }
0x29: {  	[tilespmem:s8], [sflag:$0x1] =	stream.indirect.gather [hbm4b:s2+s6], $0x80, s6, s6, $0xb8;
	[tilespmem:$0x10200] =	vst v63  }
0x2a: {  	_ = 	snop  }
0x2b: {  	[tilespmem:s10], [sflag:$0x1] =	stream.indirect.gather [hbm4b:s2+s6], $0x80, s9, s6, $0xb8;
	[tilespmem:$0x10200] =	vst v63  }
0x2c: {  	_ = 	snop  }
0x2d: {  	[tilespmem:s12], [sflag:$0x1] =	stream.indirect.gather [hbm4b:s2+s6], $0x80, s11, s6, $0xb8;
	[tilespmem:$0x10200] =	vst v63  }
0x2e: {  	_ =	swait.ge [sflag:s13], $0x4000  }
0x2f: {  	[sflag:s13] =	ssyncset.done $0x0  }
0x30: {  	[sflag:s13] =	ssyncadd.s32 $0xFFFFC000  }
0x31: {  	_ =	swait.ge [sflag:s13], $0x4000  }
0x32: {  	[sflag:s13] =	ssyncset.done $0x0  }
0x33: {  	s16 =	ssub.s32 $0x2, s16;
	[sflag:s13] =	ssyncadd.s32 $0xFFFFC000  }
0x34: {  	s30 =	sshrl.u32 s16, $0x1;
	_ =	swait.ge [sflag:s13], $0x4000  }
0x35: {  	s18 =	ssub.s32 s16, s30;
	[sflag:s13] =	ssyncset.done $0x0  }
0x36: {  	s31 =	smax.u32 s18, $0x1;
	[sflag:s13] =	ssyncadd.s32 $0xFFFFC000  }
0x37: {  	p0 =	sne.s32 s31, $0x1;
	_ =	swait.ge [sflag:s13], $0x4000  }
.Ltmp0:
0x38: {  	[sflag:s13] =	ssyncset.done $0x0;
	(pc) =	sbr.rel @!p0 .LBB2_2-.Ltmp0, $4  }
0x39: {  	s16 =	sadd.s32 $0x85000, s17;
	[sflag:s13] =	ssyncadd.s32 $0xFFFFC000  }
0x3a: {  	[hbm4b:s16+s3] =	stream.linear.scatter [tilespmem:s7], [sflag:$0x2], $0x10000, $0x38;
	[tilespmem:$0x10200] =	vst v63  }
0x3b: {  	_ =	swait.ge [sflag:s4], $0x10000  }
0x3c: {  	s17 =	sadd.s32 $0xFFFFFFFF, s31;
	[sflag:s4] =	ssyncset.done $0x0  }
.LBB2_1:
0x3d: {  	p0 =	sne.s32 s17, $0x1;
	s17 =	sadd.s32 $0xFFFFFFFF, s17;
	[sflag:s4] =	ssyncadd.s32 $0xFFFF0000  }
0x3e: {  	[tilespmem:s3], [sflag:$0x2] =	stream.linear.gather [hbm4b:s5+s3], $0x200, $0x38;
	[tilespmem:$0x10200] =	vst v63  }
0x3f: {  	_ =	swait.ge [sflag:s4], $0x200  }
0x40: {  	[sflag:s4] =	ssyncset.done $0x0  }
0x41: {  	[sflag:s4] =	ssyncadd.s32 $0xFFFFFE00  }
0x42: {  	[tilespmem:s7], [sflag:$0x1] =	stream.indirect.gather [hbm4b:s2+s6], $0x80, s3, s6, $0xb8;
	[tilespmem:$0x10200] =	vst v63  }
0x43: {  	_ = 	snop  }
0x44: {  	[tilespmem:s8], [sflag:$0x1] =	stream.indirect.gather [hbm4b:s2+s6], $0x80, s6, s6, $0xb8;
	[tilespmem:$0x10200] =	vst v63  }
0x45: {  	_ = 	snop  }
0x46: {  	[tilespmem:s10], [sflag:$0x1] =	stream.indirect.gather [hbm4b:s2+s6], $0x80, s9, s6, $0xb8;
	[tilespmem:$0x10200] =	vst v63  }
0x47: {  	_ = 	snop  }
0x48: {  	[tilespmem:s12], [sflag:$0x1] =	stream.indirect.gather [hbm4b:s2+s6], $0x80, s11, s6, $0xb8;
	[tilespmem:$0x10200] =	vst v63  }
0x49: {  	_ =	swait.ge [sflag:s13], $0x4000  }
0x4a: {  	[sflag:s13] =	ssyncset.done $0x0  }
0x4b: {  	[sflag:s13] =	ssyncadd.s32 $0xFFFFC000  }
0x4c: {  	_ =	swait.ge [sflag:s13], $0x4000  }
0x4d: {  	[sflag:s13] =	ssyncset.done $0x0  }
0x4e: {  	[sflag:s13] =	ssyncadd.s32 $0xFFFFC000  }
0x4f: {  	_ =	swait.ge [sflag:s13], $0x4000  }
0x50: {  	[sflag:s13] =	ssyncset.done $0x0  }
0x51: {  	[sflag:s13] =	ssyncadd.s32 $0xFFFFC000  }
0x52: {  	_ =	swait.ge [sflag:s13], $0x4000  }
0x53: {  	[sflag:s13] =	ssyncset.done $0x0  }
0x54: {  	[sflag:s13] =	ssyncadd.s32 $0xFFFFC000  }
0x55: {  	[hbm4b:s14+s3] =	stream.linear.scatter [tilespmem:s7], [sflag:$0x2], $0x10000, $0x38;
	[tilespmem:$0x10200] =	vst v63  }
0x56: {  	_ =	swait.ge [sflag:s4], $0x10000  }
0x57: {  	[sflag:s4] =	ssyncset.done $0x0  }
0x58: {  	[sflag:s4] =	ssyncadd.s32 $0xFFFF0000  }
0x59: {  	[tilespmem:s3], [sflag:$0x2] =	stream.linear.gather [hbm4b:s15+s3], $0x200, $0x38;
	[tilespmem:$0x10200] =	vst v63  }
0x5a: {  	_ =	swait.ge [sflag:s4], $0x200  }
0x5b: {  	[sflag:s4] =	ssyncset.done $0x0  }
0x5c: {  	[sflag:s4] =	ssyncadd.s32 $0xFFFFFE00  }
0x5d: {  	[tilespmem:s7], [sflag:$0x1] =	stream.indirect.gather [hbm4b:s2+s6], $0x80, s3, s6, $0xb8;
	[tilespmem:$0x10200] =	vst v63  }
0x5e: {  	_ = 	snop  }
0x5f: {  	[tilespmem:s8], [sflag:$0x1] =	stream.indirect.gather [hbm4b:s2+s6], $0x80, s6, s6, $0xb8;
	[tilespmem:$0x10200] =	vst v63  }
0x60: {  	_ = 	snop  }
0x61: {  	[tilespmem:s10], [sflag:$0x1] =	stream.indirect.gather [hbm4b:s2+s6], $0x80, s9, s6, $0xb8;
	[tilespmem:$0x10200] =	vst v63  }
0x62: {  	_ = 	snop  }
0x63: {  	[tilespmem:s12], [sflag:$0x1] =	stream.indirect.gather [hbm4b:s2+s6], $0x80, s11, s6, $0xb8;
	[tilespmem:$0x10200] =	vst v63  }
0x64: {  	_ =	swait.ge [sflag:s13], $0x4000  }
0x65: {  	[sflag:s13] =	ssyncset.done $0x0  }
0x66: {  	[sflag:s13] =	ssyncadd.s32 $0xFFFFC000  }
0x67: {  	_ =	swait.ge [sflag:s13], $0x4000  }
0x68: {  	[sflag:s13] =	ssyncset.done $0x0  }
0x69: {  	[sflag:s13] =	ssyncadd.s32 $0xFFFFC000  }
0x6a: {  	_ =	swait.ge [sflag:s13], $0x4000  }
0x6b: {  	[sflag:s13] =	ssyncset.done $0x0  }
0x6c: {  	[sflag:s13] =	ssyncadd.s32 $0xFFFFC000  }
0x6d: {  	_ =	swait.ge [sflag:s13], $0x4000  }
.Ltmp1:
0x6e: {  	[sflag:s13] =	ssyncset.done $0x0;
	(pc) =	sbr.rel @p0 .LBB2_1-.Ltmp1, $4  }
0x6f: {  	[sflag:s13] =	ssyncadd.s32 $0xFFFFC000  }
0x70: {  	[hbm4b:s16+s3] =	stream.linear.scatter [tilespmem:s7], [sflag:$0x2], $0x10000, $0x38;
	[tilespmem:$0x10200] =	vst v63  }
0x71: {  	_ =	swait.ge [sflag:s4], $0x10000  }
0x72: {  	[sflag:s4] =	ssyncset.done $0x0  }
.LBB2_2:
0x73: {  	[sflag:s4] =	ssyncadd.s32 $0xFFFF0000  }
0x74: {  	_ =	sfence.sel $0x180000  }
0x75: {  	[bflag:$0x0] =	sbarrier.arrive $0xFFFF  }
0x76: {  	p0 =	sne.s32 s0, $0x0;
	_ =	strace $0x90000053  }
0x77: {  	s0 =	sadd.s32 @!p0 $0x100000, s1;
	[bflag:$0x2] =	sbarrier.arrive $0xFFFF  }
0x78: {  	[sflag:s0] =	ssyncadd.tile.s32 @!p0 $0x1;
	_ =	shalt  }
.Lfunc_end2:
_tile_overlayer_lowered:
.L_overlay_start_2:
0x79: {  	(tag) =	ssettag $0x2  }
0x7a: {  	s0 =	rddreg [dreg:$0x0];
	s2 =	stileid.u32  }
0x7b: {  	s1 =	rddreg [dreg:$0x1];
	p0 =	sne.s32 s2, $0x0  }
0x7c: {  	s3 =	rddreg [dreg:$0x2];
	[bflag:$0x3] =	sbarrier.arrive $0xFFFF;
	s2 =	simm.s32 @!p0 $0x1C02  }
0x7d: {  	[timem:s3], [sflag:s2] =	dma.local @!p0 [hbm:s0], s1  }
0x7e: {  	s0 =	simm.s32 @!p0 $0x2  }
0x7f: {  	_ =	swait.ge @!p0 [sflag:s0], s1  }
0x80: {  	s1 =	ssub.s32 @!p0 $0x0, s1;
	[sflag:s0] =	ssyncset.done @!p0 $0x0  }
0x81: {  	[sflag:s0] =	ssyncadd.s32 @!p0 s1  }
0x82: {  	[bflag:$0x3] =	sbarrier.arrive $0xFFFF  }
0x83: {  	_ =	shalt  }

// kernel: kernel.15.cloned.1.call-start
scs
__scs_entry_jumppad:
0x0: {  	(pc) =	sbr.rel $0x88, $3  }
0x1: {  	(tag) =	ssettag $0x0;
	lr =	simm.s32 $0x1  }
0x2: {  	[smem:$0x3F9A] =	sst lr;
	_ =	strace $0xD0000000  }
0x3: {  	_ = 	snop  }
0x4: {  	_ = 	snop  }
0x5: {  	_ = 	snop  }
0x6: {  	_ = 	snop  }
0x7: {  	_ = 	snop  }
__scs_overlays_trampoline_lowered:
0x8: {  	[smem:$0x3FA9] =	sst s0  }
0x9: {  	[smem:$0x3FAA] =	sst s1  }
0xa: {  	[smem:$0x3FAB] =	sst s2  }
0xb: {  	[smem:$0x3FAC] =	sst s3  }
0xc: {  	[smem:$0x3FAD] =	sst s4  }
0xd: {  	[smem:$0x3FAE] =	sst s5  }
0xe: {  	[smem:$0x3FAF] =	sst s6  }
0xf: {  	[smem:$0x3FB0] =	sst s7  }
0x10: {  	[smem:$0x3FB1] =	sst s8  }
0x11: {  	[smem:$0x3FB2] =	sst s9;
	s0 =	simm.s32 @!p0 $0x0  }
0x12: {  	s1 =	sld [smem:$0x3F98];
	s0 =	simm.s32 @p0 $0x1  }
0x13: {  	[smem:$0x3FB3] =	sst s0;
	s0 =	simm.s32 @!p1 $0x0  }
0x14: {  	s2 =	sld [smem:$0x3F97];
	s0 =	simm.s32 @p1 $0x1  }
0x15: {  	[smem:$0x3FB4] =	sst s0;
	s0 =	simm.s32 @!p2 $0x0  }
0x16: {  	s3 =	sld [smem:$0x3FDB];
	s0 =	simm.s32 @p2 $0x1  }
0x17: {  	s4 =	simm.s32 $0x1BF5;
	[smem:$0x3FB6] =	sst s0  }
0x18: {  	s0 =	sld [smem:$0x3F99];
	_ =	swait.ge [sflag:s4], $0x0  }
0x19: {  	s7 =	sld [smem:$0x3F9A]  }
0x1a: {  	s8 =	sadd.s32 $0xFFFFE003, lr  }
0x1b: {  	s9 =	sadd.s32 $0xFFFFFEF7, lr;
	s5 =	simm.s32 $0xFFFFFFFF;
	p2 =	slt.u32 s8, $0xFFFFF086  }
0x1c: {  	p1 =	slt.u32 s9, $0xF7A;
	s5 =	simm.s32 @!p2 $0x0  }
0x1d: {  	s5 =	simm.s32 @p1 $0x1;
	p0 =	seq.s32 s7, s2  }
0x1e: {  	s7 =	smul.u32 @!p0 $0xF7A, s2;
	p2 =	seq.s32 @!p0 s5, $0x0  }
0x1f: {  	s9 =	smul.u32 $0xF7A, s1;
	s8 =	simm.s32 @!p0 $0x1BF5;
	p2 =	por !p2, p0  }
0x20: {  	[sflag:s8] =	ssyncset.s32 @!p0 $0xFFFFF086;
	s6 =	sadd.s32 @!p0 s3, s7;
	s7 =	simm.s32 @!p0 $0x108  }
0x21: {  	s3 =	sadd.s32 s3, s9;
	s6 =	sadd.s32 @!p0 $0x88, s6;
	s7 =	simm.s32 @p2 $0x1082  }
0x22: {  	[simem:s7], [sflag:s8] =	dma.local @!p0 [hbm:s6], $0xF7A  }
0x23: {  	s9 =	sor.u32 $0xD0000000, s2;
	s6 =	simm.s32 $0x108;
	_ =	swait.ge @!p0 [sflag:s8], $0x0  }
0x24: {  	s3 =	sadd.s32 $0x88, s3;
	s6 =	simm.s32 @!p1 $0x1082;
	[sflag:s4] =	ssyncset.s32 $0xFFFFF086  }
0x25: {  	[simem:s6], [sflag:s4] =	dma.local [hbm:s3], $0xF7A  }
0x26: {  	[smem:$0x3F9A] =	sst s1;
	(tag) =	ssettag s2;
	_ =	strace s9  }
0x27: {  	s1 =	sld [smem:$0x3FAA]  }
0x28: {  	s2 =	sld [smem:$0x3FAB]  }
0x29: {  	s4 =	sld [smem:$0x3FAD]  }
0x2a: {  	p0 =	seq.s32 s5, $0x0;
	s5 =	sld [smem:$0x3FAE]  }
0x2b: {  	s6 =	sld [smem:$0x3FAF]  }
0x2c: {  	s7 =	sld [smem:$0x3FB0]  }
0x2d: {  	s3 =	simm.s32 $0x108;
	s8 =	sld [smem:$0x3FB1]  }
0x2e: {  	s3 =	simm.s32 @!p0 $0x1082;
	s9 =	sld [smem:$0x3FB2]  }
0x2f: {  	lr =	sadd.s32 s0, s3;
	s0 =	sld [smem:$0x3FA9]  }
0x30: {  	s3 =	sld [smem:$0x3FAC]  }
0x31: {  	[smem:$0x3FB5] =	sst s10  }
0x32: {  	s10 =	sld [smem:$0x3FB3];
	_ =	sdelay $0x3  }
0x33: {  	p0 =	seq.s32 s10, $0x1;
	s10 =	sld [smem:$0x3FB5];
	_ =	sdelay $0x3  }
0x34: {  	[smem:$0x3FB5] =	sst s10  }
0x35: {  	s10 =	sld [smem:$0x3FB4];
	_ =	sdelay $0x3  }
0x36: {  	p1 =	seq.s32 s10, $0x1;
	s10 =	sld [smem:$0x3FB5];
	_ =	sdelay $0x3  }
0x37: {  	[smem:$0x3FB5] =	sst s10  }
0x38: {  	s10 =	sld [smem:$0x3FB6]  }
0x39: {  	_ = 	snop;
	(pc) =	sbr.ind lr, $3  }
0x3a: {  	_ = 	snop  }
0x3b: {  	_ = 	snop  }
0x3c: {  	p2 =	seq.s32 s10, $0x1;
	s10 =	sld [smem:$0x3FB5]  }
0x3d: {  	_ =	shalt  }
0x3e: {  	_ =	shalt  }
0x3f: {  	_ =	shalt  }
0x40: {  	_ =	shalt  }
0x41: {  	_ =	shalt  }
0x42: {  	_ =	shalt  }
0x43: {  	_ =	shalt  }
0x44: {  	_ =	shalt  }
0x45: {  	_ =	shalt  }
0x46: {  	_ =	shalt  }
0x47: {  	_ =	shalt  }
0x48: {  	_ =	shalt  }
0x49: {  	_ =	shalt  }
0x4a: {  	_ =	shalt  }
0x4b: {  	_ =	shalt  }
0x4c: {  	_ =	shalt  }
0x4d: {  	_ =	shalt  }
0x4e: {  	_ =	shalt  }
0x4f: {  	_ =	shalt  }
0x50: {  	_ =	shalt  }
0x51: {  	_ =	shalt  }
0x52: {  	_ =	shalt  }
0x53: {  	_ =	shalt  }
0x54: {  	_ =	shalt  }
0x55: {  	_ =	shalt  }
0x56: {  	_ =	shalt  }
0x57: {  	_ =	shalt  }
0x58: {  	_ =	shalt  }
0x59: {  	_ =	shalt  }
0x5a: {  	_ =	shalt  }
0x5b: {  	_ =	shalt  }
0x5c: {  	_ =	shalt  }
0x5d: {  	_ =	shalt  }
0x5e: {  	_ =	shalt  }
0x5f: {  	_ =	shalt  }
0x60: {  	_ =	shalt  }
0x61: {  	_ =	shalt  }
0x62: {  	_ =	shalt  }
0x63: {  	_ =	shalt  }
0x64: {  	_ =	shalt  }
0x65: {  	_ =	shalt  }
0x66: {  	_ =	shalt  }
0x67: {  	_ =	shalt  }
0x68: {  	_ =	shalt  }
0x69: {  	_ =	shalt  }
0x6a: {  	_ =	shalt  }
0x6b: {  	_ =	shalt  }
0x6c: {  	_ =	shalt  }
0x6d: {  	_ =	shalt  }
0x6e: {  	_ =	shalt  }
0x6f: {  	_ =	shalt  }
0x70: {  	_ =	shalt  }
0x71: {  	_ =	shalt  }
0x72: {  	_ =	shalt  }
0x73: {  	_ =	shalt  }
0x74: {  	_ =	shalt  }
0x75: {  	_ =	shalt  }
0x76: {  	_ =	shalt  }
0x77: {  	_ =	shalt  }
0x78: {  	_ =	shalt  }
0x79: {  	_ =	shalt  }
0x7a: {  	_ =	shalt  }
0x7b: {  	_ =	shalt  }
0x7c: {  	_ =	shalt  }
0x7d: {  	_ =	shalt  }
0x7e: {  	_ =	shalt  }
0x7f: {  	_ =	shalt  }
0x80: {  	_ =	shalt  }
0x81: {  	_ =	shalt  }
0x82: {  	_ =	shalt  }
0x83: {  	_ =	shalt  }
0x84: {  	_ =	shalt  }
0x85: {  	_ =	shalt  }
0x86: {  	_ =	shalt  }
0x87: {  	_ =	shalt  }
.Lfunc_end0:
.L_simem_size_0:
called_computation.5_lowered:
.L_overlay_start_0:
0x88: {  	s0 =	sld [smem:$0x3FD9]  }
0x89: {  	s1 =	sld [smem:$0x3FFE];
	_ =	sdelay $0x3  }
0x8a: {  	s0 =	sadd.s32 s1, s0  }
0x8b: {  	[smem:$0x3FC1] =	sst s0  }
0x8c: {  	_ = 	snop  }
0x8d: {  	s0 =	sld [smem:$0x3FD0];
	_ =	sdelay $0x2  }
0x8e: {  	s13 =	simm.s32 $0xB;
	s2 =	simm.s32 $0x10  }
0x8f: {  	[smem:s2], [sflag:s13] =	dma.local [hbm:s0], $0x1  }
0x90: {  	_ =	swait.eq [sflag:s13], $0x1  }
0x91: {  	[sflag:s13] =	ssyncset.done $0x0  }
0x92: {  	s14 =	sld [smem:$0x10];
	[sflag:s13] =	ssyncadd.s32 $0xFFFFFFFF  }
0x93: {  	s15 =	sld [smem:$0x12];
	(tm) =	ssettm $0x1  }
0x94: {  	s16 =	sld [smem:$0x3FFB];
	_ =	sdelay $0x3  }
0x95: {  	_ =	strace s16  }
0x96: {  	s2 =	sld [smem:$0x3FFC];
	_ =	sdelay $0x3  }
0x97: {  	_ =	strace s2  }
0x98: {  	s2 =	sld [smem:$0x3FFD];
	_ =	sdelay $0x3  }
0x99: {  	_ =	strace s2  }
0x9a: {  	_ =	strace $0x8FFFFFFF  }
0x9b: {  	s17 =	sld [smem:$0x3FDB];
	_ =	sdelay $0x1  }
0x9c: {  	s3 =	simm.s32 $_scs_section_size  }
0x9d: {  	s4 =	simm.s32 $_size__tile_overlayer_lowered;
	s5 =	simm.s32 $_tile_overlayer_lowered  }
0x9e: {  	s20 =	simm.s32 $0x1BFF;
	s19 =	sshll.u32 s5, $0x1;
	s2 =	sadd.s32 s3, s17  }
0x9f: {  	s6 =	simm.s32 $0x0;
	s18 =	sshll.u32 s4, $0x1;
	s4 =	sadd.s32 s19, s2  }
0xa0: {  	[timem:s6], [sflag:s20] =	dma.local [hbm:s4], s18  }
0xa1: {  	_ =	swait.ge [sflag:s20], s18  }
0xa2: {  	s3 =	ssub.s32 $0x0, s18;
	[sflag:s20] =	ssyncset.done $0x0  }
0xa3: {  	[sflag:s20] =	ssyncadd.s32 s3;
	_ =	sdelay $0x1  }
0xa4: {  	s21 =	simm.s32 $0x1B8B  }
0xa5: {  	_ =	swait.ge [sflag:s21], $0x1  }
0xa6: {  	[sflag:s21] =	ssyncset.done $0x0  }
0xa7: {  	s23 =	simm.s32 $0x1B8E;
	s22 =	sld [smem:$0x3FFE];
	[sflag:s21] =	ssyncadd.s32 $0xFFFFFFFF  }
0xa8: {  	s24 =	simm.s32 $execute0_lowered;
	[smem:$0x3FD2] =	sst s23  }
0xa9: {  	s4 =	sshll.u32 s24, $0x1;
	_ =	strace $0x80000055;
	[dreg:$0x1] =	wrdreg $0xFFFFFFFF  }
0xaa: {  	s25 =	simm.s32 $_size_execute0_lowered;
	s2 =	sadd.s32 s2, s4;
	[dreg:$0x0] =	wrdreg $0x0  }
0xab: {  	s4 =	sshll.u32 s25, $0x1;
	[dreg:$0x2] =	wrdreg s2  }
0xac: {  	[dreg:$0x3] =	wrdreg s4  }
0xad: {  	[dreg:$0x4] =	wrdreg $0xC0  }
0xae: {  	_ =	task [dreg:s6], $0x5FFFF  }
0xaf: {  	[dreg:$0x1] =	wrdreg $0xFFFFFFFF  }
0xb0: {  	[dreg:$0x0] =	wrdreg $0x60  }
0xb1: {  	[dreg:$0x2] =	wrdreg s22  }
0xb2: {  	[dreg:$0x3] =	wrdreg s14  }
0xb3: {  	[dreg:$0x4] =	wrdreg s15  }
0xb4: {  	[dreg:$0x5] =	wrdreg $0x2A000  }
0xb5: {  	[dreg:$0x6] =	wrdreg $0x9  }
0xb6: {  	_ =	task.clear_ibuf [dreg:s6], $0x7FFFF;
	_ =	strace $0x90000055  }
0xb7: {  	s26 =	simm.s32 $0x9;
	_ =	strace $0x80000057  }
0xb8: {  	_ =	swait.ge [sflag:s26], $0x1  }
0xb9: {  	[sflag:s26] =	ssyncadd.s32 $0xFFFFFFFF  }
0xba: {  	_ =	strace $0x90000057  }
0xbb: {  	_ =	sfence  }
0xbc: {  	s28 =	sld [smem:$0x0];
	_ =	sdelay $0x1  }
0xbd: {  	s29 =	srdreg.scid  }
0xbe: {  	s30 =	sshll.u32 s29, $0xD;
	s31 =	sshrl.u32 s29, $0x2  }
0xbf: {  	s1 =	sand.u32 $0x1, s29;
	s2 =	sand.u32 $0x4000, s30;
	s0 =	sadd.s32 s31, s28  }
0xc0: {  	s1 =	sor.u32 s2, s1;
	s0 =	sshll.u32 s0, $0x11  }
0xc1: {  	s0 =	sor.u32 s0, s1  }
0xc2: {  	s0 =	sadd.s32 $0x8F2B, s0  }
0xc3: {  	[sflag:s0] =	ssyncadd.remote.s32 $0x1  }
0xc4: {  	_ =	sfence.sel $0xFFFF  }
0xc5: {  	[dreg:$0x0] =	wrdreg $0xFFFFFFFF;
	(pc) =	sbr.abs _section_cstart, $3  }
0xc6: {  	[dreg:$0x1] =	wrdreg $0xFFFFFFFF  }
0xc7: {  	_ =	task.clear_ibuf [dreg:s6], $0x2FFFF;
	_ =	strace $0x9FFFFFFF  }
0xc8: {  	(tm) =	ssettm $0x7FFFFFFF  }
0xc9: {  	_ =	shalt  }
tec
execute0_lowered:
.L_overlay_start_1:
0x0: {  	(tag) =	ssettag $0x1  }
0x1: {  	s5 =	rddreg [dreg:$0x0]  }
0x2: {  	s7 =	rddreg [dreg:$0x1]  }
0x3: {  	s1 =	rddreg [dreg:$0x2]  }
0x4: {  	s2 =	rddreg [dreg:$0x3]  }
0x5: {  	s0 =	rddreg [dreg:$0x4];
	s3 =	simm.s32 $0x0  }
0x6: {  	s6 =	simm.s32 $0x200;
	[smem:$0x7FF] =	sst s3  }
0x7: {  	s30 =	simm.s32 $0x1;
	s4 =	sadd.s32 $0x13C00, s5;
	_ =	strace $0x80000056  }
0x8: {  	[tilespmem:s6], [sflag:$0x1] =	stream.linear.gather [hbm4b:s4+s3], $0x80, $0x38;
	[tilespmem:$0x2C78] =	vst v63  }
0x9: {  	s3 =	stileid.u32;
	_ =	swait.ge [sflag:s30], $0x80  }
0xa: {  	s4 =	sadd.s32 $0x13E00, s5;
	p0 =	sne.s32 s3, $0x0;
	[sflag:s30] =	ssyncset.done $0x0  }
0xb: {  	s6 =	sshrl.u32 @!p0 s2, $0x3;
	s8 =	simm.s32 @!p0 $0x1C01;
	[sflag:s30] =	ssyncadd.s32 $0xFFFFFF80  }
0xc: {  	v0 =	vld [tilespmem:$0x200];
	[spmem:s6], [sflag:s8] =	dma.local @!p0 [hbm:s4], $0x4F0  }
0xd: {  	s4 =	simm.s32 @!p0 $0x1  }
0xe: {  	s31 =	sadd.s32 $0x9E00, s5;
	_ =	swait.ge @!p0 [sflag:s4], $0x4F0  }
0xf: {  	s10 =	sshll.u32 s3, $0x4;
	p2 =	sgt.u32 s3, $0x9C3;
	[sflag:s4] =	ssyncset.done @!p0 $0x0  }
0x10: {  	s8 =	simm.s32 @!p2 $0x0;
	[sflag:s4] =	ssyncadd.s32 @!p0 $0xFFFFFB10;
	s4 =	sadd.s32 s10, s31  }
0x11: {  	s6 =	simm.s32 @!p2 $0x2;
	[bflag:$0x0] =	sbarrier.arrive $0xFFFF;
	s9 =	sadd.s32 @!p2 $0x0, s4  }
0x12: {  	[tilespmem:s8], [sflag:$0x2] =	stream.linear.gather @!p2 [hbm4b:s9+s8], $0x80, $0x38;
	[tilespmem:$0x2C78] =	vst v63  }
0x13: {  	p1 =	por p2, p2;
	_ =	swait.ge @!p2 [sflag:s6], $0x80  }
0x14: {  	s5 =	sadd.s32 s10, s5;
	[sflag:s6] =	ssyncset.done @!p1 $0x0  }
0x15: {  	s11 =	sadd.s32 @!p1 $0x0, s5;
	s9 =	simm.s32 @!p1 $0x80;
	[sflag:s6] =	ssyncadd.s32 @!p1 $0xFFFFFF80  }
0x16: {  	[tilespmem:s9], [sflag:$0x2] =	stream.linear.gather @!p1 [hbm4b:s11+s8], $0x80, $0x38;
	[tilespmem:$0x2C78] =	vst v63  }
0x17: {  	_ =	swait.ge @!p1 [sflag:s6], $0x80  }
0x18: {  	s7 =	sadd.s32 s10, s7;
	[sflag:s6] =	ssyncset.done @!p1 $0x0  }
0x19: {  	s10 =	sadd.s32 @!p1 $0x0, s7;
	s11 =	simm.s32 @!p1 $0x100;
	[sflag:s6] =	ssyncadd.s32 @!p1 $0xFFFFFF80  }
0x1a: {  	[tilespmem:s11], [sflag:$0x2] =	stream.linear.gather @!p1 [hbm4b:s10+s8], $0x80, $0x38;
	[tilespmem:$0x2C78] =	vst v63  }
0x1b: {  	_ =	swait.ge @!p1 [sflag:s6], $0x80  }
0x1c: {  	[sflag:s6] =	ssyncset.done @!p1 $0x0  }
0x1d: {  	[sflag:s6] =	ssyncadd.s32 @!p1 $0xFFFFFF80  }
0x1e: {  	v1 =	vld @!p1 [tilespmem:$0x150]  }
0x1f: {  	v2 =	vld @!p1 [tilespmem:$0x160]  }
0x20: {  	v3 =	vld @!p1 [tilespmem:$0x130]  }
0x21: {  	v4 =	vld @!p1 [tilespmem:$0x120]  }
0x22: {  	v5 =	vld @!p1 [tilespmem:$0x110]  }
0x23: {  	v6 =	vimm.f32 @!p1 $0.0e+00;
	v7 =	vld @!p1 [tilespmem:$0x140];
	vm0 =	vgt.f32 @!p1 v1, v0  }
0x24: {  	v1 =	vld @!p1 [tilespmem:$0x100];
	v8 =	vsel @!p1 vm0, $0x3F800000, v6;
	vm0 =	vgt.f32 @!p1 v2, v0  }
0x25: {  	vm1 =	vgt.f32 @!p1 v3, v0;
	v3 =	vld @!p1 [tilespmem:$0x170];
	[tilespmem:$0x1D0] =	vst @!p1 v8;
	v2 =	vsel @!p1 vm0, $0x3F800000, v6  }
0x26: {  	vm0 =	vgt.f32 @!p1 v4, v0;
	v4 =	vsel @!p1 vm1, $0x3F800000, v6;
	[tilespmem:$0x1E0] =	vst @!p1 v2  }
0x27: {  	vm1 =	vgt.f32 @!p1 v5, v0;
	v2 =	vsel @!p1 vm0, $0x3F800000, v6;
	[tilespmem:$0x1B0] =	vst @!p1 v4  }
0x28: {  	v4 =	vsel @!p1 vm1, $0x3F800000, v6;
	vm0 =	vgt.f32 @!p1 v7, v0;
	[tilespmem:$0x1A0] =	vst @!p1 v2  }
0x29: {  	[tilespmem:$0x190] =	vst @!p1 v4;
	vm1 =	vgt.f32 @!p1 v1, v0;
	v1 =	vsel @!p1 vm0, $0x3F800000, v6  }
0x2a: {  	vm0 =	vgt.f32 @!p1 v3, v0;
	v2 =	vsel @!p1 vm1, $0x3F800000, v6;
	[tilespmem:$0x1C0] =	vst @!p1 v1  }
0x2b: {  	s11 =	simm.s32 @!p2 $0x180;
	s10 =	simm.s32 $0x100;
	v1 =	vsel @!p1 vm0, $0x3F800000, v6;
	[tilespmem:$0x180] =	vst @!p1 v2  }
.LBB2_1:
0x2c: {  	[tilespmem:$0x1F0] =	vst @!p1 v1;
	s3 =	sadd.s32 $0x10, s3;
	s12 =	smov.u32 s10;
	s10 =	sadd.s32 $0x100, s10  }
0x2d: {  	[spmem:s2] =	stream.indirect.scatter.add.f32 @!p1 [tilespmem:s11], [sflag:$0x2], $0x1, s8, s9, $0xb8;
	[tilespmem:$0x2C78] =	vst v63  }
0x2e: {  	p2 =	sne.s32 s10, $0x9D00;
	_ =	swait.ge @!p1 [sflag:s6], $0x80  }
0x2f: {  	[sflag:s6] =	ssyncset.done @!p1 $0x0  }
0x30: {  	s13 =	simm.s32 @!p1 $0x1;
	[sflag:s6] =	ssyncadd.s32 @!p1 $0xFFFFFF80  }
0x31: {  	[spmem:s2] =	stream.indirect.scatter.add.f32 @!p1 [tilespmem:s11], [sflag:$0x1], $0x1, s9, s9, $0xb8;
	[tilespmem:$0x2C78] =	vst v63  }
0x32: {  	p3 =	sgt.u32 s3, $0x9C3;
	_ =	swait.ge @!p1 [sflag:s13], $0x80  }
0x33: {  	s8 =	simm.s32 @!p3 $0x0;
	s9 =	sadd.s32 @!p3 s12, s4;
	[sflag:s13] =	ssyncset.done @!p1 $0x0  }
0x34: {  	s6 =	simm.s32 @!p3 $0x2;
	s11 =	simm.s32 @!p3 $0x180;
	[sflag:s13] =	ssyncadd.s32 @!p1 $0xFFFFFF80  }
0x35: {  	[tilespmem:s8], [sflag:$0x2] =	stream.linear.gather @!p3 [hbm4b:s9+s8], $0x80, $0x38;
	[tilespmem:$0x2C78] =	vst v63  }
0x36: {  	p1 =	por p3, p3;
	_ =	swait.ge @!p3 [sflag:s6], $0x80  }
0x37: {  	s13 =	sadd.s32 @!p1 s12, s5;
	s9 =	simm.s32 @!p1 $0x80;
	[sflag:s6] =	ssyncset.done @!p1 $0x0  }
0x38: {  	[sflag:s6] =	ssyncadd.s32 @!p1 $0xFFFFFF80  }
0x39: {  	[tilespmem:s9], [sflag:$0x2] =	stream.linear.gather @!p1 [hbm4b:s13+s8], $0x80, $0x38;
	[tilespmem:$0x2C78] =	vst v63  }
0x3a: {  	_ =	swait.ge @!p1 [sflag:s6], $0x80  }
0x3b: {  	[sflag:s6] =	ssyncset.done @!p1 $0x0  }
0x3c: {  	s12 =	sadd.s32 @!p1 s12, s7;
	s13 =	simm.s32 @!p1 $0x100;
	[sflag:s6] =	ssyncadd.s32 @!p1 $0xFFFFFF80  }
0x3d: {  	[tilespmem:s13], [sflag:$0x2] =	stream.linear.gather @!p1 [hbm4b:s12+s8], $0x80, $0x38;
	[tilespmem:$0x2C78] =	vst v63  }
0x3e: {  	_ =	swait.ge @!p1 [sflag:s6], $0x80  }
0x3f: {  	[sflag:s6] =	ssyncset.done @!p1 $0x0  }
0x40: {  	[sflag:s6] =	ssyncadd.s32 @!p1 $0xFFFFFF80  }
0x41: {  	v1 =	vld @!p1 [tilespmem:$0x150]  }
0x42: {  	v2 =	vld @!p1 [tilespmem:$0x160]  }
0x43: {  	v3 =	vld @!p1 [tilespmem:$0x130]  }
0x44: {  	v4 =	vld @!p1 [tilespmem:$0x120]  }
0x45: {  	v5 =	vld @!p1 [tilespmem:$0x110]  }
0x46: {  	v6 =	vimm.f32 @!p1 $0.0e+00;
	v7 =	vld @!p1 [tilespmem:$0x140];
	vm0 =	vgt.f32 @!p1 v1, v0  }
0x47: {  	v1 =	vld @!p1 [tilespmem:$0x100];
	v8 =	vsel @!p1 vm0, $0x3F800000, v6;
	vm0 =	vgt.f32 @!p1 v2, v0  }
0x48: {  	vm1 =	vgt.f32 @!p1 v3, v0;
	[tilespmem:$0x1D0] =	vst @!p1 v8;
	v2 =	vsel @!p1 vm0, $0x3F800000, v6;
	v3 =	vld @!p1 [tilespmem:$0x170]  }
0x49: {  	vm0 =	vgt.f32 @!p1 v4, v0;
	v4 =	vsel @!p1 vm1, $0x3F800000, v6;
	[tilespmem:$0x1E0] =	vst @!p1 v2  }
.Ltmp0:
0x4a: {  	vm1 =	vgt.f32 @!p1 v5, v0;
	v2 =	vsel @!p1 vm0, $0x3F800000, v6;
	[tilespmem:$0x1B0] =	vst @!p1 v4;
	(pc) =	sbr.rel @p2 .LBB2_1-.Ltmp0, $4  }
0x4b: {  	v4 =	vsel @!p1 vm1, $0x3F800000, v6;
	[tilespmem:$0x1A0] =	vst @!p1 v2;
	vm0 =	vgt.f32 @!p1 v7, v0  }
0x4c: {  	vm1 =	vgt.f32 @!p1 v1, v0;
	[tilespmem:$0x190] =	vst @!p1 v4;
	v1 =	vsel @!p1 vm0, $0x3F800000, v6  }
0x4d: {  	v2 =	vsel @!p1 vm1, $0x3F800000, v6;
	[tilespmem:$0x1C0] =	vst @!p1 v1;
	vm0 =	vgt.f32 @!p1 v3, v0  }
0x4e: {  	[tilespmem:$0x180] =	vst @!p1 v2;
	v1 =	vsel @!p1 vm0, $0x3F800000, v6  }
0x4f: {  	[tilespmem:$0x1F0] =	vst @!p1 v1  }
0x50: {  	[spmem:s2] =	stream.indirect.scatter.add.f32 @!p1 [tilespmem:s11], [sflag:$0x2], $0x1, s8, s9, $0xb8;
	[tilespmem:$0x2C78] =	vst v63  }
0x51: {  	_ =	swait.ge @!p1 [sflag:s6], $0x80  }
0x52: {  	[sflag:s6] =	ssyncset.done @!p1 $0x0  }
0x53: {  	s3 =	simm.s32 @!p1 $0x1;
	[sflag:s6] =	ssyncadd.s32 @!p1 $0xFFFFFF80  }
0x54: {  	[spmem:s2] =	stream.indirect.scatter.add.f32 @!p1 [tilespmem:s11], [sflag:$0x1], $0x1, s9, s9, $0xb8;
	[tilespmem:$0x2C78] =	vst v63  }
0x55: {  	_ =	swait.ge @!p1 [sflag:s3], $0x80  }
0x56: {  	[sflag:s3] =	ssyncset.done @!p1 $0x0  }
0x57: {  	[sflag:s3] =	ssyncadd.s32 @!p1 $0xFFFFFF80  }
0x58: {  	[bflag:$0x0] =	sbarrier.arrive $0xFFFF  }
0x59: {  	_ =	sfence.sel @p0 $0x180000  }
0x5a: {  	[bflag:$0x0] =	sbarrier.arrive @p0 $0xFFFF  }
0x5b: {  	_ =	strace @p0 $0x90000056  }
0x5c: {  	[bflag:$0x2] =	sbarrier.arrive @p0 $0xFFFF  }
0x5d: {  	_ =	shalt @p0  }
.LBB2_3:
0x5e: {  	s3 =	simm.s32 $0x280;
	s31 =	simm.s32 $0x1  }
0x5f: {  	[tilespmem:s3], [sflag:$0x1] =	stream.linear.gather [spmem:s2], $0x2780, $0x38;
	[tilespmem:$0x2C78] =	vst v63  }
0x60: {  	_ =	swait.ge [sflag:s31], $0x2780  }
0x61: {  	[sflag:s31] =	ssyncset.done $0x0  }
0x62: {  	v0 =	vimm.f32 $0.0e+00;
	s2 =	simm.s32 $0x0;
	s3 =	simm.s32 $0x40;
	[sflag:s31] =	ssyncadd.s32 $0xFFFFD880  }
.LBB2_4:
0x63: {  	p0 =	sne.s32 s3, $0x9C00;
	v1 =	vld [tilespmem:s2+$0x280];
	_ =	sdelay $0x2  }
.Ltmp1:
0x64: {  	(pc) =	sbr.rel @p0 .LBB2_4-.Ltmp1, $4  }
0x65: {  	_ = 	snop  }
0x66: {  	vm0 =	vgt.f32 v1, $0.0e+00  }
0x67: {  	v1 =	vsel vm0, $0x3F800000, v0  }
0x68: {  	[tilespmem:s2+$0x280] =	vst v1;
	s2 =	sshra.s32 s3, $0x2;
	s3 =	sadd.s32 $0x40, s3  }
0x69: {  	v1 =	vld [tilespmem:s2+$0x280];
	_ =	sdelay $0x4  }
0x6a: {  	vm0 =	vgt.f32 v1, $0.0e+00  }
0x6b: {  	v0 =	vsel vm0, $0x3F800000, v0  }
0x6c: {  	s30 =	simm.s32 $0x0;
	s3 =	simm.s32 $0x280;
	s31 =	simm.s32 $0x1;
	[tilespmem:s2+$0x280] =	vst v0  }
0x6d: {  	[hbm4b:s1+s30] =	stream.linear.scatter [tilespmem:s3], [sflag:$0x1], $0x2780, $0x38;
	[tilespmem:$0x2C78] =	vst v63  }
0x6e: {  	_ =	swait.ge [sflag:s31], $0x2780  }
0x6f: {  	[sflag:s31] =	ssyncset.done $0x0  }
0x70: {  	[sflag:s31] =	ssyncadd.s32 $0xFFFFD880  }
0x71: {  	_ =	sfence.sel $0x180000  }
0x72: {  	[bflag:$0x0] =	sbarrier.arrive $0xFFFF  }
0x73: {  	_ =	strace $0x90000056  }
0x74: {  	s0 =	sadd.s32 $0x100000, s0;
	[bflag:$0x2] =	sbarrier.arrive $0xFFFF  }
0x75: {  	[sflag:s0] =	ssyncadd.tile.s32 $0x1;
	_ =	shalt  }
.Lfunc_end2:
_tile_overlayer_lowered:
.L_overlay_start_2:
0x76: {  	(tag) =	ssettag $0x2  }
0x77: {  	s0 =	rddreg [dreg:$0x0];
	s2 =	stileid.u32  }
0x78: {  	s1 =	rddreg [dreg:$0x1];
	p0 =	sne.s32 s2, $0x0  }
0x79: {  	s3 =	rddreg [dreg:$0x2];
	[bflag:$0x3] =	sbarrier.arrive $0xFFFF;
	s2 =	simm.s32 @!p0 $0x1C01  }
0x7a: {  	[timem:s3], [sflag:s2] =	dma.local @!p0 [hbm:s0], s1  }
0x7b: {  	s0 =	simm.s32 @!p0 $0x1  }
0x7c: {  	_ =	swait.ge @!p0 [sflag:s0], s1  }
0x7d: {  	s1 =	ssub.s32 @!p0 $0x0, s1;
	[sflag:s0] =	ssyncset.done @!p0 $0x0  }
0x7e: {  	[sflag:s0] =	ssyncadd.s32 @!p0 s1  }
0x7f: {  	[bflag:$0x3] =	sbarrier.arrive $0xFFFF  }
0x80: {  	_ =	shalt  }

// kernel: kernel.9.cloned.1.call-start
scs
__scs_entry_jumppad:
0x0: {  	(pc) =	sbr.rel $0x88, $3  }
0x1: {  	(tag) =	ssettag $0x0;
	lr =	simm.s32 $0x1  }
0x2: {  	[smem:$0x3F9A] =	sst lr;
	_ =	strace $0xD0000000  }
0x3: {  	_ = 	snop  }
0x4: {  	_ = 	snop  }
0x5: {  	_ = 	snop  }
0x6: {  	_ = 	snop  }
0x7: {  	_ = 	snop  }
__scs_overlays_trampoline_lowered:
0x8: {  	[smem:$0x3FA9] =	sst s0  }
0x9: {  	[smem:$0x3FAA] =	sst s1  }
0xa: {  	[smem:$0x3FAB] =	sst s2  }
0xb: {  	[smem:$0x3FAC] =	sst s3  }
0xc: {  	[smem:$0x3FAD] =	sst s4  }
0xd: {  	[smem:$0x3FAE] =	sst s5  }
0xe: {  	[smem:$0x3FAF] =	sst s6  }
0xf: {  	[smem:$0x3FB0] =	sst s7  }
0x10: {  	[smem:$0x3FB1] =	sst s8  }
0x11: {  	[smem:$0x3FB2] =	sst s9;
	s0 =	simm.s32 @!p0 $0x0  }
0x12: {  	s1 =	sld [smem:$0x3F98];
	s0 =	simm.s32 @p0 $0x1  }
0x13: {  	[smem:$0x3FB3] =	sst s0;
	s0 =	simm.s32 @!p1 $0x0  }
0x14: {  	s2 =	sld [smem:$0x3F97];
	s0 =	simm.s32 @p1 $0x1  }
0x15: {  	[smem:$0x3FB4] =	sst s0;
	s0 =	simm.s32 @!p2 $0x0  }
0x16: {  	s3 =	sld [smem:$0x3FDB];
	s0 =	simm.s32 @p2 $0x1  }
0x17: {  	s4 =	simm.s32 $0x1BF5;
	[smem:$0x3FB6] =	sst s0  }
0x18: {  	s0 =	sld [smem:$0x3F99];
	_ =	swait.ge [sflag:s4], $0x0  }
0x19: {  	s7 =	sld [smem:$0x3F9A]  }
0x1a: {  	s8 =	sadd.s32 $0xFFFFE003, lr  }
0x1b: {  	s9 =	sadd.s32 $0xFFFFFEF7, lr;
	s5 =	simm.s32 $0xFFFFFFFF;
	p2 =	slt.u32 s8, $0xFFFFF086  }
0x1c: {  	p1 =	slt.u32 s9, $0xF7A;
	s5 =	simm.s32 @!p2 $0x0  }
0x1d: {  	s5 =	simm.s32 @p1 $0x1;
	p0 =	seq.s32 s7, s2  }
0x1e: {  	s7 =	smul.u32 @!p0 $0xF7A, s2;
	p2 =	seq.s32 @!p0 s5, $0x0  }
0x1f: {  	s9 =	smul.u32 $0xF7A, s1;
	s8 =	simm.s32 @!p0 $0x1BF5;
	p2 =	por !p2, p0  }
0x20: {  	[sflag:s8] =	ssyncset.s32 @!p0 $0xFFFFF086;
	s6 =	sadd.s32 @!p0 s3, s7;
	s7 =	simm.s32 @!p0 $0x108  }
0x21: {  	s3 =	sadd.s32 s3, s9;
	s6 =	sadd.s32 @!p0 $0x88, s6;
	s7 =	simm.s32 @p2 $0x1082  }
0x22: {  	[simem:s7], [sflag:s8] =	dma.local @!p0 [hbm:s6], $0xF7A  }
0x23: {  	s9 =	sor.u32 $0xD0000000, s2;
	s6 =	simm.s32 $0x108;
	_ =	swait.ge @!p0 [sflag:s8], $0x0  }
0x24: {  	s3 =	sadd.s32 $0x88, s3;
	s6 =	simm.s32 @!p1 $0x1082;
	[sflag:s4] =	ssyncset.s32 $0xFFFFF086  }
0x25: {  	[simem:s6], [sflag:s4] =	dma.local [hbm:s3], $0xF7A  }
0x26: {  	[smem:$0x3F9A] =	sst s1;
	(tag) =	ssettag s2;
	_ =	strace s9  }
0x27: {  	s1 =	sld [smem:$0x3FAA]  }
0x28: {  	s2 =	sld [smem:$0x3FAB]  }
0x29: {  	s4 =	sld [smem:$0x3FAD]  }
0x2a: {  	p0 =	seq.s32 s5, $0x0;
	s5 =	sld [smem:$0x3FAE]  }
0x2b: {  	s6 =	sld [smem:$0x3FAF]  }
0x2c: {  	s7 =	sld [smem:$0x3FB0]  }
0x2d: {  	s3 =	simm.s32 $0x108;
	s8 =	sld [smem:$0x3FB1]  }
0x2e: {  	s3 =	simm.s32 @!p0 $0x1082;
	s9 =	sld [smem:$0x3FB2]  }
0x2f: {  	lr =	sadd.s32 s0, s3;
	s0 =	sld [smem:$0x3FA9]  }
0x30: {  	s3 =	sld [smem:$0x3FAC]  }
0x31: {  	[smem:$0x3FB5] =	sst s10  }
0x32: {  	s10 =	sld [smem:$0x3FB3];
	_ =	sdelay $0x3  }
0x33: {  	p0 =	seq.s32 s10, $0x1;
	s10 =	sld [smem:$0x3FB5];
	_ =	sdelay $0x3  }
0x34: {  	[smem:$0x3FB5] =	sst s10  }
0x35: {  	s10 =	sld [smem:$0x3FB4];
	_ =	sdelay $0x3  }
0x36: {  	p1 =	seq.s32 s10, $0x1;
	s10 =	sld [smem:$0x3FB5];
	_ =	sdelay $0x3  }
0x37: {  	[smem:$0x3FB5] =	sst s10  }
0x38: {  	s10 =	sld [smem:$0x3FB6]  }
0x39: {  	_ = 	snop;
	(pc) =	sbr.ind lr, $3  }
0x3a: {  	_ = 	snop  }
0x3b: {  	_ = 	snop  }
0x3c: {  	p2 =	seq.s32 s10, $0x1;
	s10 =	sld [smem:$0x3FB5]  }
0x3d: {  	_ =	shalt  }
0x3e: {  	_ =	shalt  }
0x3f: {  	_ =	shalt  }
0x40: {  	_ =	shalt  }
0x41: {  	_ =	shalt  }
0x42: {  	_ =	shalt  }
0x43: {  	_ =	shalt  }
0x44: {  	_ =	shalt  }
0x45: {  	_ =	shalt  }
0x46: {  	_ =	shalt  }
0x47: {  	_ =	shalt  }
0x48: {  	_ =	shalt  }
0x49: {  	_ =	shalt  }
0x4a: {  	_ =	shalt  }
0x4b: {  	_ =	shalt  }
0x4c: {  	_ =	shalt  }
0x4d: {  	_ =	shalt  }
0x4e: {  	_ =	shalt  }
0x4f: {  	_ =	shalt  }
0x50: {  	_ =	shalt  }
0x51: {  	_ =	shalt  }
0x52: {  	_ =	shalt  }
0x53: {  	_ =	shalt  }
0x54: {  	_ =	shalt  }
0x55: {  	_ =	shalt  }
0x56: {  	_ =	shalt  }
0x57: {  	_ =	shalt  }
0x58: {  	_ =	shalt  }
0x59: {  	_ =	shalt  }
0x5a: {  	_ =	shalt  }
0x5b: {  	_ =	shalt  }
0x5c: {  	_ =	shalt  }
0x5d: {  	_ =	shalt  }
0x5e: {  	_ =	shalt  }
0x5f: {  	_ =	shalt  }
0x60: {  	_ =	shalt  }
0x61: {  	_ =	shalt  }
0x62: {  	_ =	shalt  }
0x63: {  	_ =	shalt  }
0x64: {  	_ =	shalt  }
0x65: {  	_ =	shalt  }
0x66: {  	_ =	shalt  }
0x67: {  	_ =	shalt  }
0x68: {  	_ =	shalt  }
0x69: {  	_ =	shalt  }
0x6a: {  	_ =	shalt  }
0x6b: {  	_ =	shalt  }
0x6c: {  	_ =	shalt  }
0x6d: {  	_ =	shalt  }
0x6e: {  	_ =	shalt  }
0x6f: {  	_ =	shalt  }
0x70: {  	_ =	shalt  }
0x71: {  	_ =	shalt  }
0x72: {  	_ =	shalt  }
0x73: {  	_ =	shalt  }
0x74: {  	_ =	shalt  }
0x75: {  	_ =	shalt  }
0x76: {  	_ =	shalt  }
0x77: {  	_ =	shalt  }
0x78: {  	_ =	shalt  }
0x79: {  	_ =	shalt  }
0x7a: {  	_ =	shalt  }
0x7b: {  	_ =	shalt  }
0x7c: {  	_ =	shalt  }
0x7d: {  	_ =	shalt  }
0x7e: {  	_ =	shalt  }
0x7f: {  	_ =	shalt  }
0x80: {  	_ =	shalt  }
0x81: {  	_ =	shalt  }
0x82: {  	_ =	shalt  }
0x83: {  	_ =	shalt  }
0x84: {  	_ =	shalt  }
0x85: {  	_ =	shalt  }
0x86: {  	_ =	shalt  }
0x87: {  	_ =	shalt  }
.Lfunc_end0:
.L_simem_size_0:
called_computation.3_lowered:
.L_overlay_start_0:
0x88: {  	s2 =	sld [smem:$0x3FD9]  }
0x89: {  	s3 =	sld [smem:$0x3FFE];
	_ =	sdelay $0x1  }
0x8a: {  	s1 =	srdreg.scid  }
0x8b: {  	s0 =	sand.u32 $0x1, s1  }
0x8c: {  	s14 =	sshll.u32 s0, $0xA;
	s2 =	sadd.s32 s3, s2  }
0x8d: {  	s2 =	sadd.s32 s2, s14  }
0x8e: {  	[smem:$0x3FC1] =	sst s2  }
0x8f: {  	_ = 	snop  }
0x90: {  	s2 =	sld [smem:$0x3FD0];
	_ =	sdelay $0x2  }
0x91: {  	s15 =	simm.s32 $0xB;
	s4 =	simm.s32 $0x10  }
0x92: {  	[smem:s4], [sflag:s15] =	dma.local [hbm:s2], $0x1  }
0x93: {  	_ =	swait.eq [sflag:s15], $0x1  }
0x94: {  	[sflag:s15] =	ssyncset.done $0x0  }
0x95: {  	[sflag:s15] =	ssyncadd.s32 $0xFFFFFFFF  }
0x96: {  	s16 =	sld [smem:$0x10];
	(tm) =	ssettm $0x1  }
0x97: {  	s17 =	sld [smem:$0x3FFB];
	_ =	sdelay $0x3  }
0x98: {  	_ =	strace s17  }
0x99: {  	s3 =	sld [smem:$0x3FFC];
	_ =	sdelay $0x3  }
0x9a: {  	_ =	strace s3  }
0x9b: {  	s3 =	sld [smem:$0x3FFD];
	_ =	sdelay $0x3  }
0x9c: {  	_ =	strace s3  }
0x9d: {  	_ =	strace $0x8FFFFFFF  }
0x9e: {  	s18 =	sld [smem:$0x3FDB];
	_ =	sdelay $0x1  }
0x9f: {  	s19 =	simm.s32 $_scs_section_size  }
0xa0: {  	s5 =	simm.s32 $_size__tile_overlayer_lowered;
	s6 =	simm.s32 $_tile_overlayer_lowered  }
0xa1: {  	s22 =	simm.s32 $0x1BFF;
	s21 =	sshll.u32 s6, $0x1;
	s3 =	sadd.s32 s19, s18  }
0xa2: {  	s7 =	simm.s32 $0x0;
	s20 =	sshll.u32 s5, $0x1;
	s5 =	sadd.s32 s21, s3  }
0xa3: {  	[timem:s7], [sflag:s22] =	dma.local [hbm:s5], s20  }
0xa4: {  	_ =	swait.ge [sflag:s22], s20  }
0xa5: {  	s4 =	ssub.s32 $0x0, s20;
	[sflag:s22] =	ssyncset.done $0x0  }
0xa6: {  	[sflag:s22] =	ssyncadd.s32 s4;
	_ =	sdelay $0x1  }
0xa7: {  	s23 =	simm.s32 $0x1B8B  }
0xa8: {  	_ =	swait.ge [sflag:s23], $0x1  }
0xa9: {  	[sflag:s23] =	ssyncset.done $0x0  }
0xaa: {  	s25 =	simm.s32 $0x1B8E;
	s24 =	sld [smem:$0x3FFE];
	[sflag:s23] =	ssyncadd.s32 $0xFFFFFFFF  }
0xab: {  	s26 =	simm.s32 $execute0_lowered;
	[smem:$0x3FD2] =	sst s25  }
0xac: {  	s5 =	sshll.u32 s26, $0x1;
	_ =	strace $0x80000046;
	[dreg:$0x1] =	wrdreg $0xFFFFFFFF  }
0xad: {  	s28 =	simm.s32 $_size_execute0_lowered;
	s3 =	sadd.s32 s3, s5;
	[dreg:$0x0] =	wrdreg $0x0  }
0xae: {  	s5 =	sshll.u32 s28, $0x1;
	[dreg:$0x2] =	wrdreg s3  }
0xaf: {  	[dreg:$0x3] =	wrdreg s5  }
0xb0: {  	[dreg:$0x4] =	wrdreg $0xC0  }
0xb1: {  	_ =	task [dreg:s7], $0x5FFFF  }
0xb2: {  	[dreg:$0x1] =	wrdreg $0xFFFFFFFF  }
0xb3: {  	[dreg:$0x0] =	wrdreg $0x60  }
0xb4: {  	[dreg:$0x2] =	wrdreg s24  }
0xb5: {  	[dreg:$0x3] =	wrdreg s16  }
0xb6: {  	[dreg:$0x4] =	wrdreg $0x9  }
0xb7: {  	_ =	task.clear_ibuf [dreg:s7], $0x5FFFF;
	_ =	strace $0x90000046  }
0xb8: {  	s29 =	simm.s32 $0x9;
	_ =	strace $0x80000048  }
0xb9: {  	_ =	swait.ge [sflag:s29], $0x1  }
0xba: {  	[sflag:s29] =	ssyncadd.s32 $0xFFFFFFFF  }
0xbb: {  	_ =	strace $0x90000048  }
0xbc: {  	_ =	sfence  }
0xbd: {  	s30 =	sld [smem:$0x0];
	_ =	sdelay $0x2  }
0xbe: {  	s31 =	sshll.u32 s1, $0xD;
	s1 =	sshrl.u32 s1, $0x2  }
0xbf: {  	s3 =	sand.u32 $0x4000, s31;
	s1 =	sadd.s32 s1, s30  }
0xc0: {  	s0 =	sor.u32 s3, s0;
	s1 =	sshll.u32 s1, $0x11  }
0xc1: {  	s0 =	sor.u32 s1, s0  }
0xc2: {  	s0 =	sadd.s32 $0x8F2B, s0  }
0xc3: {  	[sflag:s0] =	ssyncadd.remote.s32 $0x1  }
0xc4: {  	_ =	sfence.sel $0xFFFF  }
0xc5: {  	[dreg:$0x0] =	wrdreg $0xFFFFFFFF;
	(pc) =	sbr.abs _section_cstart, $3  }
0xc6: {  	[dreg:$0x1] =	wrdreg $0xFFFFFFFF  }
0xc7: {  	_ =	task.clear_ibuf [dreg:s7], $0x2FFFF;
	_ =	strace $0x9FFFFFFF  }
0xc8: {  	(tm) =	ssettm $0x7FFFFFFF  }
0xc9: {  	_ =	shalt  }
tec
execute0_lowered:
.L_overlay_start_1:
0x0: {  	(tag) =	ssettag $0x1  }
0x1: {  	s1 =	rddreg [dreg:$0x0]  }
0x2: {  	s2 =	rddreg [dreg:$0x1]  }
0x3: {  	s0 =	rddreg [dreg:$0x2]  }
0x4: {  	s3 =	simm.s32 $0x0;
	s4 =	srdreg.scid;
	s6 =	stileid.u32  }
0x5: {  	v0 =	vlaneseq.u32;
	s12 =	simm.s32 $0x4100;
	s13 =	simm.s32 $0x3;
	s14 =	simm.s32 $0x4  }
0x6: {  	s15 =	simm.s32 $0x80;
	s16 =	simm.s32 $0x100;
	s17 =	simm.s32 $0x2100;
	v0 =	vmul.u32 $0x10, v0  }
0x7: {  	s18 =	simm.s32 $0x1;
	s19 =	simm.s32 $0x2;
	s20 =	simm.s32 $0x4150  }
.Ltmp0:
0x8: {  	s21 =	simm.s32 $0x4250;
	s4 =	sand.u32 $0x1, s4;
	v1 =	vor.u32 $0x1, v0;
	v2 =	vor.u32 $0x2, v0;
	v3 =	vor.u32 $0x3, v0;
	(pc) =	sbr.rel .LBB2_1-.Ltmp0, $4  }
0x9: {  	s22 =	simm.s32 $0x0;
	[smem:$0x7FF] =	sst s3;
	s10 =	ssub.s32 $0x2, s4;
	v4 =	vor.u32 $0x4, v0;
	v5 =	vor.u32 $0x5, v0;
	v6 =	vor.u32 $0x6, v0  }
0xa: {  	s5 =	sadd.s32 $0x9E00, s1;
	s7 =	sadd.s32 $0x13C00, s1;
	s11 =	sshrl.u32 s10, $0x1;
	v7 =	vor.u32 $0x7, v0;
	v8 =	vor.u32 $0x8, v0;
	v9 =	vor.u32 $0x9, v0  }
0xb: {  	s8 =	sadd.s32 $0x27600, s1;
	s9 =	sadd.s32 $0x3B000, s1;
	v10 =	vor.u32 $0xA, v0;
	v11 =	vor.u32 $0xB, v0;
	v12 =	vor.u32 $0xC, v0;
	s11 =	ssub.s32 s10, s11  }
0xc: {  	_ =	strace $0x80000047;
	v13 =	vor.u32 $0xD, v0;
	v14 =	vor.u32 $0xE, v0;
	v15 =	vor.u32 $0xF, v0;
	s10 =	sshll.u32 s6, $0x1;
	s11 =	smax.u32 s11, $0x1  }
.LBB2_7:
0xd: {  	s22 =	sadd.s32 $0x1, s22  }
0xe: {  	p0 =	sne.s32 s22, s11  }
.Ltmp1:
0xf: {  	_ = 	snop;
	(pc) =	sbr.rel @!p0 .LBB2_8-.Ltmp1, $1  }
0x10: {  	_ =	sdelay $0x3  }
.LBB2_1:
0x11: {  	[tilespmem:s12], [sflag:$0x3] =	stream.linear.gather [hbm4b:s2+s3], $0x50, $0x38;
	[tilespmem:$0x42D0] =	vst v63  }
0x12: {  	_ =	swait.ge [sflag:s13], $0x50  }
0x13: {  	[sflag:s13] =	ssyncset.done $0x0  }
0x14: {  	[sflag:s13] =	ssyncadd.s32 $0xFFFFFFB0  }
.Ltmp2:
0x15: {  	v16 =	vld [tilespmem:$0x4100];
	(pc) =	sbr.rel .LBB2_2-.Ltmp2, $4  }
0x16: {  	v17 =	vld [tilespmem:$0x4110]  }
0x17: {  	v18 =	vld [tilespmem:$0x4120]  }
0x18: {  	v19 =	vld [tilespmem:$0x4130]  }
0x19: {  	s23 =	simm.s32 $0x0;
	v20 =	vld [tilespmem:$0x4140]  }
.LBB2_6:
0x1a: {  	s23 =	sadd.s32 $0x1, s23  }
0x1b: {  	p0 =	sne.s32 s23, $0x4F  }
.Ltmp3:
0x1c: {  	_ = 	snop;
	(pc) =	sbr.rel @!p0 .LBB2_7-.Ltmp3, $1  }
0x1d: {  	_ =	sdelay $0x3  }
.LBB2_2:
0x1e: {  	s24 =	sshll.u32 s23, $0x5  }
0x1f: {  	s24 =	sor.u32 s10, s24  }
0x20: {  	p0 =	sgt.u32 s24, $0x9C3  }
.Ltmp4:
0x21: {  	_ = 	snop;
	(pc) =	sbr.rel @p0 .LBB2_6-.Ltmp4, $1  }
0x22: {  	_ =	sdelay $0x3  }
0x23: {  	s24 =	sor.u32 s4, s24  }
0x24: {  	s24 =	sshll.u32 s24, $0x4  }
0x25: {  	s25 =	simm.s32 $0x0;
	s26 =	sadd.s32 s5, s24  }
0x26: {  	[tilespmem:s25], [sflag:$0x4] =	stream.linear.gather [hbm4b:s26+s25], $0x80, $0x38;
	[tilespmem:$0x42D0] =	vst v63  }
0x27: {  	_ =	swait.ge [sflag:s14], $0x80  }
0x28: {  	[sflag:s14] =	ssyncset.done $0x0  }
0x29: {  	s31 =	sadd.s32 s1, s24;
	[sflag:s14] =	ssyncadd.s32 $0xFFFFFF80  }
0x2a: {  	[tilespmem:s15], [sflag:$0x4] =	stream.linear.gather [hbm4b:s31+s25], $0x80, $0x38;
	[tilespmem:$0x42D0] =	vst v63  }
0x2b: {  	_ =	swait.ge [sflag:s14], $0x80  }
0x2c: {  	[sflag:s14] =	ssyncset.done $0x0  }
0x2d: {  	[sflag:s14] =	ssyncadd.s32 $0xFFFFFF80  }
0x2e: {  	[tilespmem:s16], [sflag:$0x1] =	stream.indirect.gather [hbm4b:s7+s15], $0x40, s25, s15, $0xb8;
	[tilespmem:$0x42D0] =	vst v63  }
0x2f: {  	_ = 	snop  }
0x30: {  	[tilespmem:s17], [sflag:$0x2] =	stream.indirect.gather [hbm4b:s8+s15], $0x40, s15, s15, $0xb8;
	[tilespmem:$0x42D0] =	vst v63  }
0x31: {  	_ =	swait.ge [sflag:s18], $0x2000  }
0x32: {  	[sflag:s18] =	ssyncset.done $0x0  }
0x33: {  	[sflag:s18] =	ssyncadd.s32 $0xFFFFE000  }
0x34: {  	_ =	swait.ge [sflag:s19], $0x2000  }
0x35: {  	[sflag:s19] =	ssyncset.done $0x0  }
0x36: {  	s26 =	simm.s32 $0x4250;
	[sflag:s19] =	ssyncadd.s32 $0xFFFFE000  }
.LBB2_4:
0x37: {  	s28 =	sshra.s32 s25, $0x2  }
0x38: {  	v21 =	vld [tilespmem:s28+$0x100]  }
0x39: {  	v22 =	vld [tilespmem:s28+$0x2100]  }
0x3a: {  	v23 =	vld [tilespmem:s28+$0x110]  }
0x3b: {  	v24 =	vld [tilespmem:s28+$0x2110]  }
0x3c: {  	v25 =	vld [tilespmem:s28+$0x120]  }
0x3d: {  	v26 =	vld [tilespmem:s28+$0x2120]  }
0x3e: {  	v27 =	vld [tilespmem:s28+$0x2130];
	v21 =	vadd.f32 v22, v21  }
0x3f: {  	v22 =	vld [tilespmem:s28+$0x130]  }
0x40: {  	v23 =	vadd.f32 v24, v23;
	v21 =	vmax.f32 v21, $0.0e+00  }
0x41: {  	v21 =	vmul.f32 v21, v16  }
0x42: {  	v51 =	vadd.f32 v26, v25;
	v23 =	vmax.f32 v23, $0.0e+00  }
0x43: {  	v23 =	vmul.f32 v23, v17;
	v21 =	vadd.f32 $0.0e+00, v21  }
0x44: {  	v24 =	vmax.f32 v51, $0.0e+00;
	v22 =	vadd.f32 v27, v22  }
0x45: {  	v21 =	vadd.f32 v23, v21;
	v23 =	vmul.f32 v24, v18  }
0x46: {  	v22 =	vmax.f32 v22, $0.0e+00  }
0x47: {  	v22 =	vmul.f32 v22, v19;
	v21 =	vadd.f32 v23, v21;
	_ =	sdelay $0x1  }
0x48: {  	v21 =	vadd.f32 v22, v21;
	_ =	sdelay $0x1  }
0x49: {  	[tilespmem:$0x4150] =	vst v21  }
0x4a: {  	v21 =	vld [tilespmem:s28+$0x140]  }
0x4b: {  	v22 =	vld [tilespmem:s28+$0x2140]  }
0x4c: {  	v23 =	vld [tilespmem:s28+$0x150]  }
0x4d: {  	v52 =	vld [tilespmem:s28+$0x2150]  }
0x4e: {  	v53 =	vld [tilespmem:s28+$0x160]  }
0x4f: {  	v54 =	vld [tilespmem:s28+$0x2160]  }
0x50: {  	v55 =	vld [tilespmem:s28+$0x2170];
	v21 =	vadd.f32 v22, v21  }
0x51: {  	v22 =	vld [tilespmem:s28+$0x170]  }
0x52: {  	v23 =	vadd.f32 v52, v23;
	v21 =	vmax.f32 v21, $0.0e+00  }
0x53: {  	v21 =	vmul.f32 v21, v16  }
0x54: {  	v56 =	vadd.f32 v54, v53;
	v23 =	vmax.f32 v23, $0.0e+00  }
0x55: {  	v23 =	vmul.f32 v23, v17;
	v21 =	vadd.f32 $0.0e+00, v21  }
0x56: {  	v24 =	vmax.f32 v56, $0.0e+00;
	v22 =	vadd.f32 v55, v22  }
0x57: {  	v21 =	vadd.f32 v23, v21;
	v23 =	vmul.f32 v24, v18  }
0x58: {  	v22 =	vmax.f32 v22, $0.0e+00  }
0x59: {  	v22 =	vmul.f32 v22, v19;
	v21 =	vadd.f32 v23, v21;
	_ =	sdelay $0x1  }
0x5a: {  	v21 =	vadd.f32 v22, v21;
	_ =	sdelay $0x1  }
0x5b: {  	[tilespmem:$0x4160] =	vst v21  }
0x5c: {  	v21 =	vld [tilespmem:s28+$0x180]  }
0x5d: {  	v22 =	vld [tilespmem:s28+$0x2180]  }
0x5e: {  	v23 =	vld [tilespmem:s28+$0x190]  }
0x5f: {  	v57 =	vld [tilespmem:s28+$0x2190]  }
0x60: {  	v58 =	vld [tilespmem:s28+$0x1A0]  }
0x61: {  	v59 =	vld [tilespmem:s28+$0x21A0]  }
0x62: {  	v60 =	vld [tilespmem:s28+$0x21B0];
	v21 =	vadd.f32 v22, v21  }
0x63: {  	v22 =	vld [tilespmem:s28+$0x1B0]  }
0x64: {  	v23 =	vadd.f32 v57, v23;
	v21 =	vmax.f32 v21, $0.0e+00  }
0x65: {  	v21 =	vmul.f32 v21, v16  }
0x66: {  	v61 =	vadd.f32 v59, v58;
	v23 =	vmax.f32 v23, $0.0e+00  }
0x67: {  	v23 =	vmul.f32 v23, v17;
	v21 =	vadd.f32 $0.0e+00, v21  }
0x68: {  	v24 =	vmax.f32 v61, $0.0e+00;
	v22 =	vadd.f32 v60, v22  }
0x69: {  	v21 =	vadd.f32 v23, v21;
	v23 =	vmul.f32 v24, v18  }
0x6a: {  	v22 =	vmax.f32 v22, $0.0e+00  }
0x6b: {  	v22 =	vmul.f32 v22, v19;
	v21 =	vadd.f32 v23, v21;
	_ =	sdelay $0x1  }
0x6c: {  	v21 =	vadd.f32 v22, v21;
	_ =	sdelay $0x1  }
0x6d: {  	[tilespmem:$0x4170] =	vst v21  }
0x6e: {  	v21 =	vld [tilespmem:s28+$0x1C0]  }
0x6f: {  	v22 =	vld [tilespmem:s28+$0x21C0]  }
0x70: {  	v23 =	vld [tilespmem:s28+$0x1D0]  }
0x71: {  	v62 =	vld [tilespmem:s28+$0x21D0]  }
0x72: {  	v63 =	vld [tilespmem:s28+$0x1E0]  }
0x73: {  	v30 =	vld [tilespmem:s28+$0x21E0]  }
0x74: {  	v31 =	vld [tilespmem:s28+$0x21F0];
	v21 =	vadd.f32 v22, v21  }
0x75: {  	v22 =	vld [tilespmem:s28+$0x1F0]  }
0x76: {  	v23 =	vadd.f32 v62, v23;
	v21 =	vmax.f32 v21, $0.0e+00  }
0x77: {  	v21 =	vmul.f32 v21, v16  }
0x78: {  	v32 =	vadd.f32 v30, v63;
	v23 =	vmax.f32 v23, $0.0e+00  }
0x79: {  	v23 =	vmul.f32 v23, v17;
	v21 =	vadd.f32 $0.0e+00, v21  }
0x7a: {  	v24 =	vmax.f32 v32, $0.0e+00;
	v22 =	vadd.f32 v31, v22  }
0x7b: {  	v21 =	vadd.f32 v23, v21;
	v23 =	vmul.f32 v24, v18  }
0x7c: {  	v22 =	vmax.f32 v22, $0.0e+00  }
0x7d: {  	v22 =	vmul.f32 v22, v19;
	v21 =	vadd.f32 v23, v21;
	_ =	sdelay $0x1  }
0x7e: {  	v21 =	vadd.f32 v22, v21;
	_ =	sdelay $0x1  }
0x7f: {  	[tilespmem:$0x4180] =	vst v21  }
0x80: {  	v21 =	vld [tilespmem:s28+$0x200]  }
0x81: {  	v22 =	vld [tilespmem:s28+$0x2200]  }
0x82: {  	v23 =	vld [tilespmem:s28+$0x210]  }
0x83: {  	v33 =	vld [tilespmem:s28+$0x2210]  }
0x84: {  	v34 =	vld [tilespmem:s28+$0x220]  }
0x85: {  	v35 =	vld [tilespmem:s28+$0x2220]  }
0x86: {  	v36 =	vld [tilespmem:s28+$0x2230];
	v21 =	vadd.f32 v22, v21  }
0x87: {  	v22 =	vld [tilespmem:s28+$0x230]  }
0x88: {  	v23 =	vadd.f32 v33, v23;
	v21 =	vmax.f32 v21, $0.0e+00  }
0x89: {  	v21 =	vmul.f32 v21, v16  }
0x8a: {  	v37 =	vadd.f32 v35, v34;
	v23 =	vmax.f32 v23, $0.0e+00  }
0x8b: {  	v23 =	vmul.f32 v23, v17;
	v21 =	vadd.f32 $0.0e+00, v21  }
0x8c: {  	v24 =	vmax.f32 v37, $0.0e+00;
	v22 =	vadd.f32 v36, v22  }
0x8d: {  	v21 =	vadd.f32 v23, v21;
	v23 =	vmul.f32 v24, v18  }
0x8e: {  	v22 =	vmax.f32 v22, $0.0e+00  }
0x8f: {  	v22 =	vmul.f32 v22, v19;
	v21 =	vadd.f32 v23, v21;
	_ =	sdelay $0x1  }
0x90: {  	v21 =	vadd.f32 v22, v21;
	_ =	sdelay $0x1  }
0x91: {  	[tilespmem:$0x4190] =	vst v21  }
0x92: {  	v21 =	vld [tilespmem:s28+$0x240]  }
0x93: {  	v22 =	vld [tilespmem:s28+$0x2240]  }
0x94: {  	v23 =	vld [tilespmem:s28+$0x250]  }
0x95: {  	v38 =	vld [tilespmem:s28+$0x2250]  }
0x96: {  	v39 =	vld [tilespmem:s28+$0x260]  }
0x97: {  	v40 =	vld [tilespmem:s28+$0x2260]  }
0x98: {  	v41 =	vld [tilespmem:s28+$0x2270];
	v21 =	vadd.f32 v22, v21  }
0x99: {  	v22 =	vld [tilespmem:s28+$0x270]  }
0x9a: {  	v23 =	vadd.f32 v38, v23;
	v21 =	vmax.f32 v21, $0.0e+00  }
0x9b: {  	v21 =	vmul.f32 v21, v16  }
0x9c: {  	v42 =	vadd.f32 v40, v39;
	v23 =	vmax.f32 v23, $0.0e+00  }
0x9d: {  	v23 =	vmul.f32 v23, v17;
	v21 =	vadd.f32 $0.0e+00, v21  }
0x9e: {  	v24 =	vmax.f32 v42, $0.0e+00;
	v22 =	vadd.f32 v41, v22  }
0x9f: {  	v21 =	vadd.f32 v23, v21;
	v23 =	vmul.f32 v24, v18  }
0xa0: {  	v22 =	vmax.f32 v22, $0.0e+00  }
0xa1: {  	v22 =	vmul.f32 v22, v19;
	v21 =	vadd.f32 v23, v21;
	_ =	sdelay $0x1  }
0xa2: {  	v21 =	vadd.f32 v22, v21;
	_ =	sdelay $0x1  }
0xa3: {  	[tilespmem:$0x41A0] =	vst v21  }
0xa4: {  	v21 =	vld [tilespmem:s28+$0x280]  }
0xa5: {  	v22 =	vld [tilespmem:s28+$0x2280]  }
0xa6: {  	v23 =	vld [tilespmem:s28+$0x290]  }
0xa7: {  	v43 =	vld [tilespmem:s28+$0x2290]  }
0xa8: {  	v44 =	vld [tilespmem:s28+$0x2A0]  }
0xa9: {  	v45 =	vld [tilespmem:s28+$0x22A0]  }
0xaa: {  	v46 =	vld [tilespmem:s28+$0x22B0];
	v21 =	vadd.f32 v22, v21  }
0xab: {  	v22 =	vld [tilespmem:s28+$0x2B0]  }
0xac: {  	v23 =	vadd.f32 v43, v23;
	v21 =	vmax.f32 v21, $0.0e+00  }
0xad: {  	v21 =	vmul.f32 v21, v16  }
0xae: {  	v47 =	vadd.f32 v45, v44;
	v23 =	vmax.f32 v23, $0.0e+00  }
0xaf: {  	v23 =	vmul.f32 v23, v17;
	v21 =	vadd.f32 $0.0e+00, v21  }
0xb0: {  	v24 =	vmax.f32 v47, $0.0e+00;
	v22 =	vadd.f32 v46, v22  }
0xb1: {  	v21 =	vadd.f32 v23, v21;
	v23 =	vmul.f32 v24, v18  }
0xb2: {  	v22 =	vmax.f32 v22, $0.0e+00  }
0xb3: {  	v22 =	vmul.f32 v22, v19;
	v21 =	vadd.f32 v23, v21;
	_ =	sdelay $0x1  }
0xb4: {  	v21 =	vadd.f32 v22, v21;
	_ =	sdelay $0x1  }
0xb5: {  	[tilespmem:$0x41B0] =	vst v21  }
0xb6: {  	v21 =	vld [tilespmem:s28+$0x2C0]  }
0xb7: {  	v22 =	vld [tilespmem:s28+$0x22C0]  }
0xb8: {  	v23 =	vld [tilespmem:s28+$0x2D0]  }
0xb9: {  	v48 =	vld [tilespmem:s28+$0x22D0]  }
0xba: {  	v49 =	vld [tilespmem:s28+$0x2E0]  }
0xbb: {  	v50 =	vld [tilespmem:s28+$0x22E0]  }
0xbc: {  	v51 =	vld [tilespmem:s28+$0x22F0];
	v21 =	vadd.f32 v22, v21  }
0xbd: {  	v22 =	vld [tilespmem:s28+$0x2F0]  }
0xbe: {  	v23 =	vadd.f32 v48, v23;
	v21 =	vmax.f32 v21, $0.0e+00  }
0xbf: {  	v21 =	vmul.f32 v21, v16  }
0xc0: {  	v52 =	vadd.f32 v50, v49;
	v23 =	vmax.f32 v23, $0.0e+00  }
0xc1: {  	v23 =	vmul.f32 v23, v17;
	v21 =	vadd.f32 $0.0e+00, v21  }
0xc2: {  	v24 =	vmax.f32 v52, $0.0e+00;
	v22 =	vadd.f32 v51, v22  }
0xc3: {  	v21 =	vadd.f32 v23, v21;
	v23 =	vmul.f32 v24, v18  }
0xc4: {  	v22 =	vmax.f32 v22, $0.0e+00  }
0xc5: {  	v22 =	vmul.f32 v22, v19;
	v21 =	vadd.f32 v23, v21;
	_ =	sdelay $0x1  }
0xc6: {  	v21 =	vadd.f32 v22, v21;
	_ =	sdelay $0x1  }
0xc7: {  	[tilespmem:$0x41C0] =	vst v21  }
0xc8: {  	v21 =	vld [tilespmem:s28+$0x300]  }
0xc9: {  	v22 =	vld [tilespmem:s28+$0x2300]  }
0xca: {  	v23 =	vld [tilespmem:s28+$0x310]  }
0xcb: {  	v53 =	vld [tilespmem:s28+$0x2310]  }
0xcc: {  	v54 =	vld [tilespmem:s28+$0x320]  }
0xcd: {  	v55 =	vld [tilespmem:s28+$0x2320]  }
0xce: {  	v56 =	vld [tilespmem:s28+$0x2330];
	v21 =	vadd.f32 v22, v21  }
0xcf: {  	v22 =	vld [tilespmem:s28+$0x330]  }
0xd0: {  	v23 =	vadd.f32 v53, v23;
	v21 =	vmax.f32 v21, $0.0e+00  }
0xd1: {  	v21 =	vmul.f32 v21, v16  }
0xd2: {  	v57 =	vadd.f32 v55, v54;
	v23 =	vmax.f32 v23, $0.0e+00  }
0xd3: {  	v23 =	vmul.f32 v23, v17;
	v21 =	vadd.f32 $0.0e+00, v21  }
0xd4: {  	v24 =	vmax.f32 v57, $0.0e+00;
	v22 =	vadd.f32 v56, v22  }
0xd5: {  	v21 =	vadd.f32 v23, v21;
	v23 =	vmul.f32 v24, v18  }
0xd6: {  	v22 =	vmax.f32 v22, $0.0e+00  }
0xd7: {  	v22 =	vmul.f32 v22, v19;
	v21 =	vadd.f32 v23, v21;
	_ =	sdelay $0x1  }
0xd8: {  	v21 =	vadd.f32 v22, v21;
	_ =	sdelay $0x1  }
0xd9: {  	[tilespmem:$0x41D0] =	vst v21  }
0xda: {  	v21 =	vld [tilespmem:s28+$0x340]  }
0xdb: {  	v22 =	vld [tilespmem:s28+$0x2340]  }
0xdc: {  	v23 =	vld [tilespmem:s28+$0x350]  }
0xdd: {  	v58 =	vld [tilespmem:s28+$0x2350]  }
0xde: {  	v59 =	vld [tilespmem:s28+$0x360]  }
0xdf: {  	v60 =	vld [tilespmem:s28+$0x2360]  }
0xe0: {  	v61 =	vld [tilespmem:s28+$0x2370];
	v21 =	vadd.f32 v22, v21  }
0xe1: {  	v22 =	vld [tilespmem:s28+$0x370]  }
0xe2: {  	v23 =	vadd.f32 v58, v23;
	v21 =	vmax.f32 v21, $0.0e+00  }
0xe3: {  	v21 =	vmul.f32 v21, v16  }
0xe4: {  	v62 =	vadd.f32 v60, v59;
	v23 =	vmax.f32 v23, $0.0e+00  }
0xe5: {  	v23 =	vmul.f32 v23, v17;
	v21 =	vadd.f32 $0.0e+00, v21  }
0xe6: {  	v24 =	vmax.f32 v62, $0.0e+00;
	v22 =	vadd.f32 v61, v22  }
0xe7: {  	v21 =	vadd.f32 v23, v21;
	v23 =	vmul.f32 v24, v18  }
0xe8: {  	v22 =	vmax.f32 v22, $0.0e+00  }
0xe9: {  	v22 =	vmul.f32 v22, v19;
	v21 =	vadd.f32 v23, v21;
	_ =	sdelay $0x1  }
0xea: {  	v21 =	vadd.f32 v22, v21;
	_ =	sdelay $0x1  }
0xeb: {  	[tilespmem:$0x41E0] =	vst v21  }
0xec: {  	v21 =	vld [tilespmem:s28+$0x380]  }
0xed: {  	v22 =	vld [tilespmem:s28+$0x2380]  }
0xee: {  	v23 =	vld [tilespmem:s28+$0x390]  }
0xef: {  	v63 =	vld [tilespmem:s28+$0x2390]  }
0xf0: {  	v30 =	vld [tilespmem:s28+$0x3A0]  }
0xf1: {  	v31 =	vld [tilespmem:s28+$0x23A0]  }
0xf2: {  	v32 =	vld [tilespmem:s28+$0x23B0];
	v21 =	vadd.f32 v22, v21  }
0xf3: {  	v22 =	vld [tilespmem:s28+$0x3B0]  }
0xf4: {  	v23 =	vadd.f32 v63, v23;
	v21 =	vmax.f32 v21, $0.0e+00  }
0xf5: {  	v21 =	vmul.f32 v21, v16  }
0xf6: {  	v33 =	vadd.f32 v31, v30;
	v23 =	vmax.f32 v23, $0.0e+00  }
0xf7: {  	v23 =	vmul.f32 v23, v17;
	v21 =	vadd.f32 $0.0e+00, v21  }
0xf8: {  	v24 =	vmax.f32 v33, $0.0e+00;
	v22 =	vadd.f32 v32, v22  }
0xf9: {  	v21 =	vadd.f32 v23, v21;
	v23 =	vmul.f32 v24, v18  }
0xfa: {  	v22 =	vmax.f32 v22, $0.0e+00  }
0xfb: {  	v22 =	vmul.f32 v22, v19;
	v21 =	vadd.f32 v23, v21;
	_ =	sdelay $0x1  }
0xfc: {  	v21 =	vadd.f32 v22, v21;
	_ =	sdelay $0x1  }
0xfd: {  	[tilespmem:$0x41F0] =	vst v21  }
0xfe: {  	v21 =	vld [tilespmem:s28+$0x3C0]  }
0xff: {  	v22 =	vld [tilespmem:s28+$0x23C0]  }
0x100: {  	v23 =	vld [tilespmem:s28+$0x3D0]  }
0x101: {  	v34 =	vld [tilespmem:s28+$0x23D0]  }
0x102: {  	v35 =	vld [tilespmem:s28+$0x3E0]  }
0x103: {  	v36 =	vld [tilespmem:s28+$0x23E0]  }
0x104: {  	v37 =	vld [tilespmem:s28+$0x23F0];
	v21 =	vadd.f32 v22, v21  }
0x105: {  	v22 =	vld [tilespmem:s28+$0x3F0]  }
0x106: {  	v23 =	vadd.f32 v34, v23;
	v21 =	vmax.f32 v21, $0.0e+00  }
0x107: {  	v21 =	vmul.f32 v21, v16  }
0x108: {  	v38 =	vadd.f32 v36, v35;
	v23 =	vmax.f32 v23, $0.0e+00  }
0x109: {  	v23 =	vmul.f32 v23, v17;
	v21 =	vadd.f32 $0.0e+00, v21  }
0x10a: {  	v24 =	vmax.f32 v38, $0.0e+00;
	v22 =	vadd.f32 v37, v22  }
0x10b: {  	v21 =	vadd.f32 v23, v21;
	v23 =	vmul.f32 v24, v18  }
0x10c: {  	v22 =	vmax.f32 v22, $0.0e+00  }
0x10d: {  	v22 =	vmul.f32 v22, v19;
	v21 =	vadd.f32 v23, v21;
	_ =	sdelay $0x1  }
0x10e: {  	v21 =	vadd.f32 v22, v21;
	_ =	sdelay $0x1  }
0x10f: {  	[tilespmem:$0x4200] =	vst v21  }
0x110: {  	v21 =	vld [tilespmem:s28+$0x400]  }
0x111: {  	v22 =	vld [tilespmem:s28+$0x2400]  }
0x112: {  	v23 =	vld [tilespmem:s28+$0x410]  }
0x113: {  	v39 =	vld [tilespmem:s28+$0x2410]  }
0x114: {  	v40 =	vld [tilespmem:s28+$0x420]  }
0x115: {  	v41 =	vld [tilespmem:s28+$0x2420]  }
0x116: {  	v42 =	vld [tilespmem:s28+$0x2430];
	v21 =	vadd.f32 v22, v21  }
0x117: {  	v22 =	vld [tilespmem:s28+$0x430]  }
0x118: {  	v23 =	vadd.f32 v39, v23;
	v21 =	vmax.f32 v21, $0.0e+00  }
0x119: {  	v21 =	vmul.f32 v21, v16  }
0x11a: {  	v43 =	vadd.f32 v41, v40;
	v23 =	vmax.f32 v23, $0.0e+00  }
0x11b: {  	v23 =	vmul.f32 v23, v17;
	v21 =	vadd.f32 $0.0e+00, v21  }
0x11c: {  	v24 =	vmax.f32 v43, $0.0e+00;
	v22 =	vadd.f32 v42, v22  }
0x11d: {  	v21 =	vadd.f32 v23, v21;
	v23 =	vmul.f32 v24, v18  }
0x11e: {  	v22 =	vmax.f32 v22, $0.0e+00  }
0x11f: {  	v22 =	vmul.f32 v22, v19;
	v21 =	vadd.f32 v23, v21;
	_ =	sdelay $0x1  }
0x120: {  	v21 =	vadd.f32 v22, v21;
	_ =	sdelay $0x1  }
0x121: {  	[tilespmem:$0x4210] =	vst v21  }
0x122: {  	v21 =	vld [tilespmem:s28+$0x440]  }
0x123: {  	v22 =	vld [tilespmem:s28+$0x2440]  }
0x124: {  	v23 =	vld [tilespmem:s28+$0x450]  }
0x125: {  	v44 =	vld [tilespmem:s28+$0x2450]  }
0x126: {  	v45 =	vld [tilespmem:s28+$0x460]  }
0x127: {  	v46 =	vld [tilespmem:s28+$0x2460]  }
0x128: {  	v47 =	vld [tilespmem:s28+$0x2470];
	v21 =	vadd.f32 v22, v21  }
0x129: {  	v22 =	vld [tilespmem:s28+$0x470]  }
0x12a: {  	v23 =	vadd.f32 v44, v23;
	v21 =	vmax.f32 v21, $0.0e+00  }
0x12b: {  	v21 =	vmul.f32 v21, v16  }
0x12c: {  	v48 =	vadd.f32 v46, v45;
	v23 =	vmax.f32 v23, $0.0e+00  }
0x12d: {  	v23 =	vmul.f32 v23, v17;
	v21 =	vadd.f32 $0.0e+00, v21  }
0x12e: {  	v24 =	vmax.f32 v48, $0.0e+00;
	v22 =	vadd.f32 v47, v22  }
0x12f: {  	v21 =	vadd.f32 v23, v21;
	v23 =	vmul.f32 v24, v18  }
0x130: {  	v22 =	vmax.f32 v22, $0.0e+00  }
0x131: {  	v22 =	vmul.f32 v22, v19;
	v21 =	vadd.f32 v23, v21;
	_ =	sdelay $0x1  }
0x132: {  	v21 =	vadd.f32 v22, v21;
	_ =	sdelay $0x1  }
0x133: {  	[tilespmem:$0x4220] =	vst v21  }
0x134: {  	v21 =	vld [tilespmem:s28+$0x480]  }
0x135: {  	v22 =	vld [tilespmem:s28+$0x2480]  }
0x136: {  	v23 =	vld [tilespmem:s28+$0x490]  }
0x137: {  	v49 =	vld [tilespmem:s28+$0x2490]  }
0x138: {  	v50 =	vld [tilespmem:s28+$0x4A0]  }
0x139: {  	v51 =	vld [tilespmem:s28+$0x24A0]  }
0x13a: {  	v52 =	vld [tilespmem:s28+$0x24B0];
	v21 =	vadd.f32 v22, v21  }
0x13b: {  	v22 =	vld [tilespmem:s28+$0x4B0]  }
0x13c: {  	v23 =	vadd.f32 v49, v23;
	v21 =	vmax.f32 v21, $0.0e+00  }
0x13d: {  	v21 =	vmul.f32 v21, v16  }
0x13e: {  	v53 =	vadd.f32 v51, v50;
	v23 =	vmax.f32 v23, $0.0e+00  }
0x13f: {  	v23 =	vmul.f32 v23, v17;
	v21 =	vadd.f32 $0.0e+00, v21  }
0x140: {  	v24 =	vmax.f32 v53, $0.0e+00;
	v22 =	vadd.f32 v52, v22  }
0x141: {  	v21 =	vadd.f32 v23, v21;
	v23 =	vmul.f32 v24, v18  }
0x142: {  	v22 =	vmax.f32 v22, $0.0e+00  }
0x143: {  	v22 =	vmul.f32 v22, v19;
	v21 =	vadd.f32 v23, v21;
	_ =	sdelay $0x1  }
0x144: {  	v21 =	vadd.f32 v22, v21;
	_ =	sdelay $0x1  }
0x145: {  	[tilespmem:$0x4230] =	vst v21  }
0x146: {  	v21 =	vld [tilespmem:s28+$0x4C0]  }
0x147: {  	v22 =	vld [tilespmem:s28+$0x24C0]  }
0x148: {  	v23 =	vld [tilespmem:s28+$0x4D0]  }
0x149: {  	v54 =	vld [tilespmem:s28+$0x24D0]  }
0x14a: {  	v55 =	vld [tilespmem:s28+$0x4E0]  }
0x14b: {  	v56 =	vld [tilespmem:s28+$0x24E0]  }
0x14c: {  	v57 =	vld [tilespmem:s28+$0x24F0];
	v21 =	vadd.f32 v22, v21  }
0x14d: {  	v22 =	vld [tilespmem:s28+$0x4F0]  }
0x14e: {  	v23 =	vadd.f32 v54, v23;
	v21 =	vmax.f32 v21, $0.0e+00  }
0x14f: {  	v21 =	vmul.f32 v21, v16  }
0x150: {  	v58 =	vadd.f32 v56, v55;
	v23 =	vmax.f32 v23, $0.0e+00  }
0x151: {  	v23 =	vmul.f32 v23, v17;
	v21 =	vadd.f32 $0.0e+00, v21  }
0x152: {  	v24 =	vmax.f32 v58, $0.0e+00;
	v22 =	vadd.f32 v57, v22  }
0x153: {  	v21 =	vadd.f32 v23, v21;
	v23 =	vmul.f32 v24, v18  }
0x154: {  	v22 =	vmax.f32 v22, $0.0e+00  }
0x155: {  	v22 =	vmul.f32 v22, v19;
	v21 =	vadd.f32 v23, v21;
	_ =	sdelay $0x1  }
0x156: {  	v21 =	vadd.f32 v22, v21;
	_ =	sdelay $0x1  }
0x157: {  	[tilespmem:$0x4240] =	vst v21  }
0x158: {  	v21 =	vld.idx.msk [tilespmem:v0+s20+$0x0], $0xffff;
	_ =	sdelay $0x1  }
0x159: {  	v22 =	vld.idx.msk [tilespmem:v1+s20+$0x0], $0xffff;
	_ =	sdelay $0x1  }
0x15a: {  	v23 =	vld.idx.msk [tilespmem:v2+s20+$0x0], $0xffff  }
0x15b: {  	v21 =	vadd.f32 v21, v20  }
0x15c: {  	v59 =	vld.idx.msk [tilespmem:v3+s20+$0x0], $0xffff  }
0x15d: {  	v21 =	vadd.f32 v22, v21  }
0x15e: {  	v22 =	vld.idx.msk [tilespmem:v4+s20+$0x0], $0xffff  }
0x15f: {  	v21 =	vadd.f32 v23, v21  }
0x160: {  	v23 =	vld.idx.msk [tilespmem:v5+s20+$0x0], $0xffff  }
0x161: {  	v21 =	vadd.f32 v59, v21  }
0x162: {  	v60 =	vld.idx.msk [tilespmem:v6+s20+$0x0], $0xffff  }
0x163: {  	v21 =	vadd.f32 v22, v21  }
0x164: {  	v22 =	vld.idx.msk [tilespmem:v7+s20+$0x0], $0xffff  }
0x165: {  	v21 =	vadd.f32 v23, v21  }
0x166: {  	v23 =	vld.idx.msk [tilespmem:v8+s20+$0x0], $0xffff  }
0x167: {  	v21 =	vadd.f32 v60, v21  }
0x168: {  	v61 =	vld.idx.msk [tilespmem:v9+s20+$0x0], $0xffff  }
0x169: {  	v21 =	vadd.f32 v22, v21  }
0x16a: {  	v22 =	vld.idx.msk [tilespmem:v10+s20+$0x0], $0xffff  }
0x16b: {  	v21 =	vadd.f32 v23, v21  }
0x16c: {  	v23 =	vld.idx.msk [tilespmem:v11+s20+$0x0], $0xffff  }
0x16d: {  	v21 =	vadd.f32 v61, v21  }
0x16e: {  	v62 =	vld.idx.msk [tilespmem:v12+s20+$0x0], $0xffff  }
0x16f: {  	v21 =	vadd.f32 v22, v21  }
0x170: {  	v22 =	vld.idx.msk [tilespmem:v13+s20+$0x0], $0xffff  }
0x171: {  	v21 =	vadd.f32 v23, v21  }
0x172: {  	v23 =	vld.idx.msk [tilespmem:v14+s20+$0x0], $0xffff  }
0x173: {  	v21 =	vadd.f32 v62, v21  }
0x174: {  	v63 =	vld.idx.msk [tilespmem:v15+s20+$0x0], $0xffff  }
0x175: {  	v21 =	vadd.f32 v22, v21;
	_ =	sdelay $0x1  }
0x176: {  	v21 =	vadd.f32 v23, v21;
	_ =	sdelay $0x1  }
0x177: {  	v21 =	vadd.f32 v63, v21;
	_ =	sdelay $0x1  }
0x178: {  	v21 =	vsub.f32 $0.0e+00, v21;
	_ =	sdelay $0x1  }
0x179: {  	v21 =	vmul.f32 $1.442695020e+00, v21;
	_ =	sdelay $0x1  }
0x17a: {  	(erf) = vpow2.f32 v21;
	_ =	sdelay $0x8  }
0x17b: {  	v21 =	vpop (erf)  }
0x17c: {  	v21 =	vadd.f32 $1.000000000e+00, v21;
	_ =	sdelay $0x1  }
0x17d: {  	(erf) = vrcp.f32 v21;
	_ =	sdelay $0x4  }
0x17e: {  	p0 =	sne.s32 s25, $0x7000  }
.Ltmp5:
0x17f: {  	_ = 	snop;
	(pc) =	sbr.rel @p0 .LBB2_4-.Ltmp5, $3  }
0x180: {  	_ =	sdelay $0x1  }
0x181: {  	v21 =	vpop (erf)  }
0x182: {  	s25 =	sadd.s32 $0x1000, s25;
	[tilespmem:s26+$0x0] =	vst v21;
	s26 =	sadd.s32 $0x10, s26  }
.Ltmp6:
0x183: {  	s24 =	sadd.s32 s9, s24;
	(pc) =	sbr.rel .LBB2_6-.Ltmp6, $4  }
0x184: {  	[hbm4b:s24+s3] =	stream.linear.scatter [tilespmem:s21], [sflag:$0x3], $0x80, $0x38;
	[tilespmem:$0x42D0] =	vst v63  }
0x185: {  	_ =	swait.ge [sflag:s13], $0x80  }
0x186: {  	[sflag:s13] =	ssyncset.done $0x0  }
0x187: {  	[sflag:s13] =	ssyncadd.s32 $0xFFFFFF80  }
.LBB2_8:
0x188: {  	_ =	sfence.sel $0x180000  }
0x189: {  	[bflag:$0x0] =	sbarrier.arrive $0xFFFF  }
0x18a: {  	p0 =	sne.s32 s6, $0x0;
	_ =	strace $0x90000047  }
0x18b: {  	s0 =	sadd.s32 @!p0 $0x100000, s0;
	[bflag:$0x2] =	sbarrier.arrive $0xFFFF  }
0x18c: {  	[sflag:s0] =	ssyncadd.tile.s32 @!p0 $0x1;
	_ =	shalt  }
.Lfunc_end2:
_tile_overlayer_lowered:
.L_overlay_start_2:
0x18d: {  	(tag) =	ssettag $0x2  }
0x18e: {  	s0 =	rddreg [dreg:$0x0];
	s2 =	stileid.u32  }
0x18f: {  	s1 =	rddreg [dreg:$0x1];
	p0 =	sne.s32 s2, $0x0  }
0x190: {  	s3 =	rddreg [dreg:$0x2];
	[bflag:$0x3] =	sbarrier.arrive $0xFFFF;
	s2 =	simm.s32 @!p0 $0x1C03  }
0x191: {  	[timem:s3], [sflag:s2] =	dma.local @!p0 [hbm:s0], s1  }
0x192: {  	s0 =	simm.s32 @!p0 $0x3  }
0x193: {  	_ =	swait.ge @!p0 [sflag:s0], s1  }
0x194: {  	s1 =	ssub.s32 @!p0 $0x0, s1;
	[sflag:s0] =	ssyncset.done @!p0 $0x0  }
0x195: {  	[sflag:s0] =	ssyncadd.s32 @!p0 s1  }
0x196: {  	[bflag:$0x3] =	sbarrier.arrive $0xFFFF  }
0x197: {  	_ =	shalt  }

// kernel: scatter_offload_async_start
scs
__scs_entry_jumppad:
0x0: {  	(pc) =	sbr.rel $0x88, $3  }
0x1: {  	(tag) =	ssettag $0x0;
	lr =	simm.s32 $0x1  }
0x2: {  	[smem:$0x3F9A] =	sst lr;
	_ =	strace $0xD0000000  }
0x3: {  	_ = 	snop  }
0x4: {  	_ = 	snop  }
0x5: {  	_ = 	snop  }
0x6: {  	_ = 	snop  }
0x7: {  	_ = 	snop  }
__scs_overlays_trampoline_lowered:
0x8: {  	[smem:$0x3FA9] =	sst s0  }
0x9: {  	[smem:$0x3FAA] =	sst s1  }
0xa: {  	[smem:$0x3FAB] =	sst s2  }
0xb: {  	[smem:$0x3FAC] =	sst s3  }
0xc: {  	[smem:$0x3FAD] =	sst s4  }
0xd: {  	[smem:$0x3FAE] =	sst s5  }
0xe: {  	[smem:$0x3FAF] =	sst s6  }
0xf: {  	[smem:$0x3FB0] =	sst s7  }
0x10: {  	[smem:$0x3FB1] =	sst s8  }
0x11: {  	[smem:$0x3FB2] =	sst s9;
	s0 =	simm.s32 @!p0 $0x0  }
0x12: {  	s1 =	sld [smem:$0x3F98];
	s0 =	simm.s32 @p0 $0x1  }
0x13: {  	[smem:$0x3FB3] =	sst s0;
	s0 =	simm.s32 @!p1 $0x0  }
0x14: {  	s2 =	sld [smem:$0x3F97];
	s0 =	simm.s32 @p1 $0x1  }
0x15: {  	[smem:$0x3FB4] =	sst s0;
	s0 =	simm.s32 @!p2 $0x0  }
0x16: {  	s3 =	sld [smem:$0x3FDB];
	s0 =	simm.s32 @p2 $0x1  }
0x17: {  	s4 =	simm.s32 $0x1BF5;
	[smem:$0x3FB6] =	sst s0  }
0x18: {  	s0 =	sld [smem:$0x3F99];
	_ =	swait.ge [sflag:s4], $0x0  }
0x19: {  	s7 =	sld [smem:$0x3F9A]  }
0x1a: {  	s8 =	sadd.s32 $0xFFFFE003, lr  }
0x1b: {  	s9 =	sadd.s32 $0xFFFFFEF7, lr;
	s5 =	simm.s32 $0xFFFFFFFF;
	p2 =	slt.u32 s8, $0xFFFFF086  }
0x1c: {  	p1 =	slt.u32 s9, $0xF7A;
	s5 =	simm.s32 @!p2 $0x0  }
0x1d: {  	s5 =	simm.s32 @p1 $0x1;
	p0 =	seq.s32 s7, s2  }
0x1e: {  	s7 =	smul.u32 @!p0 $0xF7A, s2;
	p2 =	seq.s32 @!p0 s5, $0x0  }
0x1f: {  	s9 =	smul.u32 $0xF7A, s1;
	s8 =	simm.s32 @!p0 $0x1BF5;
	p2 =	por !p2, p0  }
0x20: {  	[sflag:s8] =	ssyncset.s32 @!p0 $0xFFFFF086;
	s6 =	sadd.s32 @!p0 s3, s7;
	s7 =	simm.s32 @!p0 $0x108  }
0x21: {  	s3 =	sadd.s32 s3, s9;
	s6 =	sadd.s32 @!p0 $0x88, s6;
	s7 =	simm.s32 @p2 $0x1082  }
0x22: {  	[simem:s7], [sflag:s8] =	dma.local @!p0 [hbm:s6], $0xF7A  }
0x23: {  	s9 =	sor.u32 $0xD0000000, s2;
	s6 =	simm.s32 $0x108;
	_ =	swait.ge @!p0 [sflag:s8], $0x0  }
0x24: {  	s3 =	sadd.s32 $0x88, s3;
	s6 =	simm.s32 @!p1 $0x1082;
	[sflag:s4] =	ssyncset.s32 $0xFFFFF086  }
0x25: {  	[simem:s6], [sflag:s4] =	dma.local [hbm:s3], $0xF7A  }
0x26: {  	[smem:$0x3F9A] =	sst s1;
	(tag) =	ssettag s2;
	_ =	strace s9  }
0x27: {  	s1 =	sld [smem:$0x3FAA]  }
0x28: {  	s2 =	sld [smem:$0x3FAB]  }
0x29: {  	s4 =	sld [smem:$0x3FAD]  }
0x2a: {  	p0 =	seq.s32 s5, $0x0;
	s5 =	sld [smem:$0x3FAE]  }
0x2b: {  	s6 =	sld [smem:$0x3FAF]  }
0x2c: {  	s7 =	sld [smem:$0x3FB0]  }
0x2d: {  	s3 =	simm.s32 $0x108;
	s8 =	sld [smem:$0x3FB1]  }
0x2e: {  	s3 =	simm.s32 @!p0 $0x1082;
	s9 =	sld [smem:$0x3FB2]  }
0x2f: {  	lr =	sadd.s32 s0, s3;
	s0 =	sld [smem:$0x3FA9]  }
0x30: {  	s3 =	sld [smem:$0x3FAC]  }
0x31: {  	[smem:$0x3FB5] =	sst s10  }
0x32: {  	s10 =	sld [smem:$0x3FB3];
	_ =	sdelay $0x3  }
0x33: {  	p0 =	seq.s32 s10, $0x1;
	s10 =	sld [smem:$0x3FB5];
	_ =	sdelay $0x3  }
0x34: {  	[smem:$0x3FB5] =	sst s10  }
0x35: {  	s10 =	sld [smem:$0x3FB4];
	_ =	sdelay $0x3  }
0x36: {  	p1 =	seq.s32 s10, $0x1;
	s10 =	sld [smem:$0x3FB5];
	_ =	sdelay $0x3  }
0x37: {  	[smem:$0x3FB5] =	sst s10  }
0x38: {  	s10 =	sld [smem:$0x3FB6]  }
0x39: {  	_ = 	snop;
	(pc) =	sbr.ind lr, $3  }
0x3a: {  	_ = 	snop  }
0x3b: {  	_ = 	snop  }
0x3c: {  	p2 =	seq.s32 s10, $0x1;
	s10 =	sld [smem:$0x3FB5]  }
0x3d: {  	_ =	shalt  }
0x3e: {  	_ =	shalt  }
0x3f: {  	_ =	shalt  }
0x40: {  	_ =	shalt  }
0x41: {  	_ =	shalt  }
0x42: {  	_ =	shalt  }
0x43: {  	_ =	shalt  }
0x44: {  	_ =	shalt  }
0x45: {  	_ =	shalt  }
0x46: {  	_ =	shalt  }
0x47: {  	_ =	shalt  }
0x48: {  	_ =	shalt  }
0x49: {  	_ =	shalt  }
0x4a: {  	_ =	shalt  }
0x4b: {  	_ =	shalt  }
0x4c: {  	_ =	shalt  }
0x4d: {  	_ =	shalt  }
0x4e: {  	_ =	shalt  }
0x4f: {  	_ =	shalt  }
0x50: {  	_ =	shalt  }
0x51: {  	_ =	shalt  }
0x52: {  	_ =	shalt  }
0x53: {  	_ =	shalt  }
0x54: {  	_ =	shalt  }
0x55: {  	_ =	shalt  }
0x56: {  	_ =	shalt  }
0x57: {  	_ =	shalt  }
0x58: {  	_ =	shalt  }
0x59: {  	_ =	shalt  }
0x5a: {  	_ =	shalt  }
0x5b: {  	_ =	shalt  }
0x5c: {  	_ =	shalt  }
0x5d: {  	_ =	shalt  }
0x5e: {  	_ =	shalt  }
0x5f: {  	_ =	shalt  }
0x60: {  	_ =	shalt  }
0x61: {  	_ =	shalt  }
0x62: {  	_ =	shalt  }
0x63: {  	_ =	shalt  }
0x64: {  	_ =	shalt  }
0x65: {  	_ =	shalt  }
0x66: {  	_ =	shalt  }
0x67: {  	_ =	shalt  }
0x68: {  	_ =	shalt  }
0x69: {  	_ =	shalt  }
0x6a: {  	_ =	shalt  }
0x6b: {  	_ =	shalt  }
0x6c: {  	_ =	shalt  }
0x6d: {  	_ =	shalt  }
0x6e: {  	_ =	shalt  }
0x6f: {  	_ =	shalt  }
0x70: {  	_ =	shalt  }
0x71: {  	_ =	shalt  }
0x72: {  	_ =	shalt  }
0x73: {  	_ =	shalt  }
0x74: {  	_ =	shalt  }
0x75: {  	_ =	shalt  }
0x76: {  	_ =	shalt  }
0x77: {  	_ =	shalt  }
0x78: {  	_ =	shalt  }
0x79: {  	_ =	shalt  }
0x7a: {  	_ =	shalt  }
0x7b: {  	_ =	shalt  }
0x7c: {  	_ =	shalt  }
0x7d: {  	_ =	shalt  }
0x7e: {  	_ =	shalt  }
0x7f: {  	_ =	shalt  }
0x80: {  	_ =	shalt  }
0x81: {  	_ =	shalt  }
0x82: {  	_ =	shalt  }
0x83: {  	_ =	shalt  }
0x84: {  	_ =	shalt  }
0x85: {  	_ =	shalt  }
0x86: {  	_ =	shalt  }
0x87: {  	_ =	shalt  }
.Lfunc_end0:
.L_simem_size_0:
called_computation_lowered:
.L_overlay_start_0:
0x88: {  	s0 =	sld [smem:$0x3FD9]  }
0x89: {  	s1 =	sld [smem:$0x3FFE];
	_ =	sdelay $0x3  }
0x8a: {  	s0 =	sadd.s32 s1, s0  }
0x8b: {  	[smem:$0x3FC1] =	sst s0  }
0x8c: {  	_ = 	snop  }
0x8d: {  	s0 =	sld [smem:$0x3FD0];
	_ =	sdelay $0x2  }
0x8e: {  	s13 =	simm.s32 $0xB;
	s2 =	simm.s32 $0x10  }
0x8f: {  	[smem:s2], [sflag:s13] =	dma.local [hbm:s0], $0x1  }
0x90: {  	_ =	swait.eq [sflag:s13], $0x1  }
0x91: {  	[sflag:s13] =	ssyncset.done $0x0  }
0x92: {  	[sflag:s13] =	ssyncadd.s32 $0xFFFFFFFF  }
0x93: {  	s14 =	sld [smem:$0x10];
	(tm) =	ssettm $0x1  }
0x94: {  	s15 =	sld [smem:$0x3FFB];
	_ =	sdelay $0x3  }
0x95: {  	_ =	strace s15  }
0x96: {  	s1 =	sld [smem:$0x3FFC];
	_ =	sdelay $0x3  }
0x97: {  	_ =	strace s1  }
0x98: {  	s1 =	sld [smem:$0x3FFD];
	_ =	sdelay $0x3  }
0x99: {  	_ =	strace s1  }
0x9a: {  	_ =	strace $0x8FFFFFFF  }
0x9b: {  	s16 =	sld [smem:$0x3FDB];
	_ =	sdelay $0x1  }
0x9c: {  	s17 =	simm.s32 $_scs_section_size  }
0x9d: {  	s3 =	simm.s32 $_size__tile_overlayer_lowered;
	s4 =	simm.s32 $_tile_overlayer_lowered  }
0x9e: {  	s20 =	simm.s32 $0x1BFF;
	s19 =	sshll.u32 s4, $0x1;
	s1 =	sadd.s32 s17, s16  }
0x9f: {  	s5 =	simm.s32 $0x0;
	s18 =	sshll.u32 s3, $0x1;
	s3 =	sadd.s32 s19, s1  }
0xa0: {  	[timem:s5], [sflag:s20] =	dma.local [hbm:s3], s18  }
0xa1: {  	_ =	swait.ge [sflag:s20], s18  }
0xa2: {  	s2 =	ssub.s32 $0x0, s18;
	[sflag:s20] =	ssyncset.done $0x0  }
0xa3: {  	[sflag:s20] =	ssyncadd.s32 s2;
	_ =	sdelay $0x1  }
0xa4: {  	s21 =	simm.s32 $0x1B8B  }
0xa5: {  	_ =	swait.ge [sflag:s21], $0x1  }
0xa6: {  	[sflag:s21] =	ssyncset.done $0x0  }
0xa7: {  	s23 =	simm.s32 $0x1B8E;
	s22 =	sld [smem:$0x3FFE];
	[sflag:s21] =	ssyncadd.s32 $0xFFFFFFFF  }
0xa8: {  	s24 =	simm.s32 $execute0_lowered;
	[smem:$0x3FD2] =	sst s23  }
0xa9: {  	s3 =	sshll.u32 s24, $0x1;
	_ =	strace $0x80000049;
	[dreg:$0x1] =	wrdreg $0xFFFFFFFF  }
0xaa: {  	s25 =	simm.s32 $_size_execute0_lowered;
	s1 =	sadd.s32 s1, s3;
	[dreg:$0x0] =	wrdreg $0x0  }
0xab: {  	s3 =	sshll.u32 s25, $0x1;
	[dreg:$0x2] =	wrdreg s1  }
0xac: {  	[dreg:$0x3] =	wrdreg s3  }
0xad: {  	[dreg:$0x4] =	wrdreg $0xC0  }
0xae: {  	_ =	task [dreg:s5], $0x5FFFF  }
0xaf: {  	[dreg:$0x1] =	wrdreg $0xFFFFFFFF  }
0xb0: {  	[dreg:$0x0] =	wrdreg $0x60  }
0xb1: {  	[dreg:$0x2] =	wrdreg s22  }
0xb2: {  	[dreg:$0x3] =	wrdreg s14  }
0xb3: {  	[dreg:$0x4] =	wrdreg $0x9  }
0xb4: {  	_ =	task.clear_ibuf [dreg:s5], $0x5FFFF;
	_ =	strace $0x90000049  }
0xb5: {  	s26 =	simm.s32 $0x9;
	_ =	strace $0x8000004B  }
0xb6: {  	_ =	swait.ge [sflag:s26], $0x1  }
0xb7: {  	[sflag:s26] =	ssyncadd.s32 $0xFFFFFFFF  }
0xb8: {  	_ =	strace $0x9000004B  }
0xb9: {  	_ =	sfence  }
0xba: {  	s28 =	sld [smem:$0x0];
	_ =	sdelay $0x1  }
0xbb: {  	s29 =	srdreg.scid  }
0xbc: {  	s30 =	sshll.u32 s29, $0xD;
	s31 =	sshrl.u32 s29, $0x2  }
0xbd: {  	s2 =	sand.u32 $0x4000, s30;
	s1 =	sand.u32 $0x1, s29;
	s0 =	sadd.s32 s31, s28  }
0xbe: {  	s1 =	sor.u32 s2, s1;
	s0 =	sshll.u32 s0, $0x11  }
0xbf: {  	s0 =	sor.u32 s0, s1  }
0xc0: {  	s0 =	sadd.s32 $0x8F2B, s0  }
0xc1: {  	[sflag:s0] =	ssyncadd.remote.s32 $0x1  }
0xc2: {  	_ =	sfence.sel $0xFFFF  }
0xc3: {  	[dreg:$0x0] =	wrdreg $0xFFFFFFFF;
	(pc) =	sbr.abs _section_cstart, $3  }
0xc4: {  	[dreg:$0x1] =	wrdreg $0xFFFFFFFF  }
0xc5: {  	_ =	task.clear_ibuf [dreg:s5], $0x2FFFF;
	_ =	strace $0x9FFFFFFF  }
0xc6: {  	(tm) =	ssettm $0x7FFFFFFF  }
0xc7: {  	_ =	shalt  }
tec
execute0_lowered:
.L_overlay_start_1:
0x0: {  	(tag) =	ssettag $0x1  }
0x1: {  	s7 =	rddreg [dreg:$0x0]  }
0x2: {  	s2 =	rddreg [dreg:$0x1]  }
0x3: {  	s0 =	rddreg [dreg:$0x2];
	_ =	strace $0x8000004A  }
0x4: {  	s4 =	stileid.u32;
	s5 =	simm.s32 $0x3E;
	s1 =	sadd.s32 $0x14000, s7  }
0x5: {  	p0 =	sne.s32 s4, $0x0;
	[sflag:s5] =	ssyncpa.u1 $0x0;
	s29 =	smin.u32 s4, $0x8  }
0x6: {  	s30 =	sshll.u32 s4, $0x1;
	s3 =	simm.s32 @!p0 $0x1C3E;
	s6 =	simm.s32 @!p0 $0x0  }
0x7: {  	[spmem:s6], [sflag:s3] =	dma.local @!p0 [hbm:s1], $0x800  }
0x8: {  	s3 =	sadd.s32 s29, s30  }
0x9: {  	p1 =	slt.u32 s4, $0x8;
	s4 =	simm.s32 $0x5DC0;
	s3 =	smul.u32 $0x1F40, s3  }
0xa: {  	s4 =	simm.s32 @!p1 $0x3E80  }
0xb: {  	s4 =	sadd.s32 s4, s3  }
0xc: {  	s4 =	smin.u32 s4, $0x4E200  }
0xd: {  	s8 =	ssub.s32 s4, s3  }
0xe: {  	p1 =	sgt.s32 s8, $0x0  }
0xf: {  	s8 =	simm.s32 @!p1 $0x0  }
0x10: {  	s6 =	simm.s32 @!p0 $0x3E;
	s31 =	smulhi.u32 $0x10624DD3, s8  }
0x11: {  	_ =	swait.ge @!p0 [sflag:s6], $0x800  }
0x12: {  	[sflag:s6] =	ssyncset.done @!p0 $0x0;
	s9 =	sshrl.u32 s31, $0x9  }
0x13: {  	s11 =	simm.s32 $0x0;
	[sflag:s6] =	ssyncadd.s32 @!p0 $0xFFFFF800;
	s10 =	smul.u32 $0x1F40, s9  }
.Ltmp0:
0x14: {  	s7 =	sadd.s32 $0x14800, s7;
	[bflag:$0x0] =	sbarrier.arrive $0xFFFF;
	(pc) =	sbr.rel .LBB2_1-.Ltmp0, $4  }
0x15: {  	s6 =	simm.s32 $0x2;
	[sflag:s5] =	ssyncpa.u1 $0x1;
	s5 =	simm.s32 $0x1  }
0x16: {  	[sflag:s5] =	ssyncpa.u1 $0x0;
	p1 =	sne.s32 s8, s10;
	s8 =	simm.s32 $0x1  }
0x17: {  	(ifvalue) =	ssetifvalue $0x4000;
	[sflag:s6] =	ssyncpa.u1 $0x0;
	s8 =	simm.s32 @!p1 $0x0  }
0x18: {  	vm0 =	vmmov $0xffff;
	s10 =	smov.u32 s3;
	s8 =	sadd.s32 s8, s9;
	s9 =	simm.s32 $0x0  }
.LBB2_5:
0x19: {  	p2 =	sne.s32 s11, s8  }
.Ltmp1:
0x1a: {  	_ = 	snop;
	(pc) =	sbr.rel @!p2 .LBB2_6-.Ltmp1, $4  }
0x1b: {  	_ = 	snop  }
0x1c: {  	s12 =	sadd.s32 $0x1F40, s10  }
0x1d: {  	s10 =	smov.u32 s3;
	s13 =	sadd.s32 $0x1, s11;
	p1 =	slt.s32 s12, s4  }
0x1e: {  	s11 =	smov.u32 s13;
	s10 =	smov.u32 @p1 s12  }
.LBB2_1:
0x1f: {  	p1 =	sge.u32 s11, s8  }
0x20: {  	s12 =	sxor.u32 @!p1 $0xFFFFFFFF, s11  }
0x21: {  	s12 =	sand.u32 @!p1 $0x1, s12  }
0x22: {  	s12 =	smul.u32 @!p1 $0x1F40, s12  }
0x23: {  	s13 =	sshrl.u32 @!p1 s10, $0x3  }
0x24: {  	s16 =	sand.u32 @!p1 $0x7, s10;
	s14 =	sadd.s32 @!p1 s2, s13;
	s15 =	sadd.s32 @!p1 $0x400, s12  }
0x25: {  	[tilespmem:s15], [sflag:$0x2] =	stream.linear.gather @!p1 [hbm4b:s14+s16], $0x1F40, $0x38;
	[tilespmem:$0x8100] =	vst v63  }
0x26: {  	s13 =	sadd.s32 @!p1 s7, s13;
	s12 =	sadd.s32 @!p1 $0x4280, s12  }
0x27: {  	[tilespmem:s12], [sflag:$0x2] =	stream.linear.gather @!p1 [hbm4b:s13+s16], $0x1F40, $0x38;
	[tilespmem:$0x8100] =	vst v63  }
0x28: {  	p1 =	seq.s32 s11, $0x0  }
.Ltmp2:
0x29: {  	_ = 	snop;
	(pc) =	sbr.rel @p1 .LBB2_5-.Ltmp2, $1  }
0x2a: {  	_ =	sdelay $0x3  }
0x2b: {  	s12 =	sand.u32 $0x1, s11  }
0x2c: {  	_ =	swait.ge [sflag:s6], $0x3E80;
	p1 =	seq.s32 s12, $0x1;
	s12 =	simm.s32 $0x1F40  }
0x2d: {  	[sflag:s6] =	ssyncset.done $0x0;
	s12 =	simm.s32 @!p1 $0x0  }
0x2e: {  	[sflag:s6] =	ssyncadd.s32 $0xFFFFC180;
	s14 =	sadd.s32 $0x400, s12  }
0x2f: {  	v0 =	vld.msk [tilespmem:s14+$0x0 ss:$0x1], $0xffff;
	_ =	sdelay $0x4  }
0x30: {  	v0 =	vmin.u32 v0, $0x4000;
	_ =	sdelay $0x3  }
0x31: {  	s13 =	simm.s32 $0x0;
	s12 =	sadd.s32 $0x4280, s12;
	s14 =	sadd.s32 $0x10, s14  }
0x32: {  	[spmem:s9] =	stream.indirect_vreg.scatter.add.s32 [tilespmem:s12], [sflag:$0x1], $0x1, v0, vm0, $0x4038;
	[tilespmem:$0x8100] =	vst v63  }
.LBB2_3:
0x33: {  	v0 =	vld.msk [tilespmem:s14+$0x0 ss:$0x1], $0xffff;
	s13 =	sadd.s32 $0x10, s13  }
0x34: {  	p1 =	slt.u32 s13, $0x1F30;
	_ =	sdelay $0x4  }
0x35: {  	v0 =	vmin.u32 v0, $0x4000  }
.Ltmp3:
0x36: {  	(pc) =	sbr.rel @p1 .LBB2_3-.Ltmp3, $3  }
0x37: {  	_ =	sdelay $0x1  }
0x38: {  	s14 =	sadd.s32 $0x10, s14;
	s12 =	sadd.s32 $0x10, s12  }
0x39: {  	[spmem:s9] =	stream.indirect_vreg.scatter.add.s32 [tilespmem:s12], [sflag:$0x1], $0x1, v0, vm0, $0x4038;
	[tilespmem:$0x8100] =	vst v63  }
.Ltmp4:
0x3a: {  	(pc) =	sbr.rel .LBB2_5-.Ltmp4, $4  }
0x3b: {  	_ = 	snop  }
0x3c: {  	_ =	swait.ge [sflag:s5], $0x1F40  }
0x3d: {  	[sflag:s5] =	ssyncset.done $0x0  }
0x3e: {  	[sflag:s5] =	ssyncadd.s32 $0xFFFFE0C0  }
.LBB2_6:
0x3f: {  	_ =	sfence.sel $0x180000  }
0x40: {  	s2 =	simm.s32 $0x2;
	[bflag:$0x0] =	sbarrier.arrive $0xFFFF  }
0x41: {  	s30 =	simm.s32 $0x1;
	[sflag:s2] =	ssyncpa.u1 $0x1  }
0x42: {  	[sflag:s30] =	ssyncpa.u1 $0x1  }
0x43: {  	_ =	sfence.stream.spmem  }
0x44: {  	s31 =	simm.s32 $0x3D;
	[bflag:$0x0] =	sbarrier.arrive $0xFFFF  }
0x45: {  	s2 =	simm.s32 @p0 $0x3D;
	[sflag:s31] =	ssyncpa.u1 $0x0  }
0x46: {  	[sflag:s2] =	ssyncpa.u1 @p0 $0x1  }
0x47: {  	[bflag:$0x0] =	sbarrier.arrive @p0 $0xFFFF  }
0x48: {  	_ =	strace @p0 $0x9000004A  }
0x49: {  	s3 =	simm.s32 @!p0 $0x1C3D;
	s2 =	simm.s32 @!p0 $0x0;
	[bflag:$0x2] =	sbarrier.arrive @p0 $0xFFFF  }
0x4a: {  	[hbm:s1], [sflag:s3] =	dma.local @!p0 [spmem:s2], $0x800  }
0x4b: {  	s1 =	simm.s32 @!p0 $0x3D  }
0x4c: {  	_ =	swait.ge @!p0 [sflag:s1], $0x800  }
0x4d: {  	[sflag:s1] =	ssyncset.done @!p0 $0x0  }
0x4e: {  	[sflag:s1] =	ssyncadd.s32 @!p0 $0xFFFFF800  }
0x4f: {  	[sflag:s1] =	ssyncpa.u1 @!p0 $0x1  }
0x50: {  	[bflag:$0x0] =	sbarrier.arrive @!p0 $0xFFFF  }
0x51: {  	_ =	strace @!p0 $0x9000004A  }
0x52: {  	s0 =	sadd.s32 @!p0 $0x100000, s0;
	[bflag:$0x2] =	sbarrier.arrive @!p0 $0xFFFF  }
0x53: {  	[sflag:s0] =	ssyncadd.tile.s32 @!p0 $0x1;
	_ =	shalt  }
.Lfunc_end2:
_tile_overlayer_lowered:
.L_overlay_start_2:
0x54: {  	(tag) =	ssettag $0x2  }
0x55: {  	s0 =	rddreg [dreg:$0x0];
	s2 =	stileid.u32  }
0x56: {  	s1 =	rddreg [dreg:$0x1];
	p0 =	sne.s32 s2, $0x0  }
0x57: {  	s3 =	rddreg [dreg:$0x2];
	[bflag:$0x3] =	sbarrier.arrive $0xFFFF;
	s2 =	simm.s32 @!p0 $0x1C01  }
0x58: {  	[timem:s3], [sflag:s2] =	dma.local @!p0 [hbm:s0], s1  }
0x59: {  	s0 =	simm.s32 @!p0 $0x1  }
0x5a: {  	_ =	swait.ge @!p0 [sflag:s0], s1  }
0x5b: {  	s1 =	ssub.s32 @!p0 $0x0, s1;
	[sflag:s0] =	ssyncset.done @!p0 $0x0  }
0x5c: {  	[sflag:s0] =	ssyncadd.s32 @!p0 s1  }
0x5d: {  	[bflag:$0x3] =	sbarrier.arrive $0xFFFF  }
0x5e: {  	_ =	shalt  }

</sc_bundles>
